<compile_context>
chip_gen: v7x
topology: tpu7x:2x2x1
jax: 0.10.2.dev20260603
libtpu: 0.0.44.dev20260713+nightly
codegen_flags: <defaults>
</compile_context>

<pallas_src>
import dataclasses
import functools

import jax
import jax.numpy as jnp
from jax import lax
from jax.experimental import pallas as pl
from jax.experimental.pallas import tpu as pltpu
from jax.experimental.pallas import tpu_sc as plsc

N = 10000
E = 160000
EP = 160256
NW = 32
EPW = EP // NW
NPT = 320
NPAD = NW * NPT
CL = 5008
CL3 = 3 * CL
NCH = EP // CL

_MESH = plsc.VectorSubcoreMesh(core_axis_name="c", subcore_axis_name="s")

_SC_PARAMS = pltpu.CompilerParams()
if "needs_layout_passes" in pltpu.CompilerParams.__dataclass_fields__:
    _SC_PARAMS = dataclasses.replace(_SC_PARAMS, needs_layout_passes=False)


def _wid():
    return lax.axis_index("s") * 2 + lax.axis_index("c")


def _deg_partials(col, ew):

    @functools.partial(
        pl.kernel,
        out_type=jax.ShapeDtypeStruct((NW * N,), jnp.float32),
        mesh=_MESH,
        compiler_params=_SC_PARAMS,
        scratch_types=[
            pltpu.VMEM((EPW + 16,), jnp.int32),
            pltpu.VMEM((EPW + 16,), jnp.float32),
            pltpu.VMEM((N,), jnp.float32),
        ],
    )
    def k(col_hbm, ew_hbm, out_hbm, colv, eww, hist):
        w = _wid()
        base = w * EPW
        pltpu.sync_copy(col_hbm.at[pl.ds(base, EPW)], colv.at[pl.ds(0, EPW)])
        pltpu.sync_copy(ew_hbm.at[pl.ds(base, EPW)], eww.at[pl.ds(0, EPW)])

        @pl.loop(0, N // 16)
        def _(i):
            hist[pl.ds(i * 16, 16)] = jnp.zeros((16,), jnp.float32)

        lane0 = lax.iota(jnp.int32, 16) == 0

        @pl.loop(0, EPW)
        def _(e):
            plsc.addupdate_scatter(hist, [colv[pl.ds(e, 16)]],
                                   eww[pl.ds(e, 16)], mask=lane0)

        pltpu.sync_copy(hist, out_hbm.at[pl.ds(w * N, N)])

    return k(col, ew)


def _norm_kernel(row, col, ew, dinv):

    @functools.partial(
        pl.kernel,
        out_type=jax.ShapeDtypeStruct((EP,), jnp.float32),
        mesh=_MESH,
        compiler_params=_SC_PARAMS,
        scratch_types=[
            pltpu.VMEM((EPW,), jnp.int32),
            pltpu.VMEM((EPW,), jnp.int32),
            pltpu.VMEM((EPW,), jnp.float32),
            pltpu.VMEM((EPW,), jnp.float32),
            pltpu.VMEM((N,), jnp.float32),
        ],
    )
    def k(row_hbm, col_hbm, ew_hbm, dinv_hbm, out_hbm, rv, cv, wv, nv, dv):
        w = _wid()
        base = w * EPW
        pltpu.sync_copy(row_hbm.at[pl.ds(base, EPW)], rv)
        pltpu.sync_copy(col_hbm.at[pl.ds(base, EPW)], cv)
        pltpu.sync_copy(ew_hbm.at[pl.ds(base, EPW)], wv)
        pltpu.sync_copy(dinv_hbm, dv)

        @pl.loop(0, EPW // 16)
        def _(g):
            sl = pl.ds(g * 16, 16)
            dr = plsc.load_gather(dv, [rv[sl]])
            dc = plsc.load_gather(dv, [cv[sl]])
            nv[sl] = dr * wv[sl] * dc

        pltpu.sync_copy(nv, out_hbm.at[pl.ds(base, EPW)])

    return k(row, col, ew, dinv)


def _agg_kernel(xw, row, col, nrm, d, d_tab, g_rows):

    @functools.partial(
        pl.kernel,
        out_type=jax.ShapeDtypeStruct((NPAD * d,), jnp.float32),
        mesh=_MESH,
        compiler_params=_SC_PARAMS,
        scratch_types=[
            pltpu.VMEM((CL,), jnp.int32),
            pltpu.VMEM((CL,), jnp.int32),
            pltpu.VMEM((CL,), jnp.float32),
            pltpu.VMEM((CL,), jnp.int32),
            pltpu.VMEM((CL + 16,), jnp.int32),
            pltpu.VMEM((CL + 16,), jnp.float32),
            pltpu.VMEM((g_rows, d_tab), jnp.float32),
            pltpu.VMEM((NPT * d,), jnp.float32),
        ],
    )
    def k(xw_hbm, row_hbm, col_hbm, nrm_hbm, out_hbm, rs, cs, ns, rb, lb, nb, gb, acc):
        w = _wid()
        nbase = w * NPT

        @pl.loop(0, NPT * d // 16)
        def _(i):
            acc[pl.ds(i * 16, 16)] = jnp.zeros((16,), jnp.float32)

        @pl.loop(0, CL // 16)
        def _(i):
            rb[pl.ds(i * 16, 16)] = jnp.zeros((16,), jnp.int32)

        @pl.loop(0, NCH)
        def _(ch):
            eoff = ch * CL
            pltpu.sync_copy(row_hbm.at[pl.ds(eoff, CL)], rs)
            pltpu.sync_copy(col_hbm.at[pl.ds(eoff, CL)], cs)
            pltpu.sync_copy(nrm_hbm.at[pl.ds(eoff, CL)], ns)

            def grp(g, pos):
                sl = pl.ds(g * 16, 16)
                r16 = rs[sl]
                c16 = cs[sl]
                n16 = ns[sl]
                lc = c16 - nbase
                m = (lc >= 0) & (lc < NPT) & (c16 < N)
                plsc.store_compressed(rb.at[pl.ds(pos, 16)], r16, mask=m)
                plsc.store_compressed(lb.at[pl.ds(pos, 16)], lc, mask=m)
                plsc.store_compressed(nb.at[pl.ds(pos, 16)], n16, mask=m)
                return pos + jnp.sum(m.astype(jnp.int32))

            n_in = lax.fori_loop(0, CL // 16, grp, 0)
            nblk = (n_in + g_rows - 1) // g_rows

            def blk(b, _):
                pltpu.sync_copy(xw_hbm.at[rb.at[pl.ds(b * g_rows, g_rows)]],
                                gb)
                nleft = jnp.minimum(n_in - b * g_rows, g_rows)

                def edge(e, _):
                    pos = b * g_rows + e
                    lc_s = lb[pl.ds(pos, 16)][0]
                    nmv = jnp.full((16,), nb[pl.ds(pos, 16)][0], jnp.float32)
                    for f in range(d // 16):
                        g16 = gb[e, pl.ds(f * 16, 16)]
                        plsc.addupdate(acc.at[pl.ds(lc_s * d + f * 16, 16)],
                                       nmv * g16)
                    return 0

                lax.fori_loop(0, nleft, edge, 0)
                return 0

            lax.fori_loop(0, nblk, blk, 0)

        pltpu.sync_copy(acc, out_hbm.at[pl.ds(nbase * d, NPT * d)])

    return k(xw, row, col, nrm)



_BR = 2000


def _tc_matmul(x, wt):
    m, kdim = x.shape
    dout = wt.shape[1]

    def body(x_ref, w_ref, o_ref):
        o_ref[...] = jnp.dot(x_ref[...], w_ref[...],
                             preferred_element_type=jnp.float32)

    return pl.pallas_call(
        body,
        grid=(m // _BR,),
        in_specs=[
            pl.BlockSpec((_BR, kdim), lambda i: (i, 0)),
            pl.BlockSpec((kdim, dout), lambda i: (0, 0)),
        ],
        out_specs=pl.BlockSpec((_BR, dout), lambda i: (i, 0)),
        out_shape=jax.ShapeDtypeStruct((m, dout), jnp.float32),
    )(x, wt)


def _tc_dinv(partials):
    def body(p_ref, dinv_ref, dinv2_ref):
        deg = jnp.sum(p_ref[...], axis=0) + 1.0
        dv = jnp.where(deg > 0, lax.rsqrt(deg), 0.0)
        dinv_ref[...] = dv
        dinv2_ref[...] = (dv * dv)[:, None]

    return pl.pallas_call(
        body,
        out_shape=(
            jax.ShapeDtypeStruct((N,), jnp.float32),
            jax.ShapeDtypeStruct((N, 1), jnp.float32),
        ),
    )(partials)


def _tc_pre_bn(agg, xw, dinv2, b):
    m, d = agg.shape

    def body(agg_ref, xw_ref, d2_ref, b_ref, a_ref, st_ref):
        i = pl.program_id(0)
        a = agg_ref[...] + d2_ref[...] * xw_ref[...] + b_ref[...][None, :]
        a_ref[...] = a
        s = jnp.concatenate(
            [jnp.sum(a, axis=0, keepdims=True),
             jnp.sum(a * a, axis=0, keepdims=True)], axis=0)

        @pl.when(i == 0)
        def _():
            st_ref[...] = jnp.zeros_like(st_ref)

        st_ref[...] += s

    return pl.pallas_call(
        body,
        grid=(m // _BR,),
        in_specs=[
            pl.BlockSpec((_BR, d), lambda i: (i, 0)),
            pl.BlockSpec((_BR, d), lambda i: (i, 0)),
            pl.BlockSpec((_BR, 1), lambda i: (i, 0)),
            pl.BlockSpec((d,), lambda i: (0,)),
        ],
        out_specs=[
            pl.BlockSpec((_BR, d), lambda i: (i, 0)),
            pl.BlockSpec((2, d), lambda i: (0, 0)),
        ],
        out_shape=[
            jax.ShapeDtypeStruct((m, d), jnp.float32),
            jax.ShapeDtypeStruct((2, d), jnp.float32),
        ],
    )(agg, xw, dinv2, b)


def _tc_bn_relu_matmul(a, st, gamma, beta, wt, bias):
    m, d = a.shape
    dout = wt.shape[1]
    has_bias = bias is not None

    def body(*refs):
        if has_bias:
            a_ref, st_ref, g_ref, be_ref, w_ref, bias_ref, o_ref = refs
        else:
            a_ref, st_ref, g_ref, be_ref, w_ref, o_ref = refs
        mean = st_ref[0, :] * (1.0 / m)
        ex2 = st_ref[1, :] * (1.0 / m)
        var = ex2 - mean * mean
        inv = lax.rsqrt(var + 1e-5)
        h = (a_ref[...] - mean[None, :]) * inv[None, :] * g_ref[...][None, :] \
            + be_ref[...][None, :]
        h = jnp.maximum(h, 0.0)
        r = jnp.dot(h, w_ref[...], preferred_element_type=jnp.float32)
        if has_bias:
            r = r + bias_ref[...][None, :]
        o_ref[...] = r

    in_specs = [
        pl.BlockSpec((_BR, d), lambda i: (i, 0)),
        pl.BlockSpec((2, d), lambda i: (0, 0)),
        pl.BlockSpec((d,), lambda i: (0,)),
        pl.BlockSpec((d,), lambda i: (0,)),
        pl.BlockSpec((d, dout), lambda i: (0, 0)),
    ]
    args = [a, st, gamma, beta, wt]
    if has_bias:
        in_specs.append(pl.BlockSpec((dout,), lambda i: (0,)))
        args.append(bias)

    return pl.pallas_call(
        body,
        grid=(m // _BR,),
        in_specs=in_specs,
        out_specs=pl.BlockSpec((_BR, dout), lambda i: (i, 0)),
        out_shape=jax.ShapeDtypeStruct((m, dout), jnp.float32),
    )(*args)


def kernel(x, edge_index, edge_weight, W1, b1, g1, beta1, W2, b2, g2, beta2,
           Wl, bl):
    row = edge_index[0].astype(jnp.int32)
    col = edge_index[1].astype(jnp.int32)
    ew = edge_weight.astype(jnp.float32)
    pad = EP - E
    rowp = jnp.pad(row, (0, pad))
    colp = jnp.pad(col, (0, pad))
    ewp = jnp.pad(ew, (0, pad))

    partials = _deg_partials(colp, ewp).reshape(NW, N)
    dinv, dinv2 = _tc_dinv(partials)
    nrm = _norm_kernel(rowp, colp, ewp, dinv)

    xw1 = _tc_matmul(x, W1.T)
    agg1 = _agg_kernel(xw1, rowp, colp, nrm, 256, 256, 64).reshape(NPAD, 256)[:N]
    a1, st1 = _tc_pre_bn(agg1, xw1, dinv2, b1)
    xw2 = _tc_bn_relu_matmul(a1, st1, g1, beta1, W2.T, None)

    xw2p = jnp.pad(xw2, ((0, 0), (0, 64)))
    agg2 = _agg_kernel(xw2p, rowp, colp, nrm, 64, 128, 64).reshape(NPAD, 64)[:N]
    a2, st2 = _tc_pre_bn(agg2, xw2, dinv2, b2)
    out = _tc_bn_relu_matmul(a2, st2, g2, beta2, Wl.T, bl)
    return out

# --- scband reference (transcript-rebuilt; emitter-appended) ---
"""Pipeline reference for scband-gnn-v2-33500744908949 (READ-ONLY COPY).

The authoritative reference and input builder live on the scoring server;
editing this copy changes nothing except your own understanding.
"""

import jax, jax.numpy as jnp
import numpy as np

N_NODES = 10000
N_EDGES = 160000
HID = 256
MID = 64
OUT = 128


def gcn_conv(x, edge_index, edge_weight, W, b):
    n = x.shape[0]
    row = edge_index[0]
    col = edge_index[1]
    # add self loops (GCNConv default: fill_value=1.0)
    loop = jnp.arange(n)
    row = jnp.concatenate([row, loop])
    col = jnp.concatenate([col, loop])
    ew = jnp.concatenate([edge_weight, jnp.ones((n,), dtype=x.dtype)])
    # symmetric normalization
    deg = jnp.zeros((n,), dtype=x.dtype).at[col].add(ew)
    dinv = jnp.where(deg > 0, 1.0 / jnp.sqrt(deg), 0.0)
    norm = dinv[row] * ew * dinv[col]
    xw = x @ W.T
    msg = norm[:, None] * jnp.take(xw, row, axis=0)
    out = jnp.zeros((n, W.shape[0]), dtype=x.dtype).at[col].add(msg)
    return out + b


def batch_norm(x, gamma, beta, eps=1e-5):
    mean = jnp.mean(x, axis=0)
    var = jnp.var(x, axis=0)
    return (x - mean) / jnp.sqrt(var + eps) * gamma + beta


def setup_inputs(seed: int = 0) -> dict:
    key = jax.random.key(seed)
    ks = jax.random.split(key, 10)
    x = jax.random.normal(ks[0], (N_NODES, HID), dtype=jnp.float32)
    edge_index = jax.random.randint(ks[1], (2, N_EDGES), 0, N_NODES, dtype=jnp.int64)
    edge_weight = jax.random.uniform(ks[2], (N_EDGES,), dtype=jnp.float32)
    s1 = 1.0 / np.sqrt(HID)
    W1 = jax.random.uniform(ks[3], (HID, HID), jnp.float32, -s1, s1)
    b1 = jnp.zeros((HID,), jnp.float32)
    g1 = jnp.ones((HID,), jnp.float32)
    beta1 = jnp.zeros((HID,), jnp.float32)
    W2 = jax.random.uniform(ks[4], (MID, HID), jnp.float32, -s1, s1)
    b2 = jnp.zeros((MID,), jnp.float32)
    g2 = jnp.ones((MID,), jnp.float32)
    beta2 = jnp.zeros((MID,), jnp.float32)
    s2 = 1.0 / np.sqrt(MID)
    Wl = jax.random.uniform(ks[5], (OUT, MID), jnp.float32, -s2, s2)
    bl = jax.random.uniform(ks[6], (OUT,), jnp.float32, -s2, s2)
    return {"x": x, "edge_index": edge_index, "edge_weight": edge_weight,
            "W1": W1, "b1": b1, "g1": g1, "beta1": beta1,
            "W2": W2, "b2": b2, "g2": g2, "beta2": beta2,
            "Wl": Wl, "bl": bl}


def reference(x, edge_index, edge_weight, W1, b1, g1, beta1, W2, b2, g2, beta2, Wl, bl):
    h = gcn_conv(x, edge_index, edge_weight, W1, b1)
    h = jax.nn.relu(batch_norm(h, g1, beta1))
    h = gcn_conv(h, edge_index, edge_weight, W2, b2)
    h = jax.nn.relu(batch_norm(h, g2, beta2))
    # dropout is identity in eval / deterministic reference
    out = h @ Wl.T + bl
    return out

if __name__ == "__main__":
    import jax
    _d = setup_inputs()
    print(jax.jit(kernel)(*tuple(_d.values())))

</pallas_src>

<mosaic_0001>
#map = affine_map<(d0, d1) -> (0)>
module attributes {stable_mosaic.version = 14 : i64} {
  func.func @k(%arg0: i32, %arg1: i32, %arg2: memref<160256xi32, #tpu.memory_space<hbm>>, %arg3: memref<160256xf32, #tpu.memory_space<hbm>>, %arg4: memref<320000xf32, #tpu.memory_space<hbm>>, %arg5: memref<5024xi32, #tpu.memory_space<vmem>>, %arg6: memref<5024xf32, #tpu.memory_space<vmem>>, %arg7: memref<10000xf32, #tpu.memory_space<vmem>>) attributes {dimension_semantics = [#tpu.dimension_semantics<core_parallel>, #tpu.dimension_semantics<subcore_parallel>], iteration_bounds = array<i64: 2, 16>, scalar_prefetch = 0 : i64, scratch_operands = 3 : i64, tpu.core_type = #tpu.core_type<sc_vector_subcore>, window_params = [{transform_indices = #map}, {transform_indices = #map}, {transform_indices = #map}]} {
    %mul3A = arith.constant 2 : i32
    %mul3A_0 = arith.muli %arg1, %mul3A : i32
    %add3A = arith.addi %mul3A_0, %arg0 : i32
    %mul3A_1 = arith.constant 5008 : i32
    %mul3A_2 = arith.muli %add3A, %mul3A_1 : i32
    "tpu.region"() ({
      %run_scoped3A = tpu.sem_alloc : memref<!tpu.dma_semaphore, #tpu.memory_space<semaphore_mem>>
      %dma_start3A = arith.constant 0 : i32
      %dma_start3A_16 = tpu.memref_slice %arg5[%dma_start3A] : memref<5024xi32, #tpu.memory_space<vmem>> -> memref<5008xi32, #tpu.memory_space<vmem>>
      %dma_start3A_17 = tpu.memref_slice %arg2[%mul3A_2] : memref<160256xi32, #tpu.memory_space<hbm>> -> memref<5008xi32, #tpu.memory_space<hbm>>
      %dma_start3A_18 = arith.constant 0 : i32
      %dma_start3A_19 = tpu.memref_slice %arg5[%dma_start3A_18] : memref<5024xi32, #tpu.memory_space<vmem>> -> memref<5008xi32, #tpu.memory_space<vmem>>
      %dma_start3A_20 = tpu.memref_slice %arg2[%mul3A_2] : memref<160256xi32, #tpu.memory_space<hbm>> -> memref<5008xi32, #tpu.memory_space<hbm>>
      tpu.enqueue_dma source(%dma_start3A_20 : memref<5008xi32, #tpu.memory_space<hbm>>) target(%dma_start3A_19 : memref<5008xi32, #tpu.memory_space<vmem>>) target_semaphore(%run_scoped3A : memref<!tpu.dma_semaphore, #tpu.memory_space<semaphore_mem>>)
      %dma_wait3A = arith.constant 0 : i32
      %dma_wait3A_21 = tpu.memref_slice %arg5[%dma_wait3A] : memref<5024xi32, #tpu.memory_space<vmem>> -> memref<5008xi32, #tpu.memory_space<vmem>>
      %dma_wait3A_22 = tpu.memref_slice %arg2[%mul3A_2] : memref<160256xi32, #tpu.memory_space<hbm>> -> memref<5008xi32, #tpu.memory_space<hbm>>
      %dma_wait3A_23 = arith.constant 0 : i32
      %dma_wait3A_24 = tpu.memref_slice %arg5[%dma_wait3A_23] : memref<5024xi32, #tpu.memory_space<vmem>> -> memref<5008xi32, #tpu.memory_space<vmem>>
      %dma_wait3A_25 = tpu.memref_slice %arg2[%mul3A_2] : memref<160256xi32, #tpu.memory_space<hbm>> -> memref<5008xi32, #tpu.memory_space<hbm>>
      tpu.wait_dma2 semaphore(%run_scoped3A : memref<!tpu.dma_semaphore, #tpu.memory_space<semaphore_mem>>) src(%dma_wait3A_25 : memref<5008xi32, #tpu.memory_space<hbm>>) dst(%dma_wait3A_24 : memref<5008xi32, #tpu.memory_space<vmem>>)
      tpu.yield
    }) : () -> ()
    "tpu.region"() ({
      %run_scoped3A = tpu.sem_alloc : memref<!tpu.dma_semaphore, #tpu.memory_space<semaphore_mem>>
      %dma_start3A = arith.constant 0 : i32
      %dma_start3A_16 = tpu.memref_slice %arg6[%dma_start3A] : memref<5024xf32, #tpu.memory_space<vmem>> -> memref<5008xf32, #tpu.memory_space<vmem>>
      %dma_start3A_17 = tpu.memref_slice %arg3[%mul3A_2] : memref<160256xf32, #tpu.memory_space<hbm>> -> memref<5008xf32, #tpu.memory_space<hbm>>
      %dma_start3A_18 = arith.constant 0 : i32
      %dma_start3A_19 = tpu.memref_slice %arg6[%dma_start3A_18] : memref<5024xf32, #tpu.memory_space<vmem>> -> memref<5008xf32, #tpu.memory_space<vmem>>
      %dma_start3A_20 = tpu.memref_slice %arg3[%mul3A_2] : memref<160256xf32, #tpu.memory_space<hbm>> -> memref<5008xf32, #tpu.memory_space<hbm>>
      tpu.enqueue_dma source(%dma_start3A_20 : memref<5008xf32, #tpu.memory_space<hbm>>) target(%dma_start3A_19 : memref<5008xf32, #tpu.memory_space<vmem>>) target_semaphore(%run_scoped3A : memref<!tpu.dma_semaphore, #tpu.memory_space<semaphore_mem>>)
      %dma_wait3A = arith.constant 0 : i32
      %dma_wait3A_21 = tpu.memref_slice %arg6[%dma_wait3A] : memref<5024xf32, #tpu.memory_space<vmem>> -> memref<5008xf32, #tpu.memory_space<vmem>>
      %dma_wait3A_22 = tpu.memref_slice %arg3[%mul3A_2] : memref<160256xf32, #tpu.memory_space<hbm>> -> memref<5008xf32, #tpu.memory_space<hbm>>
      %dma_wait3A_23 = arith.constant 0 : i32
      %dma_wait3A_24 = tpu.memref_slice %arg6[%dma_wait3A_23] : memref<5024xf32, #tpu.memory_space<vmem>> -> memref<5008xf32, #tpu.memory_space<vmem>>
      %dma_wait3A_25 = tpu.memref_slice %arg3[%mul3A_2] : memref<160256xf32, #tpu.memory_space<hbm>> -> memref<5008xf32, #tpu.memory_space<hbm>>
      tpu.wait_dma2 semaphore(%run_scoped3A : memref<!tpu.dma_semaphore, #tpu.memory_space<semaphore_mem>>) src(%dma_wait3A_25 : memref<5008xf32, #tpu.memory_space<hbm>>) dst(%dma_wait3A_24 : memref<5008xf32, #tpu.memory_space<vmem>>)
      tpu.yield
    }) : () -> ()
    %scan3A = arith.constant 0 : i32
    %scan3A_3 = arith.constant 625 : i32
    %scan3A_4 = arith.addi %scan3A, %scan3A_3 : i32
    %scan3A_5 = arith.constant 1 : i32
    scf.for %scan3A_16 = %scan3A to %scan3A_4 step %scan3A_5  : i32 {
      %mul3A_17 = arith.constant 1 : i32
      %mul3A_18 = arith.muli %scan3A_16, %mul3A_17 : i32
      %add3A_19 = arith.constant 0 : i32
      %add3A_20 = arith.addi %add3A_19, %mul3A_18 : i32
      %broadcast_in_dim3A = arith.constant 0.000000e+00 : f32
      %broadcast_in_dim3A_21 = vector.broadcast %broadcast_in_dim3A : f32 to vector<16xf32>
      %mul3A_22 = arith.constant 16 : i32
      %mul3A_23 = arith.muli %add3A_20, %mul3A_22 : i32
      %swap3A = arith.index_cast %mul3A_23 : i32 to index
      %swap3A_24 = tpu.vector_load %arg7[%swap3A] {strides = array<i32>} : memref<10000xf32, #tpu.memory_space<vmem>>, vector<16xf32>,
      tpu.vector_store %arg7[%swap3A], %broadcast_in_dim3A_21 {strides = array<i32>} : memref<10000xf32, #tpu.memory_space<vmem>>, vector<16xf32>,
    }
    %scan3A_6 = arith.constant 625 : i32
    %iota3A = tpu.iota {dimensions = array<i32: 0>} : vector<16xi32>
    %eq3A = arith.constant 0 : i32
    %eq3A_7 = vector.broadcast %eq3A : i32 to vector<16xi32>
    %eq3A_8 = arith.cmpi eq, %iota3A, %eq3A_7 : vector<16xi32>
    %scan3A_9 = arith.constant 0 : i32
    %scan3A_10 = arith.constant 5008 : i32
    %scan3A_11 = arith.addi %scan3A_9, %scan3A_10 : i32
    %scan3A_12 = arith.constant 1 : i32
    scf.for %scan3A_16 = %scan3A_9 to %scan3A_11 step %scan3A_12  : i32 {
      %mul3A_17 = arith.constant 1 : i32
      %mul3A_18 = arith.muli %scan3A_16, %mul3A_17 : i32
      %add3A_19 = arith.constant 0 : i32
      %add3A_20 = arith.addi %add3A_19, %mul3A_18 : i32
      %get3A = arith.index_cast %add3A_20 : i32 to index
      %get3A_21 = tpu.vector_load %arg5[%get3A] {strides = array<i32>} : memref<5024xi32, #tpu.memory_space<vmem>>, vector<16xi32>,
      %get3A_22 = arith.index_cast %add3A_20 : i32 to index
      %get3A_23 = tpu.vector_load %arg6[%get3A_22] {strides = array<i32>} : memref<5024xf32, #tpu.memory_space<vmem>>, vector<16xf32>,
      tpu.vector_store_idx %arg7[%get3A_21], %get3A_23 masked %eq3A_8 {add = true} : memref<10000xf32, #tpu.memory_space<vmem>>[vector<16xi32>], vector<16xf32>, vector<16xi1>
    }
    %scan3A_13 = arith.constant 5008 : i32
    %mul3A_14 = arith.constant 10000 : i32
    %mul3A_15 = arith.muli %add3A, %mul3A_14 : i32
    "tpu.region"() ({
      %run_scoped3A = tpu.sem_alloc : memref<!tpu.dma_semaphore, #tpu.memory_space<semaphore_mem>>
      %dma_start3A = tpu.memref_slice %arg4[%mul3A_15] : memref<320000xf32, #tpu.memory_space<hbm>> -> memref<10000xf32, #tpu.memory_space<hbm>>
      %dma_start3A_16 = tpu.memref_slice %arg4[%mul3A_15] : memref<320000xf32, #tpu.memory_space<hbm>> -> memref<10000xf32, #tpu.memory_space<hbm>>
      tpu.enqueue_dma source(%arg7 : memref<10000xf32, #tpu.memory_space<vmem>>) target(%dma_start3A_16 : memref<10000xf32, #tpu.memory_space<hbm>>) target_semaphore(%run_scoped3A : memref<!tpu.dma_semaphore, #tpu.memory_space<semaphore_mem>>)
      %dma_wait3A = tpu.memref_slice %arg4[%mul3A_15] : memref<320000xf32, #tpu.memory_space<hbm>> -> memref<10000xf32, #tpu.memory_space<hbm>>
      %dma_wait3A_17 = tpu.memref_slice %arg4[%mul3A_15] : memref<320000xf32, #tpu.memory_space<hbm>> -> memref<10000xf32, #tpu.memory_space<hbm>>
      tpu.wait_dma2 semaphore(%run_scoped3A : memref<!tpu.dma_semaphore, #tpu.memory_space<semaphore_mem>>) src(%arg7 : memref<10000xf32, #tpu.memory_space<vmem>>) dst(%dma_wait3A_17 : memref<10000xf32, #tpu.memory_space<hbm>>)
      tpu.yield
    }) : () -> ()
    return
  }
}

#map = affine_map<(d0, d1) -> (0)>
module attributes {stable_mosaic.version = 14 : i64} {
  func.func @k(%arg0: i32, %arg1: i32, %arg2: memref<160256xi32, #tpu.memory_space<hbm>>, %arg3: memref<160256xi32, #tpu.memory_space<hbm>>, %arg4: memref<160256xf32, #tpu.memory_space<hbm>>, %arg5: memref<10000xf32, #tpu.memory_space<hbm>>, %arg6: memref<160256xf32, #tpu.memory_space<hbm>>, %arg7: memref<5008xi32, #tpu.memory_space<vmem>>, %arg8: memref<5008xi32, #tpu.memory_space<vmem>>, %arg9: memref<5008xf32, #tpu.memory_space<vmem>>, %arg10: memref<5008xf32, #tpu.memory_space<vmem>>, %arg11: memref<10000xf32, #tpu.memory_space<vmem>>) attributes {dimension_semantics = [#tpu.dimension_semantics<core_parallel>, #tpu.dimension_semantics<subcore_parallel>], iteration_bounds = array<i64: 2, 16>, scalar_prefetch = 0 : i64, scratch_operands = 5 : i64, tpu.core_type = #tpu.core_type<sc_vector_subcore>, window_params = [{transform_indices = #map}, {transform_indices = #map}, {transform_indices = #map}, {transform_indices = #map}, {transform_indices = #map}]} {
    %mul3A = arith.constant 2 : i32
    %mul3A_0 = arith.muli %arg1, %mul3A : i32
    %add3A = arith.addi %mul3A_0, %arg0 : i32
    %mul3A_1 = arith.constant 5008 : i32
    %mul3A_2 = arith.muli %add3A, %mul3A_1 : i32
    "tpu.region"() ({
      %run_scoped3A = tpu.sem_alloc : memref<!tpu.dma_semaphore, #tpu.memory_space<semaphore_mem>>
      %dma_start3A = tpu.memref_slice %arg2[%mul3A_2] : memref<160256xi32, #tpu.memory_space<hbm>> -> memref<5008xi32, #tpu.memory_space<hbm>>
      %dma_start3A_7 = tpu.memref_slice %arg2[%mul3A_2] : memref<160256xi32, #tpu.memory_space<hbm>> -> memref<5008xi32, #tpu.memory_space<hbm>>
      tpu.enqueue_dma source(%dma_start3A_7 : memref<5008xi32, #tpu.memory_space<hbm>>) target(%arg7 : memref<5008xi32, #tpu.memory_space<vmem>>) target_semaphore(%run_scoped3A : memref<!tpu.dma_semaphore, #tpu.memory_space<semaphore_mem>>)
      %dma_wait3A = tpu.memref_slice %arg2[%mul3A_2] : memref<160256xi32, #tpu.memory_space<hbm>> -> memref<5008xi32, #tpu.memory_space<hbm>>
      %dma_wait3A_8 = tpu.memref_slice %arg2[%mul3A_2] : memref<160256xi32, #tpu.memory_space<hbm>> -> memref<5008xi32, #tpu.memory_space<hbm>>
      tpu.wait_dma2 semaphore(%run_scoped3A : memref<!tpu.dma_semaphore, #tpu.memory_space<semaphore_mem>>) src(%dma_wait3A_8 : memref<5008xi32, #tpu.memory_space<hbm>>) dst(%arg7 : memref<5008xi32, #tpu.memory_space<vmem>>)
      tpu.yield
    }) : () -> ()
    "tpu.region"() ({
      %run_scoped3A = tpu.sem_alloc : memref<!tpu.dma_semaphore, #tpu.memory_space<semaphore_mem>>
      %dma_start3A = tpu.memref_slice %arg3[%mul3A_2] : memref<160256xi32, #tpu.memory_space<hbm>> -> memref<5008xi32, #tpu.memory_space<hbm>>
      %dma_start3A_7 = tpu.memref_slice %arg3[%mul3A_2] : memref<160256xi32, #tpu.memory_space<hbm>> -> memref<5008xi32, #tpu.memory_space<hbm>>
      tpu.enqueue_dma source(%dma_start3A_7 : memref<5008xi32, #tpu.memory_space<hbm>>) target(%arg8 : memref<5008xi32, #tpu.memory_space<vmem>>) target_semaphore(%run_scoped3A : memref<!tpu.dma_semaphore, #tpu.memory_space<semaphore_mem>>)
      %dma_wait3A = tpu.memref_slice %arg3[%mul3A_2] : memref<160256xi32, #tpu.memory_space<hbm>> -> memref<5008xi32, #tpu.memory_space<hbm>>
      %dma_wait3A_8 = tpu.memref_slice %arg3[%mul3A_2] : memref<160256xi32, #tpu.memory_space<hbm>> -> memref<5008xi32, #tpu.memory_space<hbm>>
      tpu.wait_dma2 semaphore(%run_scoped3A : memref<!tpu.dma_semaphore, #tpu.memory_space<semaphore_mem>>) src(%dma_wait3A_8 : memref<5008xi32, #tpu.memory_space<hbm>>) dst(%arg8 : memref<5008xi32, #tpu.memory_space<vmem>>)
      tpu.yield
    }) : () -> ()
    "tpu.region"() ({
      %run_scoped3A = tpu.sem_alloc : memref<!tpu.dma_semaphore, #tpu.memory_space<semaphore_mem>>
      %dma_start3A = tpu.memref_slice %arg4[%mul3A_2] : memref<160256xf32, #tpu.memory_space<hbm>> -> memref<5008xf32, #tpu.memory_space<hbm>>
      %dma_start3A_7 = tpu.memref_slice %arg4[%mul3A_2] : memref<160256xf32, #tpu.memory_space<hbm>> -> memref<5008xf32, #tpu.memory_space<hbm>>
      tpu.enqueue_dma source(%dma_start3A_7 : memref<5008xf32, #tpu.memory_space<hbm>>) target(%arg9 : memref<5008xf32, #tpu.memory_space<vmem>>) target_semaphore(%run_scoped3A : memref<!tpu.dma_semaphore, #tpu.memory_space<semaphore_mem>>)
      %dma_wait3A = tpu.memref_slice %arg4[%mul3A_2] : memref<160256xf32, #tpu.memory_space<hbm>> -> memref<5008xf32, #tpu.memory_space<hbm>>
      %dma_wait3A_8 = tpu.memref_slice %arg4[%mul3A_2] : memref<160256xf32, #tpu.memory_space<hbm>> -> memref<5008xf32, #tpu.memory_space<hbm>>
      tpu.wait_dma2 semaphore(%run_scoped3A : memref<!tpu.dma_semaphore, #tpu.memory_space<semaphore_mem>>) src(%dma_wait3A_8 : memref<5008xf32, #tpu.memory_space<hbm>>) dst(%arg9 : memref<5008xf32, #tpu.memory_space<vmem>>)
      tpu.yield
    }) : () -> ()
    "tpu.region"() ({
      %run_scoped3A = tpu.sem_alloc : memref<!tpu.dma_semaphore, #tpu.memory_space<semaphore_mem>>
      tpu.enqueue_dma source(%arg5 : memref<10000xf32, #tpu.memory_space<hbm>>) target(%arg11 : memref<10000xf32, #tpu.memory_space<vmem>>) target_semaphore(%run_scoped3A : memref<!tpu.dma_semaphore, #tpu.memory_space<semaphore_mem>>)
      tpu.wait_dma2 semaphore(%run_scoped3A : memref<!tpu.dma_semaphore, #tpu.memory_space<semaphore_mem>>) src(%arg5 : memref<10000xf32, #tpu.memory_space<hbm>>) dst(%arg11 : memref<10000xf32, #tpu.memory_space<vmem>>)
      tpu.yield
    }) : () -> ()
    %scan3A = arith.constant 0 : i32
    %scan3A_3 = arith.constant 313 : i32
    %scan3A_4 = arith.addi %scan3A, %scan3A_3 : i32
    %scan3A_5 = arith.constant 1 : i32
    scf.for %scan3A_7 = %scan3A to %scan3A_4 step %scan3A_5  : i32 {
      %mul3A_8 = arith.constant 1 : i32
      %mul3A_9 = arith.muli %scan3A_7, %mul3A_8 : i32
      %add3A_10 = arith.constant 0 : i32
      %add3A_11 = arith.addi %add3A_10, %mul3A_9 : i32
      %mul3A_12 = arith.constant 16 : i32
      %mul3A_13 = arith.muli %add3A_11, %mul3A_12 : i32
      %get3A = arith.index_cast %mul3A_13 : i32 to index
      %get3A_14 = tpu.vector_load %arg7[%get3A] {strides = array<i32>} : memref<5008xi32, #tpu.memory_space<vmem>>, vector<16xi32>,
      %gather3A = tpu.vector_load_idx %arg11[%get3A_14] : memref<10000xf32, #tpu.memory_space<vmem>>[vector<16xi32>], vector<16xf32>,
      %get3A_15 = arith.index_cast %mul3A_13 : i32 to index
      %get3A_16 = tpu.vector_load %arg8[%get3A_15] {strides = array<i32>} : memref<5008xi32, #tpu.memory_space<vmem>>, vector<16xi32>,
      %gather3A_17 = tpu.vector_load_idx %arg11[%get3A_16] : memref<10000xf32, #tpu.memory_space<vmem>>[vector<16xi32>], vector<16xf32>,
      %get3A_18 = arith.index_cast %mul3A_13 : i32 to index
      %get3A_19 = tpu.vector_load %arg9[%get3A_18] {strides = array<i32>} : memref<5008xf32, #tpu.memory_space<vmem>>, vector<16xf32>,
      %mul3A_20 = arith.mulf %gather3A, %get3A_19 : vector<16xf32>
      %mul3A_21 = arith.mulf %mul3A_20, %gather3A_17 : vector<16xf32>
      %swap3A = arith.index_cast %mul3A_13 : i32 to index
      %swap3A_22 = tpu.vector_load %arg10[%swap3A] {strides = array<i32>} : memref<5008xf32, #tpu.memory_space<vmem>>, vector<16xf32>,
      tpu.vector_store %arg10[%swap3A], %mul3A_21 {strides = array<i32>} : memref<5008xf32, #tpu.memory_space<vmem>>, vector<16xf32>,
    }
    %scan3A_6 = arith.constant 313 : i32
    "tpu.region"() ({
      %run_scoped3A = tpu.sem_alloc : memref<!tpu.dma_semaphore, #tpu.memory_space<semaphore_mem>>
      %dma_start3A = tpu.memref_slice %arg6[%mul3A_2] : memref<160256xf32, #tpu.memory_space<hbm>> -> memref<5008xf32, #tpu.memory_space<hbm>>
      %dma_start3A_7 = tpu.memref_slice %arg6[%mul3A_2] : memref<160256xf32, #tpu.memory_space<hbm>> -> memref<5008xf32, #tpu.memory_space<hbm>>
      tpu.enqueue_dma source(%arg10 : memref<5008xf32, #tpu.memory_space<vmem>>) target(%dma_start3A_7 : memref<5008xf32, #tpu.memory_space<hbm>>) target_semaphore(%run_scoped3A : memref<!tpu.dma_semaphore, #tpu.memory_space<semaphore_mem>>)
      %dma_wait3A = tpu.memref_slice %arg6[%mul3A_2] : memref<160256xf32, #tpu.memory_space<hbm>> -> memref<5008xf32, #tpu.memory_space<hbm>>
      %dma_wait3A_8 = tpu.memref_slice %arg6[%mul3A_2] : memref<160256xf32, #tpu.memory_space<hbm>> -> memref<5008xf32, #tpu.memory_space<hbm>>
      tpu.wait_dma2 semaphore(%run_scoped3A : memref<!tpu.dma_semaphore, #tpu.memory_space<semaphore_mem>>) src(%arg10 : memref<5008xf32, #tpu.memory_space<vmem>>) dst(%dma_wait3A_8 : memref<5008xf32, #tpu.memory_space<hbm>>)
      tpu.yield
    }) : () -> ()
    return
  }
}

#map = affine_map<(d0, d1) -> (0, 0)>
#map1 = affine_map<(d0, d1) -> (0)>
module attributes {stable_mosaic.version = 14 : i64} {
  func.func @k(%arg0: i32, %arg1: i32, %arg2: memref<10000x256xf32, #tpu.memory_space<hbm>>, %arg3: memref<160256xi32, #tpu.memory_space<hbm>>, %arg4: memref<160256xi32, #tpu.memory_space<hbm>>, %arg5: memref<160256xf32, #tpu.memory_space<hbm>>, %arg6: memref<2621440xf32, #tpu.memory_space<hbm>>, %arg7: memref<5008xi32, #tpu.memory_space<vmem>>, %arg8: memref<5008xi32, #tpu.memory_space<vmem>>, %arg9: memref<5008xf32, #tpu.memory_space<vmem>>, %arg10: memref<5008xi32, #tpu.memory_space<vmem>>, %arg11: memref<5024xi32, #tpu.memory_space<vmem>>, %arg12: memref<5024xf32, #tpu.memory_space<vmem>>, %arg13: memref<64x256xf32, #tpu.memory_space<vmem>>, %arg14: memref<81920xf32, #tpu.memory_space<vmem>>) attributes {dimension_semantics = [#tpu.dimension_semantics<core_parallel>, #tpu.dimension_semantics<subcore_parallel>], iteration_bounds = array<i64: 2, 16>, scalar_prefetch = 0 : i64, scratch_operands = 8 : i64, tpu.core_type = #tpu.core_type<sc_vector_subcore>, window_params = [{transform_indices = #map}, {transform_indices = #map1}, {transform_indices = #map1}, {transform_indices = #map1}, {transform_indices = #map1}]} {
    %mul3A = arith.constant 2 : i32
    %mul3A_0 = arith.muli %arg1, %mul3A : i32
    %add3A = arith.addi %mul3A_0, %arg0 : i32
    %mul3A_1 = arith.constant 320 : i32
    %mul3A_2 = arith.muli %add3A, %mul3A_1 : i32
    %scan3A = arith.constant 0 : i32
    %scan3A_3 = arith.constant 5120 : i32
    %scan3A_4 = arith.addi %scan3A, %scan3A_3 : i32
    %scan3A_5 = arith.constant 1 : i32
    scf.for %scan3A_19 = %scan3A to %scan3A_4 step %scan3A_5  : i32 {
      %mul3A_20 = arith.constant 1 : i32
      %mul3A_21 = arith.muli %scan3A_19, %mul3A_20 : i32
      %add3A_22 = arith.constant 0 : i32
      %add3A_23 = arith.addi %add3A_22, %mul3A_21 : i32
      %broadcast_in_dim3A = arith.constant 0.000000e+00 : f32
      %broadcast_in_dim3A_24 = vector.broadcast %broadcast_in_dim3A : f32 to vector<16xf32>
      %mul3A_25 = arith.constant 16 : i32
      %mul3A_26 = arith.muli %add3A_23, %mul3A_25 : i32
      %swap3A = arith.index_cast %mul3A_26 : i32 to index
      %swap3A_27 = tpu.vector_load %arg14[%swap3A] {strides = array<i32>} : memref<81920xf32, #tpu.memory_space<vmem>>, vector<16xf32>,
      tpu.vector_store %arg14[%swap3A], %broadcast_in_dim3A_24 {strides = array<i32>} : memref<81920xf32, #tpu.memory_space<vmem>>, vector<16xf32>,
    }
    %scan3A_6 = arith.constant 5120 : i32
    %scan3A_7 = arith.constant 0 : i32
    %scan3A_8 = arith.constant 313 : i32
    %scan3A_9 = arith.addi %scan3A_7, %scan3A_8 : i32
    %scan3A_10 = arith.constant 1 : i32
    scf.for %scan3A_19 = %scan3A_7 to %scan3A_9 step %scan3A_10  : i32 {
      %mul3A_20 = arith.constant 1 : i32
      %mul3A_21 = arith.muli %scan3A_19, %mul3A_20 : i32
      %add3A_22 = arith.constant 0 : i32
      %add3A_23 = arith.addi %add3A_22, %mul3A_21 : i32
      %broadcast_in_dim3A = arith.constant 0 : i32
      %broadcast_in_dim3A_24 = vector.broadcast %broadcast_in_dim3A : i32 to vector<16xi32>
      %mul3A_25 = arith.constant 16 : i32
      %mul3A_26 = arith.muli %add3A_23, %mul3A_25 : i32
      %swap3A = arith.index_cast %mul3A_26 : i32 to index
      %swap3A_27 = tpu.vector_load %arg10[%swap3A] {strides = array<i32>} : memref<5008xi32, #tpu.memory_space<vmem>>, vector<16xi32>,
      tpu.vector_store %arg10[%swap3A], %broadcast_in_dim3A_24 {strides = array<i32>} : memref<5008xi32, #tpu.memory_space<vmem>>, vector<16xi32>,
    }
    %scan3A_11 = arith.constant 313 : i32
    %scan3A_12 = arith.constant 0 : i32
    %scan3A_13 = arith.constant 32 : i32
    %scan3A_14 = arith.addi %scan3A_12, %scan3A_13 : i32
    %scan3A_15 = arith.constant 1 : i32
    scf.for %scan3A_19 = %scan3A_12 to %scan3A_14 step %scan3A_15  : i32 {
      %mul3A_20 = arith.constant 1 : i32
      %mul3A_21 = arith.muli %scan3A_19, %mul3A_20 : i32
      %add3A_22 = arith.constant 0 : i32
      %add3A_23 = arith.addi %add3A_22, %mul3A_21 : i32
      %mul3A_24 = arith.constant 5008 : i32
      %mul3A_25 = arith.muli %add3A_23, %mul3A_24 : i32
      "tpu.region"() ({
        %run_scoped3A = tpu.sem_alloc : memref<!tpu.dma_semaphore, #tpu.memory_space<semaphore_mem>>
        %dma_start3A = tpu.memref_slice %arg3[%mul3A_25] : memref<160256xi32, #tpu.memory_space<hbm>> -> memref<5008xi32, #tpu.memory_space<hbm>>
        %dma_start3A_64 = tpu.memref_slice %arg3[%mul3A_25] : memref<160256xi32, #tpu.memory_space<hbm>> -> memref<5008xi32, #tpu.memory_space<hbm>>
        tpu.enqueue_dma source(%dma_start3A_64 : memref<5008xi32, #tpu.memory_space<hbm>>) target(%arg7 : memref<5008xi32, #tpu.memory_space<vmem>>) target_semaphore(%run_scoped3A : memref<!tpu.dma_semaphore, #tpu.memory_space<semaphore_mem>>)
        %dma_wait3A = tpu.memref_slice %arg3[%mul3A_25] : memref<160256xi32, #tpu.memory_space<hbm>> -> memref<5008xi32, #tpu.memory_space<hbm>>
        %dma_wait3A_65 = tpu.memref_slice %arg3[%mul3A_25] : memref<160256xi32, #tpu.memory_space<hbm>> -> memref<5008xi32, #tpu.memory_space<hbm>>
        tpu.wait_dma2 semaphore(%run_scoped3A : memref<!tpu.dma_semaphore, #tpu.memory_space<semaphore_mem>>) src(%dma_wait3A_65 : memref<5008xi32, #tpu.memory_space<hbm>>) dst(%arg7 : memref<5008xi32, #tpu.memory_space<vmem>>)
        tpu.yield
      }) : () -> ()
      "tpu.region"() ({
        %run_scoped3A = tpu.sem_alloc : memref<!tpu.dma_semaphore, #tpu.memory_space<semaphore_mem>>
        %dma_start3A = tpu.memref_slice %arg4[%mul3A_25] : memref<160256xi32, #tpu.memory_space<hbm>> -> memref<5008xi32, #tpu.memory_space<hbm>>
        %dma_start3A_64 = tpu.memref_slice %arg4[%mul3A_25] : memref<160256xi32, #tpu.memory_space<hbm>> -> memref<5008xi32, #tpu.memory_space<hbm>>
        tpu.enqueue_dma source(%dma_start3A_64 : memref<5008xi32, #tpu.memory_space<hbm>>) target(%arg8 : memref<5008xi32, #tpu.memory_space<vmem>>) target_semaphore(%run_scoped3A : memref<!tpu.dma_semaphore, #tpu.memory_space<semaphore_mem>>)
        %dma_wait3A = tpu.memref_slice %arg4[%mul3A_25] : memref<160256xi32, #tpu.memory_space<hbm>> -> memref<5008xi32, #tpu.memory_space<hbm>>
        %dma_wait3A_65 = tpu.memref_slice %arg4[%mul3A_25] : memref<160256xi32, #tpu.memory_space<hbm>> -> memref<5008xi32, #tpu.memory_space<hbm>>
        tpu.wait_dma2 semaphore(%run_scoped3A : memref<!tpu.dma_semaphore, #tpu.memory_space<semaphore_mem>>) src(%dma_wait3A_65 : memref<5008xi32, #tpu.memory_space<hbm>>) dst(%arg8 : memref<5008xi32, #tpu.memory_space<vmem>>)
        tpu.yield
      }) : () -> ()
      "tpu.region"() ({
        %run_scoped3A = tpu.sem_alloc : memref<!tpu.dma_semaphore, #tpu.memory_space<semaphore_mem>>
        %dma_start3A = tpu.memref_slice %arg5[%mul3A_25] : memref<160256xf32, #tpu.memory_space<hbm>> -> memref<5008xf32, #tpu.memory_space<hbm>>
        %dma_start3A_64 = tpu.memref_slice %arg5[%mul3A_25] : memref<160256xf32, #tpu.memory_space<hbm>> -> memref<5008xf32, #tpu.memory_space<hbm>>
        tpu.enqueue_dma source(%dma_start3A_64 : memref<5008xf32, #tpu.memory_space<hbm>>) target(%arg9 : memref<5008xf32, #tpu.memory_space<vmem>>) target_semaphore(%run_scoped3A : memref<!tpu.dma_semaphore, #tpu.memory_space<semaphore_mem>>)
        %dma_wait3A = tpu.memref_slice %arg5[%mul3A_25] : memref<160256xf32, #tpu.memory_space<hbm>> -> memref<5008xf32, #tpu.memory_space<hbm>>
        %dma_wait3A_65 = tpu.memref_slice %arg5[%mul3A_25] : memref<160256xf32, #tpu.memory_space<hbm>> -> memref<5008xf32, #tpu.memory_space<hbm>>
        tpu.wait_dma2 semaphore(%run_scoped3A : memref<!tpu.dma_semaphore, #tpu.memory_space<semaphore_mem>>) src(%dma_wait3A_65 : memref<5008xf32, #tpu.memory_space<hbm>>) dst(%arg9 : memref<5008xf32, #tpu.memory_space<vmem>>)
        tpu.yield
      }) : () -> ()
      %scan3A_26 = arith.constant 0 : i32
      %scan3A_27 = arith.constant 0 : i32
      %scan3A_28 = arith.constant 313 : i32
      %scan3A_29 = arith.addi %scan3A_27, %scan3A_28 : i32
      %scan3A_30 = arith.constant 1 : i32
      %scan3A_31 = scf.for %scan3A_64 = %scan3A_27 to %scan3A_29 step %scan3A_30 iter_args(%scan3A_65 = %scan3A_26) -> (i32)  : i32 {
        %mul3A_66 = arith.constant 16 : i32
        %mul3A_67 = arith.muli %scan3A_64, %mul3A_66 : i32
        %get3A = arith.index_cast %mul3A_67 : i32 to index
        %get3A_68 = tpu.vector_load %arg7[%get3A] {strides = array<i32>} : memref<5008xi32, #tpu.memory_space<vmem>>, vector<16xi32>,
        %get3A_69 = arith.index_cast %mul3A_67 : i32 to index
        %get3A_70 = tpu.vector_load %arg8[%get3A_69] {strides = array<i32>} : memref<5008xi32, #tpu.memory_space<vmem>>, vector<16xi32>,
        %get3A_71 = arith.index_cast %mul3A_67 : i32 to index
        %get3A_72 = tpu.vector_load %arg9[%get3A_71] {strides = array<i32>} : memref<5008xf32, #tpu.memory_space<vmem>>, vector<16xf32>,
        %sub3A_73 = vector.broadcast %mul3A_2 : i32 to vector<16xi32>
        %sub3A_74 = arith.subi %get3A_70, %sub3A_73 : vector<16xi32>
        %ge3A = arith.constant 0 : i32
        %ge3A_75 = vector.broadcast %ge3A : i32 to vector<16xi32>
        %ge3A_76 = arith.cmpi sge, %sub3A_74, %ge3A_75 : vector<16xi32>
        %lt3A = arith.constant 320 : i32
        %lt3A_77 = vector.broadcast %lt3A : i32 to vector<16xi32>
        %lt3A_78 = arith.cmpi slt, %sub3A_74, %lt3A_77 : vector<16xi32>
        %and3A_79 = arith.andi %ge3A_76, %lt3A_78 : vector<16xi1>
        %lt3A_80 = arith.constant 10000 : i32
        %lt3A_81 = vector.broadcast %lt3A_80 : i32 to vector<16xi32>
        %lt3A_82 = arith.cmpi slt, %get3A_70, %lt3A_81 : vector<16xi32>
        %and3A_83 = arith.andi %and3A_79, %lt3A_82 : vector<16xi1>
        %swap3A = arith.index_cast %scan3A_65 : i32 to index
        %swap3A_84 = tpu.vector_load %arg10[%swap3A] masked %and3A_83 {strides = array<i32>} : memref<5008xi32, #tpu.memory_space<vmem>>, vector<16xi32>, vector<16xi1>
        tpu.vector_store %arg10[%swap3A], %get3A_68 masked %and3A_83 {strides = array<i32>} : memref<5008xi32, #tpu.memory_space<vmem>>, vector<16xi32>, vector<16xi1>
        %swap3A_85 = arith.index_cast %scan3A_65 : i32 to index
        %swap3A_86 = tpu.vector_load %arg11[%swap3A_85] masked %and3A_83 {strides = array<i32>} : memref<5024xi32, #tpu.memory_space<vmem>>, vector<16xi32>, vector<16xi1>
        tpu.vector_store %arg11[%swap3A_85], %sub3A_74 masked %and3A_83 {strides = array<i32>} : memref<5024xi32, #tpu.memory_space<vmem>>, vector<16xi32>, vector<16xi1>
        %swap3A_87 = arith.index_cast %scan3A_65 : i32 to index
        %swap3A_88 = tpu.vector_load %arg12[%swap3A_87] masked %and3A_83 {strides = array<i32>} : memref<5024xf32, #tpu.memory_space<vmem>>, vector<16xf32>, vector<16xi1>
        tpu.vector_store %arg12[%swap3A_87], %get3A_72 masked %and3A_83 {strides = array<i32>} : memref<5024xf32, #tpu.memory_space<vmem>>, vector<16xf32>, vector<16xi1>
        %convert_element_type3A = arith.extui %and3A_83 : vector<16xi1> to vector<16xi32>
        %reduce_sum3A = arith.constant true
        %reduce_sum3A_89 = vector.broadcast %reduce_sum3A : i1 to vector<16xi1>
        %reduce_sum3A_90 = tpu.scan <sum>, %convert_element_type3A masked %reduce_sum3A_89 : vector<16xi32>, vector<16xi1> -> vector<16xi32>
        %reduce_sum3A_91 = vector.extract %reduce_sum3A_90[15] : i32 from vector<16xi32>
        %add3A_92 = arith.addi %scan3A_65, %reduce_sum3A_91 : i32
        scf.yield %add3A_92 : i32
      }
      %scan3A_32 = arith.constant 313 : i32
      %add3A_33 = arith.constant 64 : i32
      %add3A_34 = arith.addi %scan3A_31, %add3A_33 : i32
      %sub3A = arith.constant 1 : i32
      %sub3A_35 = arith.subi %add3A_34, %sub3A : i32
      %jit3A = arith.constant 64 : i32
      %div3A = arith.divsi %sub3A_35, %jit3A : i32
      %sign3A = arith.constant 0 : i32
      %sign3A_36 = arith.cmpi sgt, %sub3A_35, %sign3A : i32
      %sign3A_37 = arith.extui %sign3A_36 : i1 to i32
      %sign3A_38 = arith.constant 0 : i32
      %sign3A_39 = arith.cmpi slt, %sub3A_35, %sign3A_38 : i32
      %sign3A_40 = arith.extui %sign3A_39 : i1 to i32
      %sign3A_41 = arith.subi %sign3A_37, %sign3A_40 : i32
      %sign3A_42 = arith.constant 0 : i32
      %sign3A_43 = arith.cmpi sgt, %jit3A, %sign3A_42 : i32
      %sign3A_44 = arith.extui %sign3A_43 : i1 to i32
      %sign3A_45 = arith.constant 0 : i32
      %sign3A_46 = arith.cmpi slt, %jit3A, %sign3A_45 : i32
      %sign3A_47 = arith.extui %sign3A_46 : i1 to i32
      %sign3A_48 = arith.subi %sign3A_44, %sign3A_47 : i32
      %ne3A = arith.cmpi ne, %sign3A_41, %sign3A_48 : i32
      %rem3A = arith.remsi %sub3A_35, %jit3A : i32
      %ne3A_49 = arith.constant 0 : i32
      %ne3A_50 = arith.cmpi ne, %rem3A, %ne3A_49 : i32
      %and3A = arith.andi %ne3A, %ne3A_50 : i1
      %sub3A_51 = arith.constant 1 : i32
      %sub3A_52 = arith.subi %div3A, %sub3A_51 : i32
      %select_n3A = arith.select %and3A, %sub3A_52, %div3A : i32
      %while3A = arith.constant 0 : i32
      %while3A_53 = arith.constant 0 : i32
      %while3A_54 = arith.subi %select_n3A, %while3A : i32
      %while3A_55 = arith.addi %while3A, %while3A_54 : i32
      %while3A_56 = arith.constant 1 : i32
      %while3A_57 = arith.divsi %while3A_54, %while3A_56 : i32
      %while3A_58 = arith.muli %while3A_57, %while3A_56 : i32
      %while3A_59 = arith.addi %while3A, %while3A_58 : i32
      %while3A_60 = arith.constant 1 : i32
      %while3A_61 = scf.for %while3A_64 = %while3A to %while3A_59 step %while3A_60 iter_args(%while3A_65 = %while3A_53) -> (i32)  : i32 {
        %mul3A_66 = arith.constant 64 : i32
        %mul3A_67 = arith.muli %while3A_64, %mul3A_66 : i32
        "tpu.region"() ({
          %run_scoped3A = tpu.sem_alloc : memref<!tpu.dma_semaphore, #tpu.memory_space<semaphore_mem>>
          %dma_start3A = tpu.memref_slice %arg10[%mul3A_67] : memref<5008xi32, #tpu.memory_space<vmem>> -> memref<64xi32, #tpu.memory_space<vmem>>
          %dma_start3A_85 = arith.constant 0 : i32
          %dma_start3A_86 = arith.constant 0 : i32
          %dma_start3A_87 = tpu.memref_slice %arg2[%dma_start3A_85, %dma_start3A_86] : memref<10000x256xf32, #tpu.memory_space<hbm>> -> memref<10000x256xf32, #tpu.memory_space<hbm>>
          tpu.enqueue_indirect_dma source(%dma_start3A_87 : memref<10000x256xf32, #tpu.memory_space<hbm>>) target(%arg13 : memref<64x256xf32, #tpu.memory_space<vmem>>) offsets(%dma_start3A : memref<64xi32, #tpu.memory_space<vmem>>) semaphore(%run_scoped3A : memref<!tpu.dma_semaphore, #tpu.memory_space<semaphore_mem>>)
          %dma_wait3A = tpu.memref_slice %arg10[%mul3A_67] : memref<5008xi32, #tpu.memory_space<vmem>> -> memref<64xi32, #tpu.memory_space<vmem>>
          %dma_wait3A_88 = arith.constant 0 : i32
          %dma_wait3A_89 = arith.constant 0 : i32
          %dma_wait3A_90 = tpu.memref_slice %arg2[%dma_wait3A_88, %dma_wait3A_89] : memref<10000x256xf32, #tpu.memory_space<hbm>> -> memref<10000x256xf32, #tpu.memory_space<hbm>>
          tpu.wait_indirect_dma semaphore(%run_scoped3A : memref<!tpu.dma_semaphore, #tpu.memory_space<semaphore_mem>>) src(%dma_wait3A_90 : memref<10000x256xf32, #tpu.memory_space<hbm>>) dst(%arg13 : memref<64x256xf32, #tpu.memory_space<vmem>>)
          tpu.yield
        }) : () -> ()
        %mul3A_68 = arith.constant 64 : i32
        %mul3A_69 = arith.muli %while3A_64, %mul3A_68 : i32
        %sub3A_70 = arith.subi %scan3A_31, %mul3A_69 : i32
        %min3A = arith.constant 64 : i32
        %min3A_71 = arith.minsi %sub3A_70, %min3A : i32
        %while3A_72 = arith.constant 0 : i32
        %while3A_73 = arith.constant 0 : i32
        %while3A_74 = arith.subi %min3A_71, %while3A_72 : i32
        %while3A_75 = arith.addi %while3A_72, %while3A_74 : i32
        %while3A_76 = arith.constant 1 : i32
        %while3A_77 = arith.divsi %while3A_74, %while3A_76 : i32
        %while3A_78 = arith.muli %while3A_77, %while3A_76 : i32
        %while3A_79 = arith.addi %while3A_72, %while3A_78 : i32
        %while3A_80 = arith.constant 1 : i32
        %while3A_81 = scf.for %while3A_85 = %while3A_72 to %while3A_79 step %while3A_80 iter_args(%while3A_86 = %while3A_73) -> (i32)  : i32 {
          %mul3A_87 = arith.constant 64 : i32
          %mul3A_88 = arith.muli %while3A_64, %mul3A_87 : i32
          %add3A_89 = arith.addi %mul3A_88, %while3A_85 : i32
          %get3A = arith.index_cast %add3A_89 : i32 to index
          %get3A_90 = tpu.vector_load %arg11[%get3A] {strides = array<i32>} : memref<5024xi32, #tpu.memory_space<vmem>>, vector<16xi32>,
          %slice3A = vector.extract_strided_slice %get3A_90 {offsets = [0], sizes = [1], strides = [1]} : vector<16xi32> to vector<1xi32>
          %squeeze3A = vector.extract %slice3A[0] : i32 from vector<1xi32>
          %get3A_91 = arith.index_cast %add3A_89 : i32 to index
          %get3A_92 = tpu.vector_load %arg12[%get3A_91] {strides = array<i32>} : memref<5024xf32, #tpu.memory_space<vmem>>, vector<16xf32>,
          %slice3A_93 = vector.extract_strided_slice %get3A_92 {offsets = [0], sizes = [1], strides = [1]} : vector<16xf32> to vector<1xf32>
          %squeeze3A_94 = vector.extract %slice3A_93[0] : f32 from vector<1xf32>
          %broadcast_in_dim3A = vector.broadcast %squeeze3A_94 : f32 to vector<16xf32>
          %get3A_95 = arith.index_cast %while3A_85 : i32 to index
          %get3A_96 = arith.constant 0 : index
          %get3A_97 = tpu.vector_load %arg13[%get3A_95, %get3A_96] {strides = array<i32>} : memref<64x256xf32, #tpu.memory_space<vmem>>, vector<16xf32>,
          %mul3A_98 = arith.constant 256 : i32
          %mul3A_99 = arith.muli %squeeze3A, %mul3A_98 : i32
          %add3A_100 = arith.constant 0 : i32
          %add3A_101 = arith.addi %mul3A_99, %add3A_100 : i32
          %mul3A_102 = arith.mulf %broadcast_in_dim3A, %get3A_97 : vector<16xf32>
          %swap3A = arith.index_cast %add3A_101 : i32 to index
          %swap3A_103 = tpu.vector_load %arg14[%swap3A] {strides = array<i32>} : memref<81920xf32, #tpu.memory_space<vmem>>, vector<16xf32>,
          tpu.vector_store %arg14[%swap3A], %mul3A_102 {add = true, strides = array<i32>} : memref<81920xf32, #tpu.memory_space<vmem>>, vector<16xf32>,
          %get3A_104 = arith.index_cast %while3A_85 : i32 to index
          %get3A_105 = arith.constant 16 : index
          %get3A_106 = tpu.vector_load %arg13[%get3A_104, %get3A_105] {strides = array<i32>} : memref<64x256xf32, #tpu.memory_space<vmem>>, vector<16xf32>,
          %mul3A_107 = arith.constant 256 : i32
          %mul3A_108 = arith.muli %squeeze3A, %mul3A_107 : i32
          %add3A_109 = arith.constant 16 : i32
          %add3A_110 = arith.addi %mul3A_108, %add3A_109 : i32
          %mul3A_111 = arith.mulf %broadcast_in_dim3A, %get3A_106 : vector<16xf32>
          %swap3A_112 = arith.index_cast %add3A_110 : i32 to index
          %swap3A_113 = tpu.vector_load %arg14[%swap3A_112] {strides = array<i32>} : memref<81920xf32, #tpu.memory_space<vmem>>, vector<16xf32>,
          tpu.vector_store %arg14[%swap3A_112], %mul3A_111 {add = true, strides = array<i32>} : memref<81920xf32, #tpu.memory_space<vmem>>, vector<16xf32>,
          %get3A_114 = arith.index_cast %while3A_85 : i32 to index
          %get3A_115 = arith.constant 32 : index
          %get3A_116 = tpu.vector_load %arg13[%get3A_114, %get3A_115] {strides = array<i32>} : memref<64x256xf32, #tpu.memory_space<vmem>>, vector<16xf32>,
          %mul3A_117 = arith.constant 256 : i32
          %mul3A_118 = arith.muli %squeeze3A, %mul3A_117 : i32
          %add3A_119 = arith.constant 32 : i32
          %add3A_120 = arith.addi %mul3A_118, %add3A_119 : i32
          %mul3A_121 = arith.mulf %broadcast_in_dim3A, %get3A_116 : vector<16xf32>
          %swap3A_122 = arith.index_cast %add3A_120 : i32 to index
          %swap3A_123 = tpu.vector_load %arg14[%swap3A_122] {strides = array<i32>} : memref<81920xf32, #tpu.memory_space<vmem>>, vector<16xf32>,
          tpu.vector_store %arg14[%swap3A_122], %mul3A_121 {add = true, strides = array<i32>} : memref<81920xf32, #tpu.memory_space<vmem>>, vector<16xf32>,
          %get3A_124 = arith.index_cast %while3A_85 : i32 to index
          %get3A_125 = arith.constant 48 : index
          %get3A_126 = tpu.vector_load %arg13[%get3A_124, %get3A_125] {strides = array<i32>} : memref<64x256xf32, #tpu.memory_space<vmem>>, vector<16xf32>,
          %mul3A_127 = arith.constant 256 : i32
          %mul3A_128 = arith.muli %squeeze3A, %mul3A_127 : i32
          %add3A_129 = arith.constant 48 : i32
          %add3A_130 = arith.addi %mul3A_128, %add3A_129 : i32
          %mul3A_131 = arith.mulf %broadcast_in_dim3A, %get3A_126 : vector<16xf32>
          %swap3A_132 = arith.index_cast %add3A_130 : i32 to index
          %swap3A_133 = tpu.vector_load %arg14[%swap3A_132] {strides = array<i32>} : memref<81920xf32, #tpu.memory_space<vmem>>, vector<16xf32>,
          tpu.vector_store %arg14[%swap3A_132], %mul3A_131 {add = true, strides = array<i32>} : memref<81920xf32, #tpu.memory_space<vmem>>, vector<16xf32>,
          %get3A_134 = arith.index_cast %while3A_85 : i32 to index
          %get3A_135 = arith.constant 64 : index
          %get3A_136 = tpu.vector_load %arg13[%get3A_134, %get3A_135] {strides = array<i32>} : memref<64x256xf32, #tpu.memory_space<vmem>>, vector<16xf32>,
          %mul3A_137 = arith.constant 256 : i32
          %mul3A_138 = arith.muli %squeeze3A, %mul3A_137 : i32
          %add3A_139 = arith.constant 64 : i32
          %add3A_140 = arith.addi %mul3A_138, %add3A_139 : i32
          %mul3A_141 = arith.mulf %broadcast_in_dim3A, %get3A_136 : vector<16xf32>
          %swap3A_142 = arith.index_cast %add3A_140 : i32 to index
          %swap3A_143 = tpu.vector_load %arg14[%swap3A_142] {strides = array<i32>} : memref<81920xf32, #tpu.memory_space<vmem>>, vector<16xf32>,
          tpu.vector_store %arg14[%swap3A_142], %mul3A_141 {add = true, strides = array<i32>} : memref<81920xf32, #tpu.memory_space<vmem>>, vector<16xf32>,
          %get3A_144 = arith.index_cast %while3A_85 : i32 to index
          %get3A_145 = arith.constant 80 : index
          %get3A_146 = tpu.vector_load %arg13[%get3A_144, %get3A_145] {strides = array<i32>} : memref<64x256xf32, #tpu.memory_space<vmem>>, vector<16xf32>,
          %mul3A_147 = arith.constant 256 : i32
          %mul3A_148 = arith.muli %squeeze3A, %mul3A_147 : i32
          %add3A_149 = arith.constant 80 : i32
          %add3A_150 = arith.addi %mul3A_148, %add3A_149 : i32
          %mul3A_151 = arith.mulf %broadcast_in_dim3A, %get3A_146 : vector<16xf32>
          %swap3A_152 = arith.index_cast %add3A_150 : i32 to index
          %swap3A_153 = tpu.vector_load %arg14[%swap3A_152] {strides = array<i32>} : memref<81920xf32, #tpu.memory_space<vmem>>, vector<16xf32>,
          tpu.vector_store %arg14[%swap3A_152], %mul3A_151 {add = true, strides = array<i32>} : memref<81920xf32, #tpu.memory_space<vmem>>, vector<16xf32>,
          %get3A_154 = arith.index_cast %while3A_85 : i32 to index
          %get3A_155 = arith.constant 96 : index
          %get3A_156 = tpu.vector_load %arg13[%get3A_154, %get3A_155] {strides = array<i32>} : memref<64x256xf32, #tpu.memory_space<vmem>>, vector<16xf32>,
          %mul3A_157 = arith.constant 256 : i32
          %mul3A_158 = arith.muli %squeeze3A, %mul3A_157 : i32
          %add3A_159 = arith.constant 96 : i32
          %add3A_160 = arith.addi %mul3A_158, %add3A_159 : i32
          %mul3A_161 = arith.mulf %broadcast_in_dim3A, %get3A_156 : vector<16xf32>
          %swap3A_162 = arith.index_cast %add3A_160 : i32 to index
          %swap3A_163 = tpu.vector_load %arg14[%swap3A_162] {strides = array<i32>} : memref<81920xf32, #tpu.memory_space<vmem>>, vector<16xf32>,
          tpu.vector_store %arg14[%swap3A_162], %mul3A_161 {add = true, strides = array<i32>} : memref<81920xf32, #tpu.memory_space<vmem>>, vector<16xf32>,
          %get3A_164 = arith.index_cast %while3A_85 : i32 to index
          %get3A_165 = arith.constant 112 : index
          %get3A_166 = tpu.vector_load %arg13[%get3A_164, %get3A_165] {strides = array<i32>} : memref<64x256xf32, #tpu.memory_space<vmem>>, vector<16xf32>,
          %mul3A_167 = arith.constant 256 : i32
          %mul3A_168 = arith.muli %squeeze3A, %mul3A_167 : i32
          %add3A_169 = arith.constant 112 : i32
          %add3A_170 = arith.addi %mul3A_168, %add3A_169 : i32
          %mul3A_171 = arith.mulf %broadcast_in_dim3A, %get3A_166 : vector<16xf32>
          %swap3A_172 = arith.index_cast %add3A_170 : i32 to index
          %swap3A_173 = tpu.vector_load %arg14[%swap3A_172] {strides = array<i32>} : memref<81920xf32, #tpu.memory_space<vmem>>, vector<16xf32>,
          tpu.vector_store %arg14[%swap3A_172], %mul3A_171 {add = true, strides = array<i32>} : memref<81920xf32, #tpu.memory_space<vmem>>, vector<16xf32>,
          %get3A_174 = arith.index_cast %while3A_85 : i32 to index
          %get3A_175 = arith.constant 128 : index
          %get3A_176 = tpu.vector_load %arg13[%get3A_174, %get3A_175] {strides = array<i32>} : memref<64x256xf32, #tpu.memory_space<vmem>>, vector<16xf32>,
          %mul3A_177 = arith.constant 256 : i32
          %mul3A_178 = arith.muli %squeeze3A, %mul3A_177 : i32
          %add3A_179 = arith.constant 128 : i32
          %add3A_180 = arith.addi %mul3A_178, %add3A_179 : i32
          %mul3A_181 = arith.mulf %broadcast_in_dim3A, %get3A_176 : vector<16xf32>
          %swap3A_182 = arith.index_cast %add3A_180 : i32 to index
          %swap3A_183 = tpu.vector_load %arg14[%swap3A_182] {strides = array<i32>} : memref<81920xf32, #tpu.memory_space<vmem>>, vector<16xf32>,
          tpu.vector_store %arg14[%swap3A_182], %mul3A_181 {add = true, strides = array<i32>} : memref<81920xf32, #tpu.memory_space<vmem>>, vector<16xf32>,
          %get3A_184 = arith.index_cast %while3A_85 : i32 to index
          %get3A_185 = arith.constant 144 : index
          %get3A_186 = tpu.vector_load %arg13[%get3A_184, %get3A_185] {strides = array<i32>} : memref<64x256xf32, #tpu.memory_space<vmem>>, vector<16xf32>,
          %mul3A_187 = arith.constant 256 : i32
          %mul3A_188 = arith.muli %squeeze3A, %mul3A_187 : i32
          %add3A_189 = arith.constant 144 : i32
          %add3A_190 = arith.addi %mul3A_188, %add3A_189 : i32
          %mul3A_191 = arith.mulf %broadcast_in_dim3A, %get3A_186 : vector<16xf32>
          %swap3A_192 = arith.index_cast %add3A_190 : i32 to index
          %swap3A_193 = tpu.vector_load %arg14[%swap3A_192] {strides = array<i32>} : memref<81920xf32, #tpu.memory_space<vmem>>, vector<16xf32>,
          tpu.vector_store %arg14[%swap3A_192], %mul3A_191 {add = true, strides = array<i32>} : memref<81920xf32, #tpu.memory_space<vmem>>, vector<16xf32>,
          %get3A_194 = arith.index_cast %while3A_85 : i32 to index
          %get3A_195 = arith.constant 160 : index
          %get3A_196 = tpu.vector_load %arg13[%get3A_194, %get3A_195] {strides = array<i32>} : memref<64x256xf32, #tpu.memory_space<vmem>>, vector<16xf32>,
          %mul3A_197 = arith.constant 256 : i32
          %mul3A_198 = arith.muli %squeeze3A, %mul3A_197 : i32
          %add3A_199 = arith.constant 160 : i32
          %add3A_200 = arith.addi %mul3A_198, %add3A_199 : i32
          %mul3A_201 = arith.mulf %broadcast_in_dim3A, %get3A_196 : vector<16xf32>
          %swap3A_202 = arith.index_cast %add3A_200 : i32 to index
          %swap3A_203 = tpu.vector_load %arg14[%swap3A_202] {strides = array<i32>} : memref<81920xf32, #tpu.memory_space<vmem>>, vector<16xf32>,
          tpu.vector_store %arg14[%swap3A_202], %mul3A_201 {add = true, strides = array<i32>} : memref<81920xf32, #tpu.memory_space<vmem>>, vector<16xf32>,
          %get3A_204 = arith.index_cast %while3A_85 : i32 to index
          %get3A_205 = arith.constant 176 : index
          %get3A_206 = tpu.vector_load %arg13[%get3A_204, %get3A_205] {strides = array<i32>} : memref<64x256xf32, #tpu.memory_space<vmem>>, vector<16xf32>,
          %mul3A_207 = arith.constant 256 : i32
          %mul3A_208 = arith.muli %squeeze3A, %mul3A_207 : i32
          %add3A_209 = arith.constant 176 : i32
          %add3A_210 = arith.addi %mul3A_208, %add3A_209 : i32
          %mul3A_211 = arith.mulf %broadcast_in_dim3A, %get3A_206 : vector<16xf32>
          %swap3A_212 = arith.index_cast %add3A_210 : i32 to index
          %swap3A_213 = tpu.vector_load %arg14[%swap3A_212] {strides = array<i32>} : memref<81920xf32, #tpu.memory_space<vmem>>, vector<16xf32>,
          tpu.vector_store %arg14[%swap3A_212], %mul3A_211 {add = true, strides = array<i32>} : memref<81920xf32, #tpu.memory_space<vmem>>, vector<16xf32>,
          %get3A_214 = arith.index_cast %while3A_85 : i32 to index
          %get3A_215 = arith.constant 192 : index
          %get3A_216 = tpu.vector_load %arg13[%get3A_214, %get3A_215] {strides = array<i32>} : memref<64x256xf32, #tpu.memory_space<vmem>>, vector<16xf32>,
          %mul3A_217 = arith.constant 256 : i32
          %mul3A_218 = arith.muli %squeeze3A, %mul3A_217 : i32
          %add3A_219 = arith.constant 192 : i32
          %add3A_220 = arith.addi %mul3A_218, %add3A_219 : i32
          %mul3A_221 = arith.mulf %broadcast_in_dim3A, %get3A_216 : vector<16xf32>
          %swap3A_222 = arith.index_cast %add3A_220 : i32 to index
          %swap3A_223 = tpu.vector_load %arg14[%swap3A_222] {strides = array<i32>} : memref<81920xf32, #tpu.memory_space<vmem>>, vector<16xf32>,
          tpu.vector_store %arg14[%swap3A_222], %mul3A_221 {add = true, strides = array<i32>} : memref<81920xf32, #tpu.memory_space<vmem>>, vector<16xf32>,
          %get3A_224 = arith.index_cast %while3A_85 : i32 to index
          %get3A_225 = arith.constant 208 : index
          %get3A_226 = tpu.vector_load %arg13[%get3A_224, %get3A_225] {strides = array<i32>} : memref<64x256xf32, #tpu.memory_space<vmem>>, vector<16xf32>,
          %mul3A_227 = arith.constant 256 : i32
          %mul3A_228 = arith.muli %squeeze3A, %mul3A_227 : i32
          %add3A_229 = arith.constant 208 : i32
          %add3A_230 = arith.addi %mul3A_228, %add3A_229 : i32
          %mul3A_231 = arith.mulf %broadcast_in_dim3A, %get3A_226 : vector<16xf32>
          %swap3A_232 = arith.index_cast %add3A_230 : i32 to index
          %swap3A_233 = tpu.vector_load %arg14[%swap3A_232] {strides = array<i32>} : memref<81920xf32, #tpu.memory_space<vmem>>, vector<16xf32>,
          tpu.vector_store %arg14[%swap3A_232], %mul3A_231 {add = true, strides = array<i32>} : memref<81920xf32, #tpu.memory_space<vmem>>, vector<16xf32>,
          %get3A_234 = arith.index_cast %while3A_85 : i32 to index
          %get3A_235 = arith.constant 224 : index
          %get3A_236 = tpu.vector_load %arg13[%get3A_234, %get3A_235] {strides = array<i32>} : memref<64x256xf32, #tpu.memory_space<vmem>>, vector<16xf32>,
          %mul3A_237 = arith.constant 256 : i32
          %mul3A_238 = arith.muli %squeeze3A, %mul3A_237 : i32
          %add3A_239 = arith.constant 224 : i32
          %add3A_240 = arith.addi %mul3A_238, %add3A_239 : i32
          %mul3A_241 = arith.mulf %broadcast_in_dim3A, %get3A_236 : vector<16xf32>
          %swap3A_242 = arith.index_cast %add3A_240 : i32 to index
          %swap3A_243 = tpu.vector_load %arg14[%swap3A_242] {strides = array<i32>} : memref<81920xf32, #tpu.memory_space<vmem>>, vector<16xf32>,
          tpu.vector_store %arg14[%swap3A_242], %mul3A_241 {add = true, strides = array<i32>} : memref<81920xf32, #tpu.memory_space<vmem>>, vector<16xf32>,
          %get3A_244 = arith.index_cast %while3A_85 : i32 to index
          %get3A_245 = arith.constant 240 : index
          %get3A_246 = tpu.vector_load %arg13[%get3A_244, %get3A_245] {strides = array<i32>} : memref<64x256xf32, #tpu.memory_space<vmem>>, vector<16xf32>,
          %mul3A_247 = arith.constant 256 : i32
          %mul3A_248 = arith.muli %squeeze3A, %mul3A_247 : i32
          %add3A_249 = arith.constant 240 : i32
          %add3A_250 = arith.addi %mul3A_248, %add3A_249 : i32
          %mul3A_251 = arith.mulf %broadcast_in_dim3A, %get3A_246 : vector<16xf32>
          %swap3A_252 = arith.index_cast %add3A_250 : i32 to index
          %swap3A_253 = tpu.vector_load %arg14[%swap3A_252] {strides = array<i32>} : memref<81920xf32, #tpu.memory_space<vmem>>, vector<16xf32>,
          tpu.vector_store %arg14[%swap3A_252], %mul3A_251 {add = true, strides = array<i32>} : memref<81920xf32, #tpu.memory_space<vmem>>, vector<16xf32>,
          %while3A_254 = arith.constant 0 : i32
          scf.yield %while3A_254 : i32
        }
        %while3A_82 = arith.constant 1 : i32
        %while3A_83 = scf.for %while3A_85 = %while3A_79 to %while3A_75 step %while3A_82 iter_args(%while3A_86 = %while3A_81) -> (i32)  : i32 {
          %mul3A_87 = arith.constant 64 : i32
          %mul3A_88 = arith.muli %while3A_64, %mul3A_87 : i32
          %add3A_89 = arith.addi %mul3A_88, %while3A_85 : i32
          %get3A = arith.index_cast %add3A_89 : i32 to index
          %get3A_90 = tpu.vector_load %arg11[%get3A] {strides = array<i32>} : memref<5024xi32, #tpu.memory_space<vmem>>, vector<16xi32>,
          %slice3A = vector.extract_strided_slice %get3A_90 {offsets = [0], sizes = [1], strides = [1]} : vector<16xi32> to vector<1xi32>
          %squeeze3A = vector.extract %slice3A[0] : i32 from vector<1xi32>
          %get3A_91 = arith.index_cast %add3A_89 : i32 to index
          %get3A_92 = tpu.vector_load %arg12[%get3A_91] {strides = array<i32>} : memref<5024xf32, #tpu.memory_space<vmem>>, vector<16xf32>,
          %slice3A_93 = vector.extract_strided_slice %get3A_92 {offsets = [0], sizes = [1], strides = [1]} : vector<16xf32> to vector<1xf32>
          %squeeze3A_94 = vector.extract %slice3A_93[0] : f32 from vector<1xf32>
          %broadcast_in_dim3A = vector.broadcast %squeeze3A_94 : f32 to vector<16xf32>
          %get3A_95 = arith.index_cast %while3A_85 : i32 to index
          %get3A_96 = arith.constant 0 : index
          %get3A_97 = tpu.vector_load %arg13[%get3A_95, %get3A_96] {strides = array<i32>} : memref<64x256xf32, #tpu.memory_space<vmem>>, vector<16xf32>,
          %mul3A_98 = arith.constant 256 : i32
          %mul3A_99 = arith.muli %squeeze3A, %mul3A_98 : i32
          %add3A_100 = arith.constant 0 : i32
          %add3A_101 = arith.addi %mul3A_99, %add3A_100 : i32
          %mul3A_102 = arith.mulf %broadcast_in_dim3A, %get3A_97 : vector<16xf32>
          %swap3A = arith.index_cast %add3A_101 : i32 to index
          %swap3A_103 = tpu.vector_load %arg14[%swap3A] {strides = array<i32>} : memref<81920xf32, #tpu.memory_space<vmem>>, vector<16xf32>,
          tpu.vector_store %arg14[%swap3A], %mul3A_102 {add = true, strides = array<i32>} : memref<81920xf32, #tpu.memory_space<vmem>>, vector<16xf32>,
          %get3A_104 = arith.index_cast %while3A_85 : i32 to index
          %get3A_105 = arith.constant 16 : index
          %get3A_106 = tpu.vector_load %arg13[%get3A_104, %get3A_105] {strides = array<i32>} : memref<64x256xf32, #tpu.memory_space<vmem>>, vector<16xf32>,
          %mul3A_107 = arith.constant 256 : i32
          %mul3A_108 = arith.muli %squeeze3A, %mul3A_107 : i32
          %add3A_109 = arith.constant 16 : i32
          %add3A_110 = arith.addi %mul3A_108, %add3A_109 : i32
          %mul3A_111 = arith.mulf %broadcast_in_dim3A, %get3A_106 : vector<16xf32>
          %swap3A_112 = arith.index_cast %add3A_110 : i32 to index
          %swap3A_113 = tpu.vector_load %arg14[%swap3A_112] {strides = array<i32>} : memref<81920xf32, #tpu.memory_space<vmem>>, vector<16xf32>,
          tpu.vector_store %arg14[%swap3A_112], %mul3A_111 {add = true, strides = array<i32>} : memref<81920xf32, #tpu.memory_space<vmem>>, vector<16xf32>,
          %get3A_114 = arith.index_cast %while3A_85 : i32 to index
          %get3A_115 = arith.constant 32 : index
          %get3A_116 = tpu.vector_load %arg13[%get3A_114, %get3A_115] {strides = array<i32>} : memref<64x256xf32, #tpu.memory_space<vmem>>, vector<16xf32>,
          %mul3A_117 = arith.constant 256 : i32
          %mul3A_118 = arith.muli %squeeze3A, %mul3A_117 : i32
          %add3A_119 = arith.constant 32 : i32
          %add3A_120 = arith.addi %mul3A_118, %add3A_119 : i32
          %mul3A_121 = arith.mulf %broadcast_in_dim3A, %get3A_116 : vector<16xf32>
          %swap3A_122 = arith.index_cast %add3A_120 : i32 to index
          %swap3A_123 = tpu.vector_load %arg14[%swap3A_122] {strides = array<i32>} : memref<81920xf32, #tpu.memory_space<vmem>>, vector<16xf32>,
          tpu.vector_store %arg14[%swap3A_122], %mul3A_121 {add = true, strides = array<i32>} : memref<81920xf32, #tpu.memory_space<vmem>>, vector<16xf32>,
          %get3A_124 = arith.index_cast %while3A_85 : i32 to index
          %get3A_125 = arith.constant 48 : index
          %get3A_126 = tpu.vector_load %arg13[%get3A_124, %get3A_125] {strides = array<i32>} : memref<64x256xf32, #tpu.memory_space<vmem>>, vector<16xf32>,
          %mul3A_127 = arith.constant 256 : i32
          %mul3A_128 = arith.muli %squeeze3A, %mul3A_127 : i32
          %add3A_129 = arith.constant 48 : i32
          %add3A_130 = arith.addi %mul3A_128, %add3A_129 : i32
          %mul3A_131 = arith.mulf %broadcast_in_dim3A, %get3A_126 : vector<16xf32>
          %swap3A_132 = arith.index_cast %add3A_130 : i32 to index
          %swap3A_133 = tpu.vector_load %arg14[%swap3A_132] {strides = array<i32>} : memref<81920xf32, #tpu.memory_space<vmem>>, vector<16xf32>,
          tpu.vector_store %arg14[%swap3A_132], %mul3A_131 {add = true, strides = array<i32>} : memref<81920xf32, #tpu.memory_space<vmem>>, vector<16xf32>,
          %get3A_134 = arith.index_cast %while3A_85 : i32 to index
          %get3A_135 = arith.constant 64 : index
          %get3A_136 = tpu.vector_load %arg13[%get3A_134, %get3A_135] {strides = array<i32>} : memref<64x256xf32, #tpu.memory_space<vmem>>, vector<16xf32>,
          %mul3A_137 = arith.constant 256 : i32
          %mul3A_138 = arith.muli %squeeze3A, %mul3A_137 : i32
          %add3A_139 = arith.constant 64 : i32
          %add3A_140 = arith.addi %mul3A_138, %add3A_139 : i32
          %mul3A_141 = arith.mulf %broadcast_in_dim3A, %get3A_136 : vector<16xf32>
          %swap3A_142 = arith.index_cast %add3A_140 : i32 to index
          %swap3A_143 = tpu.vector_load %arg14[%swap3A_142] {strides = array<i32>} : memref<81920xf32, #tpu.memory_space<vmem>>, vector<16xf32>,
          tpu.vector_store %arg14[%swap3A_142], %mul3A_141 {add = true, strides = array<i32>} : memref<81920xf32, #tpu.memory_space<vmem>>, vector<16xf32>,
          %get3A_144 = arith.index_cast %while3A_85 : i32 to index
          %get3A_145 = arith.constant 80 : index
          %get3A_146 = tpu.vector_load %arg13[%get3A_144, %get3A_145] {strides = array<i32>} : memref<64x256xf32, #tpu.memory_space<vmem>>, vector<16xf32>,
          %mul3A_147 = arith.constant 256 : i32
          %mul3A_148 = arith.muli %squeeze3A, %mul3A_147 : i32
          %add3A_149 = arith.constant 80 : i32
          %add3A_150 = arith.addi %mul3A_148, %add3A_149 : i32
          %mul3A_151 = arith.mulf %broadcast_in_dim3A, %get3A_146 : vector<16xf32>
          %swap3A_152 = arith.index_cast %add3A_150 : i32 to index
          %swap3A_153 = tpu.vector_load %arg14[%swap3A_152] {strides = array<i32>} : memref<81920xf32, #tpu.memory_space<vmem>>, vector<16xf32>,
          tpu.vector_store %arg14[%swap3A_152], %mul3A_151 {add = true, strides = array<i32>} : memref<81920xf32, #tpu.memory_space<vmem>>, vector<16xf32>,
          %get3A_154 = arith.index_cast %while3A_85 : i32 to index
          %get3A_155 = arith.constant 96 : index
          %get3A_156 = tpu.vector_load %arg13[%get3A_154, %get3A_155] {strides = array<i32>} : memref<64x256xf32, #tpu.memory_space<vmem>>, vector<16xf32>,
          %mul3A_157 = arith.constant 256 : i32
          %mul3A_158 = arith.muli %squeeze3A, %mul3A_157 : i32
          %add3A_159 = arith.constant 96 : i32
          %add3A_160 = arith.addi %mul3A_158, %add3A_159 : i32
          %mul3A_161 = arith.mulf %broadcast_in_dim3A, %get3A_156 : vector<16xf32>
          %swap3A_162 = arith.index_cast %add3A_160 : i32 to index
          %swap3A_163 = tpu.vector_load %arg14[%swap3A_162] {strides = array<i32>} : memref<81920xf32, #tpu.memory_space<vmem>>, vector<16xf32>,
          tpu.vector_store %arg14[%swap3A_162], %mul3A_161 {add = true, strides = array<i32>} : memref<81920xf32, #tpu.memory_space<vmem>>, vector<16xf32>,
          %get3A_164 = arith.index_cast %while3A_85 : i32 to index
          %get3A_165 = arith.constant 112 : index
          %get3A_166 = tpu.vector_load %arg13[%get3A_164, %get3A_165] {strides = array<i32>} : memref<64x256xf32, #tpu.memory_space<vmem>>, vector<16xf32>,
          %mul3A_167 = arith.constant 256 : i32
          %mul3A_168 = arith.muli %squeeze3A, %mul3A_167 : i32
          %add3A_169 = arith.constant 112 : i32
          %add3A_170 = arith.addi %mul3A_168, %add3A_169 : i32
          %mul3A_171 = arith.mulf %broadcast_in_dim3A, %get3A_166 : vector<16xf32>
          %swap3A_172 = arith.index_cast %add3A_170 : i32 to index
          %swap3A_173 = tpu.vector_load %arg14[%swap3A_172] {strides = array<i32>} : memref<81920xf32, #tpu.memory_space<vmem>>, vector<16xf32>,
          tpu.vector_store %arg14[%swap3A_172], %mul3A_171 {add = true, strides = array<i32>} : memref<81920xf32, #tpu.memory_space<vmem>>, vector<16xf32>,
          %get3A_174 = arith.index_cast %while3A_85 : i32 to index
          %get3A_175 = arith.constant 128 : index
          %get3A_176 = tpu.vector_load %arg13[%get3A_174, %get3A_175] {strides = array<i32>} : memref<64x256xf32, #tpu.memory_space<vmem>>, vector<16xf32>,
          %mul3A_177 = arith.constant 256 : i32
          %mul3A_178 = arith.muli %squeeze3A, %mul3A_177 : i32
          %add3A_179 = arith.constant 128 : i32
          %add3A_180 = arith.addi %mul3A_178, %add3A_179 : i32
          %mul3A_181 = arith.mulf %broadcast_in_dim3A, %get3A_176 : vector<16xf32>
          %swap3A_182 = arith.index_cast %add3A_180 : i32 to index
          %swap3A_183 = tpu.vector_load %arg14[%swap3A_182] {strides = array<i32>} : memref<81920xf32, #tpu.memory_space<vmem>>, vector<16xf32>,
          tpu.vector_store %arg14[%swap3A_182], %mul3A_181 {add = true, strides = array<i32>} : memref<81920xf32, #tpu.memory_space<vmem>>, vector<16xf32>,
          %get3A_184 = arith.index_cast %while3A_85 : i32 to index
          %get3A_185 = arith.constant 144 : index
          %get3A_186 = tpu.vector_load %arg13[%get3A_184, %get3A_185] {strides = array<i32>} : memref<64x256xf32, #tpu.memory_space<vmem>>, vector<16xf32>,
          %mul3A_187 = arith.constant 256 : i32
          %mul3A_188 = arith.muli %squeeze3A, %mul3A_187 : i32
          %add3A_189 = arith.constant 144 : i32
          %add3A_190 = arith.addi %mul3A_188, %add3A_189 : i32
          %mul3A_191 = arith.mulf %broadcast_in_dim3A, %get3A_186 : vector<16xf32>
          %swap3A_192 = arith.index_cast %add3A_190 : i32 to index
          %swap3A_193 = tpu.vector_load %arg14[%swap3A_192] {strides = array<i32>} : memref<81920xf32, #tpu.memory_space<vmem>>, vector<16xf32>,
          tpu.vector_store %arg14[%swap3A_192], %mul3A_191 {add = true, strides = array<i32>} : memref<81920xf32, #tpu.memory_space<vmem>>, vector<16xf32>,
          %get3A_194 = arith.index_cast %while3A_85 : i32 to index
          %get3A_195 = arith.constant 160 : index
          %get3A_196 = tpu.vector_load %arg13[%get3A_194, %get3A_195] {strides = array<i32>} : memref<64x256xf32, #tpu.memory_space<vmem>>, vector<16xf32>,
          %mul3A_197 = arith.constant 256 : i32
          %mul3A_198 = arith.muli %squeeze3A, %mul3A_197 : i32
          %add3A_199 = arith.constant 160 : i32
          %add3A_200 = arith.addi %mul3A_198, %add3A_199 : i32
          %mul3A_201 = arith.mulf %broadcast_in_dim3A, %get3A_196 : vector<16xf32>
          %swap3A_202 = arith.index_cast %add3A_200 : i32 to index
          %swap3A_203 = tpu.vector_load %arg14[%swap3A_202] {strides = array<i32>} : memref<81920xf32, #tpu.memory_space<vmem>>, vector<16xf32>,
          tpu.vector_store %arg14[%swap3A_202], %mul3A_201 {add = true, strides = array<i32>} : memref<81920xf32, #tpu.memory_space<vmem>>, vector<16xf32>,
          %get3A_204 = arith.index_cast %while3A_85 : i32 to index
          %get3A_205 = arith.constant 176 : index
          %get3A_206 = tpu.vector_load %arg13[%get3A_204, %get3A_205] {strides = array<i32>} : memref<64x256xf32, #tpu.memory_space<vmem>>, vector<16xf32>,
          %mul3A_207 = arith.constant 256 : i32
          %mul3A_208 = arith.muli %squeeze3A, %mul3A_207 : i32
          %add3A_209 = arith.constant 176 : i32
          %add3A_210 = arith.addi %mul3A_208, %add3A_209 : i32
          %mul3A_211 = arith.mulf %broadcast_in_dim3A, %get3A_206 : vector<16xf32>
          %swap3A_212 = arith.index_cast %add3A_210 : i32 to index
          %swap3A_213 = tpu.vector_load %arg14[%swap3A_212] {strides = array<i32>} : memref<81920xf32, #tpu.memory_space<vmem>>, vector<16xf32>,
          tpu.vector_store %arg14[%swap3A_212], %mul3A_211 {add = true, strides = array<i32>} : memref<81920xf32, #tpu.memory_space<vmem>>, vector<16xf32>,
          %get3A_214 = arith.index_cast %while3A_85 : i32 to index
          %get3A_215 = arith.constant 192 : index
          %get3A_216 = tpu.vector_load %arg13[%get3A_214, %get3A_215] {strides = array<i32>} : memref<64x256xf32, #tpu.memory_space<vmem>>, vector<16xf32>,
          %mul3A_217 = arith.constant 256 : i32
          %mul3A_218 = arith.muli %squeeze3A, %mul3A_217 : i32
          %add3A_219 = arith.constant 192 : i32
          %add3A_220 = arith.addi %mul3A_218, %add3A_219 : i32
          %mul3A_221 = arith.mulf %broadcast_in_dim3A, %get3A_216 : vector<16xf32>
          %swap3A_222 = arith.index_cast %add3A_220 : i32 to index
          %swap3A_223 = tpu.vector_load %arg14[%swap3A_222] {strides = array<i32>} : memref<81920xf32, #tpu.memory_space<vmem>>, vector<16xf32>,
          tpu.vector_store %arg14[%swap3A_222], %mul3A_221 {add = true, strides = array<i32>} : memref<81920xf32, #tpu.memory_space<vmem>>, vector<16xf32>,
          %get3A_224 = arith.index_cast %while3A_85 : i32 to index
          %get3A_225 = arith.constant 208 : index
          %get3A_226 = tpu.vector_load %arg13[%get3A_224, %get3A_225] {strides = array<i32>} : memref<64x256xf32, #tpu.memory_space<vmem>>, vector<16xf32>,
          %mul3A_227 = arith.constant 256 : i32
          %mul3A_228 = arith.muli %squeeze3A, %mul3A_227 : i32
          %add3A_229 = arith.constant 208 : i32
          %add3A_230 = arith.addi %mul3A_228, %add3A_229 : i32
          %mul3A_231 = arith.mulf %broadcast_in_dim3A, %get3A_226 : vector<16xf32>
          %swap3A_232 = arith.index_cast %add3A_230 : i32 to index
          %swap3A_233 = tpu.vector_load %arg14[%swap3A_232] {strides = array<i32>} : memref<81920xf32, #tpu.memory_space<vmem>>, vector<16xf32>,
          tpu.vector_store %arg14[%swap3A_232], %mul3A_231 {add = true, strides = array<i32>} : memref<81920xf32, #tpu.memory_space<vmem>>, vector<16xf32>,
          %get3A_234 = arith.index_cast %while3A_85 : i32 to index
          %get3A_235 = arith.constant 224 : index
          %get3A_236 = tpu.vector_load %arg13[%get3A_234, %get3A_235] {strides = array<i32>} : memref<64x256xf32, #tpu.memory_space<vmem>>, vector<16xf32>,
          %mul3A_237 = arith.constant 256 : i32
          %mul3A_238 = arith.muli %squeeze3A, %mul3A_237 : i32
          %add3A_239 = arith.constant 224 : i32
          %add3A_240 = arith.addi %mul3A_238, %add3A_239 : i32
          %mul3A_241 = arith.mulf %broadcast_in_dim3A, %get3A_236 : vector<16xf32>
          %swap3A_242 = arith.index_cast %add3A_240 : i32 to index
          %swap3A_243 = tpu.vector_load %arg14[%swap3A_242] {strides = array<i32>} : memref<81920xf32, #tpu.memory_space<vmem>>, vector<16xf32>,
          tpu.vector_store %arg14[%swap3A_242], %mul3A_241 {add = true, strides = array<i32>} : memref<81920xf32, #tpu.memory_space<vmem>>, vector<16xf32>,
          %get3A_244 = arith.index_cast %while3A_85 : i32 to index
          %get3A_245 = arith.constant 240 : index
          %get3A_246 = tpu.vector_load %arg13[%get3A_244, %get3A_245] {strides = array<i32>} : memref<64x256xf32, #tpu.memory_space<vmem>>, vector<16xf32>,
          %mul3A_247 = arith.constant 256 : i32
          %mul3A_248 = arith.muli %squeeze3A, %mul3A_247 : i32
          %add3A_249 = arith.constant 240 : i32
          %add3A_250 = arith.addi %mul3A_248, %add3A_249 : i32
          %mul3A_251 = arith.mulf %broadcast_in_dim3A, %get3A_246 : vector<16xf32>
          %swap3A_252 = arith.index_cast %add3A_250 : i32 to index
          %swap3A_253 = tpu.vector_load %arg14[%swap3A_252] {strides = array<i32>} : memref<81920xf32, #tpu.memory_space<vmem>>, vector<16xf32>,
          tpu.vector_store %arg14[%swap3A_252], %mul3A_251 {add = true, strides = array<i32>} : memref<81920xf32, #tpu.memory_space<vmem>>, vector<16xf32>,
          %while3A_254 = arith.constant 0 : i32
          scf.yield %while3A_254 : i32
        }
        %while3A_84 = arith.constant 0 : i32
        scf.yield %while3A_84 : i32
      }
      %while3A_62 = arith.constant 1 : i32
      %while3A_63 = scf.for %while3A_64 = %while3A_59 to %while3A_55 step %while3A_62 iter_args(%while3A_65 = %while3A_61) -> (i32)  : i32 {
        %mul3A_66 = arith.constant 64 : i32
        %mul3A_67 = arith.muli %while3A_64, %mul3A_66 : i32
        "tpu.region"() ({
          %run_scoped3A = tpu.sem_alloc : memref<!tpu.dma_semaphore, #tpu.memory_space<semaphore_mem>>
          %dma_start3A = tpu.memref_slice %arg10[%mul3A_67] : memref<5008xi32, #tpu.memory_space<vmem>> -> memref<64xi32, #tpu.memory_space<vmem>>
          %dma_start3A_85 = arith.constant 0 : i32
          %dma_start3A_86 = arith.constant 0 : i32
          %dma_start3A_87 = tpu.memref_slice %arg2[%dma_start3A_85, %dma_start3A_86] : memref<10000x256xf32, #tpu.memory_space<hbm>> -> memref<10000x256xf32, #tpu.memory_space<hbm>>
          tpu.enqueue_indirect_dma source(%dma_start3A_87 : memref<10000x256xf32, #tpu.memory_space<hbm>>) target(%arg13 : memref<64x256xf32, #tpu.memory_space<vmem>>) offsets(%dma_start3A : memref<64xi32, #tpu.memory_space<vmem>>) semaphore(%run_scoped3A : memref<!tpu.dma_semaphore, #tpu.memory_space<semaphore_mem>>)
          %dma_wait3A = tpu.memref_slice %arg10[%mul3A_67] : memref<5008xi32, #tpu.memory_space<vmem>> -> memref<64xi32, #tpu.memory_space<vmem>>
          %dma_wait3A_88 = arith.constant 0 : i32
          %dma_wait3A_89 = arith.constant 0 : i32
          %dma_wait3A_90 = tpu.memref_slice %arg2[%dma_wait3A_88, %dma_wait3A_89] : memref<10000x256xf32, #tpu.memory_space<hbm>> -> memref<10000x256xf32, #tpu.memory_space<hbm>>
          tpu.wait_indirect_dma semaphore(%run_scoped3A : memref<!tpu.dma_semaphore, #tpu.memory_space<semaphore_mem>>) src(%dma_wait3A_90 : memref<10000x256xf32, #tpu.memory_space<hbm>>) dst(%arg13 : memref<64x256xf32, #tpu.memory_space<vmem>>)
          tpu.yield
        }) : () -> ()
        %mul3A_68 = arith.constant 64 : i32
        %mul3A_69 = arith.muli %while3A_64, %mul3A_68 : i32
        %sub3A_70 = arith.subi %scan3A_31, %mul3A_69 : i32
        %min3A = arith.constant 64 : i32
        %min3A_71 = arith.minsi %sub3A_70, %min3A : i32
        %while3A_72 = arith.constant 0 : i32
        %while3A_73 = arith.constant 0 : i32
        %while3A_74 = arith.subi %min3A_71, %while3A_72 : i32
        %while3A_75 = arith.addi %while3A_72, %while3A_74 : i32
        %while3A_76 = arith.constant 1 : i32
        %while3A_77 = arith.divsi %while3A_74, %while3A_76 : i32
        %while3A_78 = arith.muli %while3A_77, %while3A_76 : i32
        %while3A_79 = arith.addi %while3A_72, %while3A_78 : i32
        %while3A_80 = arith.constant 1 : i32
        %while3A_81 = scf.for %while3A_85 = %while3A_72 to %while3A_79 step %while3A_80 iter_args(%while3A_86 = %while3A_73) -> (i32)  : i32 {
          %mul3A_87 = arith.constant 64 : i32
          %mul3A_88 = arith.muli %while3A_64, %mul3A_87 : i32
          %add3A_89 = arith.addi %mul3A_88, %while3A_85 : i32
          %get3A = arith.index_cast %add3A_89 : i32 to index
          %get3A_90 = tpu.vector_load %arg11[%get3A] {strides = array<i32>} : memref<5024xi32, #tpu.memory_space<vmem>>, vector<16xi32>,
          %slice3A = vector.extract_strided_slice %get3A_90 {offsets = [0], sizes = [1], strides = [1]} : vector<16xi32> to vector<1xi32>
          %squeeze3A = vector.extract %slice3A[0] : i32 from vector<1xi32>
          %get3A_91 = arith.index_cast %add3A_89 : i32 to index
          %get3A_92 = tpu.vector_load %arg12[%get3A_91] {strides = array<i32>} : memref<5024xf32, #tpu.memory_space<vmem>>, vector<16xf32>,
          %slice3A_93 = vector.extract_strided_slice %get3A_92 {offsets = [0], sizes = [1], strides = [1]} : vector<16xf32> to vector<1xf32>
          %squeeze3A_94 = vector.extract %slice3A_93[0] : f32 from vector<1xf32>
          %broadcast_in_dim3A = vector.broadcast %squeeze3A_94 : f32 to vector<16xf32>
          %get3A_95 = arith.index_cast %while3A_85 : i32 to index
          %get3A_96 = arith.constant 0 : index
          %get3A_97 = tpu.vector_load %arg13[%get3A_95, %get3A_96] {strides = array<i32>} : memref<64x256xf32, #tpu.memory_space<vmem>>, vector<16xf32>,
          %mul3A_98 = arith.constant 256 : i32
          %mul3A_99 = arith.muli %squeeze3A, %mul3A_98 : i32
          %add3A_100 = arith.constant 0 : i32
          %add3A_101 = arith.addi %mul3A_99, %add3A_100 : i32
          %mul3A_102 = arith.mulf %broadcast_in_dim3A, %get3A_97 : vector<16xf32>
          %swap3A = arith.index_cast %add3A_101 : i32 to index
          %swap3A_103 = tpu.vector_load %arg14[%swap3A] {strides = array<i32>} : memref<81920xf32, #tpu.memory_space<vmem>>, vector<16xf32>,
          tpu.vector_store %arg14[%swap3A], %mul3A_102 {add = true, strides = array<i32>} : memref<81920xf32, #tpu.memory_space<vmem>>, vector<16xf32>,
          %get3A_104 = arith.index_cast %while3A_85 : i32 to index
          %get3A_105 = arith.constant 16 : index
          %get3A_106 = tpu.vector_load %arg13[%get3A_104, %get3A_105] {strides = array<i32>} : memref<64x256xf32, #tpu.memory_space<vmem>>, vector<16xf32>,
          %mul3A_107 = arith.constant 256 : i32
          %mul3A_108 = arith.muli %squeeze3A, %mul3A_107 : i32
          %add3A_109 = arith.constant 16 : i32
          %add3A_110 = arith.addi %mul3A_108, %add3A_109 : i32
          %mul3A_111 = arith.mulf %broadcast_in_dim3A, %get3A_106 : vector<16xf32>
          %swap3A_112 = arith.index_cast %add3A_110 : i32 to index
          %swap3A_113 = tpu.vector_load %arg14[%swap3A_112] {strides = array<i32>} : memref<81920xf32, #tpu.memory_space<vmem>>, vector<16xf32>,
          tpu.vector_store %arg14[%swap3A_112], %mul3A_111 {add = true, strides = array<i32>} : memref<81920xf32, #tpu.memory_space<vmem>>, vector<16xf32>,
          %get3A_114 = arith.index_cast %while3A_85 : i32 to index
          %get3A_115 = arith.constant 32 : index
          %get3A_116 = tpu.vector_load %arg13[%get3A_114, %get3A_115] {strides = array<i32>} : memref<64x256xf32, #tpu.memory_space<vmem>>, vector<16xf32>,
          %mul3A_117 = arith.constant 256 : i32
          %mul3A_118 = arith.muli %squeeze3A, %mul3A_117 : i32
          %add3A_119 = arith.constant 32 : i32
          %add3A_120 = arith.addi %mul3A_118, %add3A_119 : i32
          %mul3A_121 = arith.mulf %broadcast_in_dim3A, %get3A_116 : vector<16xf32>
          %swap3A_122 = arith.index_cast %add3A_120 : i32 to index
          %swap3A_123 = tpu.vector_load %arg14[%swap3A_122] {strides = array<i32>} : memref<81920xf32, #tpu.memory_space<vmem>>, vector<16xf32>,
          tpu.vector_store %arg14[%swap3A_122], %mul3A_121 {add = true, strides = array<i32>} : memref<81920xf32, #tpu.memory_space<vmem>>, vector<16xf32>,
          %get3A_124 = arith.index_cast %while3A_85 : i32 to index
          %get3A_125 = arith.constant 48 : index
          %get3A_126 = tpu.vector_load %arg13[%get3A_124, %get3A_125] {strides = array<i32>} : memref<64x256xf32, #tpu.memory_space<vmem>>, vector<16xf32>,
          %mul3A_127 = arith.constant 256 : i32
          %mul3A_128 = arith.muli %squeeze3A, %mul3A_127 : i32
          %add3A_129 = arith.constant 48 : i32
          %add3A_130 = arith.addi %mul3A_128, %add3A_129 : i32
          %mul3A_131 = arith.mulf %broadcast_in_dim3A, %get3A_126 : vector<16xf32>
          %swap3A_132 = arith.index_cast %add3A_130 : i32 to index
          %swap3A_133 = tpu.vector_load %arg14[%swap3A_132] {strides = array<i32>} : memref<81920xf32, #tpu.memory_space<vmem>>, vector<16xf32>,
          tpu.vector_store %arg14[%swap3A_132], %mul3A_131 {add = true, strides = array<i32>} : memref<81920xf32, #tpu.memory_space<vmem>>, vector<16xf32>,
          %get3A_134 = arith.index_cast %while3A_85 : i32 to index
          %get3A_135 = arith.constant 64 : index
          %get3A_136 = tpu.vector_load %arg13[%get3A_134, %get3A_135] {strides = array<i32>} : memref<64x256xf32, #tpu.memory_space<vmem>>, vector<16xf32>,
          %mul3A_137 = arith.constant 256 : i32
          %mul3A_138 = arith.muli %squeeze3A, %mul3A_137 : i32
          %add3A_139 = arith.constant 64 : i32
          %add3A_140 = arith.addi %mul3A_138, %add3A_139 : i32
          %mul3A_141 = arith.mulf %broadcast_in_dim3A, %get3A_136 : vector<16xf32>
          %swap3A_142 = arith.index_cast %add3A_140 : i32 to index
          %swap3A_143 = tpu.vector_load %arg14[%swap3A_142] {strides = array<i32>} : memref<81920xf32, #tpu.memory_space<vmem>>, vector<16xf32>,
          tpu.vector_store %arg14[%swap3A_142], %mul3A_141 {add = true, strides = array<i32>} : memref<81920xf32, #tpu.memory_space<vmem>>, vector<16xf32>,
          %get3A_144 = arith.index_cast %while3A_85 : i32 to index
          %get3A_145 = arith.constant 80 : index
          %get3A_146 = tpu.vector_load %arg13[%get3A_144, %get3A_145] {strides = array<i32>} : memref<64x256xf32, #tpu.memory_space<vmem>>, vector<16xf32>,
          %mul3A_147 = arith.constant 256 : i32
          %mul3A_148 = arith.muli %squeeze3A, %mul3A_147 : i32
          %add3A_149 = arith.constant 80 : i32
          %add3A_150 = arith.addi %mul3A_148, %add3A_149 : i32
          %mul3A_151 = arith.mulf %broadcast_in_dim3A, %get3A_146 : vector<16xf32>
          %swap3A_152 = arith.index_cast %add3A_150 : i32 to index
          %swap3A_153 = tpu.vector_load %arg14[%swap3A_152] {strides = array<i32>} : memref<81920xf32, #tpu.memory_space<vmem>>, vector<16xf32>,
          tpu.vector_store %arg14[%swap3A_152], %mul3A_151 {add = true, strides = array<i32>} : memref<81920xf32, #tpu.memory_space<vmem>>, vector<16xf32>,
          %get3A_154 = arith.index_cast %while3A_85 : i32 to index
          %get3A_155 = arith.constant 96 : index
          %get3A_156 = tpu.vector_load %arg13[%get3A_154, %get3A_155] {strides = array<i32>} : memref<64x256xf32, #tpu.memory_space<vmem>>, vector<16xf32>,
          %mul3A_157 = arith.constant 256 : i32
          %mul3A_158 = arith.muli %squeeze3A, %mul3A_157 : i32
          %add3A_159 = arith.constant 96 : i32
          %add3A_160 = arith.addi %mul3A_158, %add3A_159 : i32
          %mul3A_161 = arith.mulf %broadcast_in_dim3A, %get3A_156 : vector<16xf32>
          %swap3A_162 = arith.index_cast %add3A_160 : i32 to index
          %swap3A_163 = tpu.vector_load %arg14[%swap3A_162] {strides = array<i32>} : memref<81920xf32, #tpu.memory_space<vmem>>, vector<16xf32>,
          tpu.vector_store %arg14[%swap3A_162], %mul3A_161 {add = true, strides = array<i32>} : memref<81920xf32, #tpu.memory_space<vmem>>, vector<16xf32>,
          %get3A_164 = arith.index_cast %while3A_85 : i32 to index
          %get3A_165 = arith.constant 112 : index
          %get3A_166 = tpu.vector_load %arg13[%get3A_164, %get3A_165] {strides = array<i32>} : memref<64x256xf32, #tpu.memory_space<vmem>>, vector<16xf32>,
          %mul3A_167 = arith.constant 256 : i32
          %mul3A_168 = arith.muli %squeeze3A, %mul3A_167 : i32
          %add3A_169 = arith.constant 112 : i32
          %add3A_170 = arith.addi %mul3A_168, %add3A_169 : i32
          %mul3A_171 = arith.mulf %broadcast_in_dim3A, %get3A_166 : vector<16xf32>
          %swap3A_172 = arith.index_cast %add3A_170 : i32 to index
          %swap3A_173 = tpu.vector_load %arg14[%swap3A_172] {strides = array<i32>} : memref<81920xf32, #tpu.memory_space<vmem>>, vector<16xf32>,
          tpu.vector_store %arg14[%swap3A_172], %mul3A_171 {add = true, strides = array<i32>} : memref<81920xf32, #tpu.memory_space<vmem>>, vector<16xf32>,
          %get3A_174 = arith.index_cast %while3A_85 : i32 to index
          %get3A_175 = arith.constant 128 : index
          %get3A_176 = tpu.vector_load %arg13[%get3A_174, %get3A_175] {strides = array<i32>} : memref<64x256xf32, #tpu.memory_space<vmem>>, vector<16xf32>,
          %mul3A_177 = arith.constant 256 : i32
          %mul3A_178 = arith.muli %squeeze3A, %mul3A_177 : i32
          %add3A_179 = arith.constant 128 : i32
          %add3A_180 = arith.addi %mul3A_178, %add3A_179 : i32
          %mul3A_181 = arith.mulf %broadcast_in_dim3A, %get3A_176 : vector<16xf32>
          %swap3A_182 = arith.index_cast %add3A_180 : i32 to index
          %swap3A_183 = tpu.vector_load %arg14[%swap3A_182] {strides = array<i32>} : memref<81920xf32, #tpu.memory_space<vmem>>, vector<16xf32>,
          tpu.vector_store %arg14[%swap3A_182], %mul3A_181 {add = true, strides = array<i32>} : memref<81920xf32, #tpu.memory_space<vmem>>, vector<16xf32>,
          %get3A_184 = arith.index_cast %while3A_85 : i32 to index
          %get3A_185 = arith.constant 144 : index
          %get3A_186 = tpu.vector_load %arg13[%get3A_184, %get3A_185] {strides = array<i32>} : memref<64x256xf32, #tpu.memory_space<vmem>>, vector<16xf32>,
          %mul3A_187 = arith.constant 256 : i32
          %mul3A_188 = arith.muli %squeeze3A, %mul3A_187 : i32
          %add3A_189 = arith.constant 144 : i32
          %add3A_190 = arith.addi %mul3A_188, %add3A_189 : i32
          %mul3A_191 = arith.mulf %broadcast_in_dim3A, %get3A_186 : vector<16xf32>
          %swap3A_192 = arith.index_cast %add3A_190 : i32 to index
          %swap3A_193 = tpu.vector_load %arg14[%swap3A_192] {strides = array<i32>} : memref<81920xf32, #tpu.memory_space<vmem>>, vector<16xf32>,
          tpu.vector_store %arg14[%swap3A_192], %mul3A_191 {add = true, strides = array<i32>} : memref<81920xf32, #tpu.memory_space<vmem>>, vector<16xf32>,
          %get3A_194 = arith.index_cast %while3A_85 : i32 to index
          %get3A_195 = arith.constant 160 : index
          %get3A_196 = tpu.vector_load %arg13[%get3A_194, %get3A_195] {strides = array<i32>} : memref<64x256xf32, #tpu.memory_space<vmem>>, vector<16xf32>,
          %mul3A_197 = arith.constant 256 : i32
          %mul3A_198 = arith.muli %squeeze3A, %mul3A_197 : i32
          %add3A_199 = arith.constant 160 : i32
          %add3A_200 = arith.addi %mul3A_198, %add3A_199 : i32
          %mul3A_201 = arith.mulf %broadcast_in_dim3A, %get3A_196 : vector<16xf32>
          %swap3A_202 = arith.index_cast %add3A_200 : i32 to index
          %swap3A_203 = tpu.vector_load %arg14[%swap3A_202] {strides = array<i32>} : memref<81920xf32, #tpu.memory_space<vmem>>, vector<16xf32>,
          tpu.vector_store %arg14[%swap3A_202], %mul3A_201 {add = true, strides = array<i32>} : memref<81920xf32, #tpu.memory_space<vmem>>, vector<16xf32>,
          %get3A_204 = arith.index_cast %while3A_85 : i32 to index
          %get3A_205 = arith.constant 176 : index
          %get3A_206 = tpu.vector_load %arg13[%get3A_204, %get3A_205] {strides = array<i32>} : memref<64x256xf32, #tpu.memory_space<vmem>>, vector<16xf32>,
          %mul3A_207 = arith.constant 256 : i32
          %mul3A_208 = arith.muli %squeeze3A, %mul3A_207 : i32
          %add3A_209 = arith.constant 176 : i32
          %add3A_210 = arith.addi %mul3A_208, %add3A_209 : i32
          %mul3A_211 = arith.mulf %broadcast_in_dim3A, %get3A_206 : vector<16xf32>
          %swap3A_212 = arith.index_cast %add3A_210 : i32 to index
          %swap3A_213 = tpu.vector_load %arg14[%swap3A_212] {strides = array<i32>} : memref<81920xf32, #tpu.memory_space<vmem>>, vector<16xf32>,
          tpu.vector_store %arg14[%swap3A_212], %mul3A_211 {add = true, strides = array<i32>} : memref<81920xf32, #tpu.memory_space<vmem>>, vector<16xf32>,
          %get3A_214 = arith.index_cast %while3A_85 : i32 to index
          %get3A_215 = arith.constant 192 : index
          %get3A_216 = tpu.vector_load %arg13[%get3A_214, %get3A_215] {strides = array<i32>} : memref<64x256xf32, #tpu.memory_space<vmem>>, vector<16xf32>,
          %mul3A_217 = arith.constant 256 : i32
          %mul3A_218 = arith.muli %squeeze3A, %mul3A_217 : i32
          %add3A_219 = arith.constant 192 : i32
          %add3A_220 = arith.addi %mul3A_218, %add3A_219 : i32
          %mul3A_221 = arith.mulf %broadcast_in_dim3A, %get3A_216 : vector<16xf32>
          %swap3A_222 = arith.index_cast %add3A_220 : i32 to index
          %swap3A_223 = tpu.vector_load %arg14[%swap3A_222] {strides = array<i32>} : memref<81920xf32, #tpu.memory_space<vmem>>, vector<16xf32>,
          tpu.vector_store %arg14[%swap3A_222], %mul3A_221 {add = true, strides = array<i32>} : memref<81920xf32, #tpu.memory_space<vmem>>, vector<16xf32>,
          %get3A_224 = arith.index_cast %while3A_85 : i32 to index
          %get3A_225 = arith.constant 208 : index
          %get3A_226 = tpu.vector_load %arg13[%get3A_224, %get3A_225] {strides = array<i32>} : memref<64x256xf32, #tpu.memory_space<vmem>>, vector<16xf32>,
          %mul3A_227 = arith.constant 256 : i32
          %mul3A_228 = arith.muli %squeeze3A, %mul3A_227 : i32
          %add3A_229 = arith.constant 208 : i32
          %add3A_230 = arith.addi %mul3A_228, %add3A_229 : i32
          %mul3A_231 = arith.mulf %broadcast_in_dim3A, %get3A_226 : vector<16xf32>
          %swap3A_232 = arith.index_cast %add3A_230 : i32 to index
          %swap3A_233 = tpu.vector_load %arg14[%swap3A_232] {strides = array<i32>} : memref<81920xf32, #tpu.memory_space<vmem>>, vector<16xf32>,
          tpu.vector_store %arg14[%swap3A_232], %mul3A_231 {add = true, strides = array<i32>} : memref<81920xf32, #tpu.memory_space<vmem>>, vector<16xf32>,
          %get3A_234 = arith.index_cast %while3A_85 : i32 to index
          %get3A_235 = arith.constant 224 : index
          %get3A_236 = tpu.vector_load %arg13[%get3A_234, %get3A_235] {strides = array<i32>} : memref<64x256xf32, #tpu.memory_space<vmem>>, vector<16xf32>,
          %mul3A_237 = arith.constant 256 : i32
          %mul3A_238 = arith.muli %squeeze3A, %mul3A_237 : i32
          %add3A_239 = arith.constant 224 : i32
          %add3A_240 = arith.addi %mul3A_238, %add3A_239 : i32
          %mul3A_241 = arith.mulf %broadcast_in_dim3A, %get3A_236 : vector<16xf32>
          %swap3A_242 = arith.index_cast %add3A_240 : i32 to index
          %swap3A_243 = tpu.vector_load %arg14[%swap3A_242] {strides = array<i32>} : memref<81920xf32, #tpu.memory_space<vmem>>, vector<16xf32>,
          tpu.vector_store %arg14[%swap3A_242], %mul3A_241 {add = true, strides = array<i32>} : memref<81920xf32, #tpu.memory_space<vmem>>, vector<16xf32>,
          %get3A_244 = arith.index_cast %while3A_85 : i32 to index
          %get3A_245 = arith.constant 240 : index
          %get3A_246 = tpu.vector_load %arg13[%get3A_244, %get3A_245] {strides = array<i32>} : memref<64x256xf32, #tpu.memory_space<vmem>>, vector<16xf32>,
          %mul3A_247 = arith.constant 256 : i32
          %mul3A_248 = arith.muli %squeeze3A, %mul3A_247 : i32
          %add3A_249 = arith.constant 240 : i32
          %add3A_250 = arith.addi %mul3A_248, %add3A_249 : i32
          %mul3A_251 = arith.mulf %broadcast_in_dim3A, %get3A_246 : vector<16xf32>
          %swap3A_252 = arith.index_cast %add3A_250 : i32 to index
          %swap3A_253 = tpu.vector_load %arg14[%swap3A_252] {strides = array<i32>} : memref<81920xf32, #tpu.memory_space<vmem>>, vector<16xf32>,
          tpu.vector_store %arg14[%swap3A_252], %mul3A_251 {add = true, strides = array<i32>} : memref<81920xf32, #tpu.memory_space<vmem>>, vector<16xf32>,
          %while3A_254 = arith.constant 0 : i32
          scf.yield %while3A_254 : i32
        }
        %while3A_82 = arith.constant 1 : i32
        %while3A_83 = scf.for %while3A_85 = %while3A_79 to %while3A_75 step %while3A_82 iter_args(%while3A_86 = %while3A_81) -> (i32)  : i32 {
          %mul3A_87 = arith.constant 64 : i32
          %mul3A_88 = arith.muli %while3A_64, %mul3A_87 : i32
          %add3A_89 = arith.addi %mul3A_88, %while3A_85 : i32
          %get3A = arith.index_cast %add3A_89 : i32 to index
          %get3A_90 = tpu.vector_load %arg11[%get3A] {strides = array<i32>} : memref<5024xi32, #tpu.memory_space<vmem>>, vector<16xi32>,
          %slice3A = vector.extract_strided_slice %get3A_90 {offsets = [0], sizes = [1], strides = [1]} : vector<16xi32> to vector<1xi32>
          %squeeze3A = vector.extract %slice3A[0] : i32 from vector<1xi32>
          %get3A_91 = arith.index_cast %add3A_89 : i32 to index
          %get3A_92 = tpu.vector_load %arg12[%get3A_91] {strides = array<i32>} : memref<5024xf32, #tpu.memory_space<vmem>>, vector<16xf32>,
          %slice3A_93 = vector.extract_strided_slice %get3A_92 {offsets = [0], sizes = [1], strides = [1]} : vector<16xf32> to vector<1xf32>
          %squeeze3A_94 = vector.extract %slice3A_93[0] : f32 from vector<1xf32>
          %broadcast_in_dim3A = vector.broadcast %squeeze3A_94 : f32 to vector<16xf32>
          %get3A_95 = arith.index_cast %while3A_85 : i32 to index
          %get3A_96 = arith.constant 0 : index
          %get3A_97 = tpu.vector_load %arg13[%get3A_95, %get3A_96] {strides = array<i32>} : memref<64x256xf32, #tpu.memory_space<vmem>>, vector<16xf32>,
          %mul3A_98 = arith.constant 256 : i32
          %mul3A_99 = arith.muli %squeeze3A, %mul3A_98 : i32
          %add3A_100 = arith.constant 0 : i32
          %add3A_101 = arith.addi %mul3A_99, %add3A_100 : i32
          %mul3A_102 = arith.mulf %broadcast_in_dim3A, %get3A_97 : vector<16xf32>
          %swap3A = arith.index_cast %add3A_101 : i32 to index
          %swap3A_103 = tpu.vector_load %arg14[%swap3A] {strides = array<i32>} : memref<81920xf32, #tpu.memory_space<vmem>>, vector<16xf32>,
          tpu.vector_store %arg14[%swap3A], %mul3A_102 {add = true, strides = array<i32>} : memref<81920xf32, #tpu.memory_space<vmem>>, vector<16xf32>,
          %get3A_104 = arith.index_cast %while3A_85 : i32 to index
          %get3A_105 = arith.constant 16 : index
          %get3A_106 = tpu.vector_load %arg13[%get3A_104, %get3A_105] {strides = array<i32>} : memref<64x256xf32, #tpu.memory_space<vmem>>, vector<16xf32>,
          %mul3A_107 = arith.constant 256 : i32
          %mul3A_108 = arith.muli %squeeze3A, %mul3A_107 : i32
          %add3A_109 = arith.constant 16 : i32
          %add3A_110 = arith.addi %mul3A_108, %add3A_109 : i32
          %mul3A_111 = arith.mulf %broadcast_in_dim3A, %get3A_106 : vector<16xf32>
          %swap3A_112 = arith.index_cast %add3A_110 : i32 to index
          %swap3A_113 = tpu.vector_load %arg14[%swap3A_112] {strides = array<i32>} : memref<81920xf32, #tpu.memory_space<vmem>>, vector<16xf32>,
          tpu.vector_store %arg14[%swap3A_112], %mul3A_111 {add = true, strides = array<i32>} : memref<81920xf32, #tpu.memory_space<vmem>>, vector<16xf32>,
          %get3A_114 = arith.index_cast %while3A_85 : i32 to index
          %get3A_115 = arith.constant 32 : index
          %get3A_116 = tpu.vector_load %arg13[%get3A_114, %get3A_115] {strides = array<i32>} : memref<64x256xf32, #tpu.memory_space<vmem>>, vector<16xf32>,
          %mul3A_117 = arith.constant 256 : i32
          %mul3A_118 = arith.muli %squeeze3A, %mul3A_117 : i32
          %add3A_119 = arith.constant 32 : i32
          %add3A_120 = arith.addi %mul3A_118, %add3A_119 : i32
          %mul3A_121 = arith.mulf %broadcast_in_dim3A, %get3A_116 : vector<16xf32>
          %swap3A_122 = arith.index_cast %add3A_120 : i32 to index
          %swap3A_123 = tpu.vector_load %arg14[%swap3A_122] {strides = array<i32>} : memref<81920xf32, #tpu.memory_space<vmem>>, vector<16xf32>,
          tpu.vector_store %arg14[%swap3A_122], %mul3A_121 {add = true, strides = array<i32>} : memref<81920xf32, #tpu.memory_space<vmem>>, vector<16xf32>,
          %get3A_124 = arith.index_cast %while3A_85 : i32 to index
          %get3A_125 = arith.constant 48 : index
          %get3A_126 = tpu.vector_load %arg13[%get3A_124, %get3A_125] {strides = array<i32>} : memref<64x256xf32, #tpu.memory_space<vmem>>, vector<16xf32>,
          %mul3A_127 = arith.constant 256 : i32
          %mul3A_128 = arith.muli %squeeze3A, %mul3A_127 : i32
          %add3A_129 = arith.constant 48 : i32
          %add3A_130 = arith.addi %mul3A_128, %add3A_129 : i32
          %mul3A_131 = arith.mulf %broadcast_in_dim3A, %get3A_126 : vector<16xf32>
          %swap3A_132 = arith.index_cast %add3A_130 : i32 to index
          %swap3A_133 = tpu.vector_load %arg14[%swap3A_132] {strides = array<i32>} : memref<81920xf32, #tpu.memory_space<vmem>>, vector<16xf32>,
          tpu.vector_store %arg14[%swap3A_132], %mul3A_131 {add = true, strides = array<i32>} : memref<81920xf32, #tpu.memory_space<vmem>>, vector<16xf32>,
          %get3A_134 = arith.index_cast %while3A_85 : i32 to index
          %get3A_135 = arith.constant 64 : index
          %get3A_136 = tpu.vector_load %arg13[%get3A_134, %get3A_135] {strides = array<i32>} : memref<64x256xf32, #tpu.memory_space<vmem>>, vector<16xf32>,
          %mul3A_137 = arith.constant 256 : i32
          %mul3A_138 = arith.muli %squeeze3A, %mul3A_137 : i32
          %add3A_139 = arith.constant 64 : i32
          %add3A_140 = arith.addi %mul3A_138, %add3A_139 : i32
          %mul3A_141 = arith.mulf %broadcast_in_dim3A, %get3A_136 : vector<16xf32>
          %swap3A_142 = arith.index_cast %add3A_140 : i32 to index
          %swap3A_143 = tpu.vector_load %arg14[%swap3A_142] {strides = array<i32>} : memref<81920xf32, #tpu.memory_space<vmem>>, vector<16xf32>,
          tpu.vector_store %arg14[%swap3A_142], %mul3A_141 {add = true, strides = array<i32>} : memref<81920xf32, #tpu.memory_space<vmem>>, vector<16xf32>,
          %get3A_144 = arith.index_cast %while3A_85 : i32 to index
          %get3A_145 = arith.constant 80 : index
          %get3A_146 = tpu.vector_load %arg13[%get3A_144, %get3A_145] {strides = array<i32>} : memref<64x256xf32, #tpu.memory_space<vmem>>, vector<16xf32>,
          %mul3A_147 = arith.constant 256 : i32
          %mul3A_148 = arith.muli %squeeze3A, %mul3A_147 : i32
          %add3A_149 = arith.constant 80 : i32
          %add3A_150 = arith.addi %mul3A_148, %add3A_149 : i32
          %mul3A_151 = arith.mulf %broadcast_in_dim3A, %get3A_146 : vector<16xf32>
          %swap3A_152 = arith.index_cast %add3A_150 : i32 to index
          %swap3A_153 = tpu.vector_load %arg14[%swap3A_152] {strides = array<i32>} : memref<81920xf32, #tpu.memory_space<vmem>>, vector<16xf32>,
          tpu.vector_store %arg14[%swap3A_152], %mul3A_151 {add = true, strides = array<i32>} : memref<81920xf32, #tpu.memory_space<vmem>>, vector<16xf32>,
          %get3A_154 = arith.index_cast %while3A_85 : i32 to index
          %get3A_155 = arith.constant 96 : index
          %get3A_156 = tpu.vector_load %arg13[%get3A_154, %get3A_155] {strides = array<i32>} : memref<64x256xf32, #tpu.memory_space<vmem>>, vector<16xf32>,
          %mul3A_157 = arith.constant 256 : i32
          %mul3A_158 = arith.muli %squeeze3A, %mul3A_157 : i32
          %add3A_159 = arith.constant 96 : i32
          %add3A_160 = arith.addi %mul3A_158, %add3A_159 : i32
          %mul3A_161 = arith.mulf %broadcast_in_dim3A, %get3A_156 : vector<16xf32>
          %swap3A_162 = arith.index_cast %add3A_160 : i32 to index
          %swap3A_163 = tpu.vector_load %arg14[%swap3A_162] {strides = array<i32>} : memref<81920xf32, #tpu.memory_space<vmem>>, vector<16xf32>,
          tpu.vector_store %arg14[%swap3A_162], %mul3A_161 {add = true, strides = array<i32>} : memref<81920xf32, #tpu.memory_space<vmem>>, vector<16xf32>,
          %get3A_164 = arith.index_cast %while3A_85 : i32 to index
          %get3A_165 = arith.constant 112 : index
          %get3A_166 = tpu.vector_load %arg13[%get3A_164, %get3A_165] {strides = array<i32>} : memref<64x256xf32, #tpu.memory_space<vmem>>, vector<16xf32>,
          %mul3A_167 = arith.constant 256 : i32
          %mul3A_168 = arith.muli %squeeze3A, %mul3A_167 : i32
          %add3A_169 = arith.constant 112 : i32
          %add3A_170 = arith.addi %mul3A_168, %add3A_169 : i32
          %mul3A_171 = arith.mulf %broadcast_in_dim3A, %get3A_166 : vector<16xf32>
          %swap3A_172 = arith.index_cast %add3A_170 : i32 to index
          %swap3A_173 = tpu.vector_load %arg14[%swap3A_172] {strides = array<i32>} : memref<81920xf32, #tpu.memory_space<vmem>>, vector<16xf32>,
          tpu.vector_store %arg14[%swap3A_172], %mul3A_171 {add = true, strides = array<i32>} : memref<81920xf32, #tpu.memory_space<vmem>>, vector<16xf32>,
          %get3A_174 = arith.index_cast %while3A_85 : i32 to index
          %get3A_175 = arith.constant 128 : index
          %get3A_176 = tpu.vector_load %arg13[%get3A_174, %get3A_175] {strides = array<i32>} : memref<64x256xf32, #tpu.memory_space<vmem>>, vector<16xf32>,
          %mul3A_177 = arith.constant 256 : i32
          %mul3A_178 = arith.muli %squeeze3A, %mul3A_177 : i32
          %add3A_179 = arith.constant 128 : i32
          %add3A_180 = arith.addi %mul3A_178, %add3A_179 : i32
          %mul3A_181 = arith.mulf %broadcast_in_dim3A, %get3A_176 : vector<16xf32>
          %swap3A_182 = arith.index_cast %add3A_180 : i32 to index
          %swap3A_183 = tpu.vector_load %arg14[%swap3A_182] {strides = array<i32>} : memref<81920xf32, #tpu.memory_space<vmem>>, vector<16xf32>,
          tpu.vector_store %arg14[%swap3A_182], %mul3A_181 {add = true, strides = array<i32>} : memref<81920xf32, #tpu.memory_space<vmem>>, vector<16xf32>,
          %get3A_184 = arith.index_cast %while3A_85 : i32 to index
          %get3A_185 = arith.constant 144 : index
          %get3A_186 = tpu.vector_load %arg13[%get3A_184, %get3A_185] {strides = array<i32>} : memref<64x256xf32, #tpu.memory_space<vmem>>, vector<16xf32>,
          %mul3A_187 = arith.constant 256 : i32
          %mul3A_188 = arith.muli %squeeze3A, %mul3A_187 : i32
          %add3A_189 = arith.constant 144 : i32
          %add3A_190 = arith.addi %mul3A_188, %add3A_189 : i32
          %mul3A_191 = arith.mulf %broadcast_in_dim3A, %get3A_186 : vector<16xf32>
          %swap3A_192 = arith.index_cast %add3A_190 : i32 to index
          %swap3A_193 = tpu.vector_load %arg14[%swap3A_192] {strides = array<i32>} : memref<81920xf32, #tpu.memory_space<vmem>>, vector<16xf32>,
          tpu.vector_store %arg14[%swap3A_192], %mul3A_191 {add = true, strides = array<i32>} : memref<81920xf32, #tpu.memory_space<vmem>>, vector<16xf32>,
          %get3A_194 = arith.index_cast %while3A_85 : i32 to index
          %get3A_195 = arith.constant 160 : index
          %get3A_196 = tpu.vector_load %arg13[%get3A_194, %get3A_195] {strides = array<i32>} : memref<64x256xf32, #tpu.memory_space<vmem>>, vector<16xf32>,
          %mul3A_197 = arith.constant 256 : i32
          %mul3A_198 = arith.muli %squeeze3A, %mul3A_197 : i32
          %add3A_199 = arith.constant 160 : i32
          %add3A_200 = arith.addi %mul3A_198, %add3A_199 : i32
          %mul3A_201 = arith.mulf %broadcast_in_dim3A, %get3A_196 : vector<16xf32>
          %swap3A_202 = arith.index_cast %add3A_200 : i32 to index
          %swap3A_203 = tpu.vector_load %arg14[%swap3A_202] {strides = array<i32>} : memref<81920xf32, #tpu.memory_space<vmem>>, vector<16xf32>,
          tpu.vector_store %arg14[%swap3A_202], %mul3A_201 {add = true, strides = array<i32>} : memref<81920xf32, #tpu.memory_space<vmem>>, vector<16xf32>,
          %get3A_204 = arith.index_cast %while3A_85 : i32 to index
          %get3A_205 = arith.constant 176 : index
          %get3A_206 = tpu.vector_load %arg13[%get3A_204, %get3A_205] {strides = array<i32>} : memref<64x256xf32, #tpu.memory_space<vmem>>, vector<16xf32>,
          %mul3A_207 = arith.constant 256 : i32
          %mul3A_208 = arith.muli %squeeze3A, %mul3A_207 : i32
          %add3A_209 = arith.constant 176 : i32
          %add3A_210 = arith.addi %mul3A_208, %add3A_209 : i32
          %mul3A_211 = arith.mulf %broadcast_in_dim3A, %get3A_206 : vector<16xf32>
          %swap3A_212 = arith.index_cast %add3A_210 : i32 to index
          %swap3A_213 = tpu.vector_load %arg14[%swap3A_212] {strides = array<i32>} : memref<81920xf32, #tpu.memory_space<vmem>>, vector<16xf32>,
          tpu.vector_store %arg14[%swap3A_212], %mul3A_211 {add = true, strides = array<i32>} : memref<81920xf32, #tpu.memory_space<vmem>>, vector<16xf32>,
          %get3A_214 = arith.index_cast %while3A_85 : i32 to index
          %get3A_215 = arith.constant 192 : index
          %get3A_216 = tpu.vector_load %arg13[%get3A_214, %get3A_215] {strides = array<i32>} : memref<64x256xf32, #tpu.memory_space<vmem>>, vector<16xf32>,
          %mul3A_217 = arith.constant 256 : i32
          %mul3A_218 = arith.muli %squeeze3A, %mul3A_217 : i32
          %add3A_219 = arith.constant 192 : i32
          %add3A_220 = arith.addi %mul3A_218, %add3A_219 : i32
          %mul3A_221 = arith.mulf %broadcast_in_dim3A, %get3A_216 : vector<16xf32>
          %swap3A_222 = arith.index_cast %add3A_220 : i32 to index
          %swap3A_223 = tpu.vector_load %arg14[%swap3A_222] {strides = array<i32>} : memref<81920xf32, #tpu.memory_space<vmem>>, vector<16xf32>,
          tpu.vector_store %arg14[%swap3A_222], %mul3A_221 {add = true, strides = array<i32>} : memref<81920xf32, #tpu.memory_space<vmem>>, vector<16xf32>,
          %get3A_224 = arith.index_cast %while3A_85 : i32 to index
          %get3A_225 = arith.constant 208 : index
          %get3A_226 = tpu.vector_load %arg13[%get3A_224, %get3A_225] {strides = array<i32>} : memref<64x256xf32, #tpu.memory_space<vmem>>, vector<16xf32>,
          %mul3A_227 = arith.constant 256 : i32
          %mul3A_228 = arith.muli %squeeze3A, %mul3A_227 : i32
          %add3A_229 = arith.constant 208 : i32
          %add3A_230 = arith.addi %mul3A_228, %add3A_229 : i32
          %mul3A_231 = arith.mulf %broadcast_in_dim3A, %get3A_226 : vector<16xf32>
          %swap3A_232 = arith.index_cast %add3A_230 : i32 to index
          %swap3A_233 = tpu.vector_load %arg14[%swap3A_232] {strides = array<i32>} : memref<81920xf32, #tpu.memory_space<vmem>>, vector<16xf32>,
          tpu.vector_store %arg14[%swap3A_232], %mul3A_231 {add = true, strides = array<i32>} : memref<81920xf32, #tpu.memory_space<vmem>>, vector<16xf32>,
          %get3A_234 = arith.index_cast %while3A_85 : i32 to index
          %get3A_235 = arith.constant 224 : index
          %get3A_236 = tpu.vector_load %arg13[%get3A_234, %get3A_235] {strides = array<i32>} : memref<64x256xf32, #tpu.memory_space<vmem>>, vector<16xf32>,
          %mul3A_237 = arith.constant 256 : i32
          %mul3A_238 = arith.muli %squeeze3A, %mul3A_237 : i32
          %add3A_239 = arith.constant 224 : i32
          %add3A_240 = arith.addi %mul3A_238, %add3A_239 : i32
          %mul3A_241 = arith.mulf %broadcast_in_dim3A, %get3A_236 : vector<16xf32>
          %swap3A_242 = arith.index_cast %add3A_240 : i32 to index
          %swap3A_243 = tpu.vector_load %arg14[%swap3A_242] {strides = array<i32>} : memref<81920xf32, #tpu.memory_space<vmem>>, vector<16xf32>,
          tpu.vector_store %arg14[%swap3A_242], %mul3A_241 {add = true, strides = array<i32>} : memref<81920xf32, #tpu.memory_space<vmem>>, vector<16xf32>,
          %get3A_244 = arith.index_cast %while3A_85 : i32 to index
          %get3A_245 = arith.constant 240 : index
          %get3A_246 = tpu.vector_load %arg13[%get3A_244, %get3A_245] {strides = array<i32>} : memref<64x256xf32, #tpu.memory_space<vmem>>, vector<16xf32>,
          %mul3A_247 = arith.constant 256 : i32
          %mul3A_248 = arith.muli %squeeze3A, %mul3A_247 : i32
          %add3A_249 = arith.constant 240 : i32
          %add3A_250 = arith.addi %mul3A_248, %add3A_249 : i32
          %mul3A_251 = arith.mulf %broadcast_in_dim3A, %get3A_246 : vector<16xf32>
          %swap3A_252 = arith.index_cast %add3A_250 : i32 to index
          %swap3A_253 = tpu.vector_load %arg14[%swap3A_252] {strides = array<i32>} : memref<81920xf32, #tpu.memory_space<vmem>>, vector<16xf32>,
          tpu.vector_store %arg14[%swap3A_252], %mul3A_251 {add = true, strides = array<i32>} : memref<81920xf32, #tpu.memory_space<vmem>>, vector<16xf32>,
          %while3A_254 = arith.constant 0 : i32
          scf.yield %while3A_254 : i32
        }
        %while3A_84 = arith.constant 0 : i32
        scf.yield %while3A_84 : i32
      }
    }
    %scan3A_16 = arith.constant 32 : i32
    %mul3A_17 = arith.constant 256 : i32
    %mul3A_18 = arith.muli %mul3A_2, %mul3A_17 : i32
    "tpu.region"() ({
      %run_scoped3A = tpu.sem_alloc : memref<!tpu.dma_semaphore, #tpu.memory_space<semaphore_mem>>
      %dma_start3A = tpu.memref_slice %arg6[%mul3A_18] : memref<2621440xf32, #tpu.memory_space<hbm>> -> memref<81920xf32, #tpu.memory_space<hbm>>
      %dma_start3A_19 = tpu.memref_slice %arg6[%mul3A_18] : memref<2621440xf32, #tpu.memory_space<hbm>> -> memref<81920xf32, #tpu.memory_space<hbm>>
      tpu.enqueue_dma source(%arg14 : memref<81920xf32, #tpu.memory_space<vmem>>) target(%dma_start3A_19 : memref<81920xf32, #tpu.memory_space<hbm>>) target_semaphore(%run_scoped3A : memref<!tpu.dma_semaphore, #tpu.memory_space<semaphore_mem>>)
      %dma_wait3A = tpu.memref_slice %arg6[%mul3A_18] : memref<2621440xf32, #tpu.memory_space<hbm>> -> memref<81920xf32, #tpu.memory_space<hbm>>
      %dma_wait3A_20 = tpu.memref_slice %arg6[%mul3A_18] : memref<2621440xf32, #tpu.memory_space<hbm>> -> memref<81920xf32, #tpu.memory_space<hbm>>
      tpu.wait_dma2 semaphore(%run_scoped3A : memref<!tpu.dma_semaphore, #tpu.memory_space<semaphore_mem>>) src(%arg14 : memref<81920xf32, #tpu.memory_space<vmem>>) dst(%dma_wait3A_20 : memref<81920xf32, #tpu.memory_space<hbm>>)
      tpu.yield
    }) : () -> ()
    return
  }
}

#map = affine_map<(d0, d1) -> (0, 0)>
#map1 = affine_map<(d0, d1) -> (0)>
module attributes {stable_mosaic.version = 14 : i64} {
  func.func @k(%arg0: i32, %arg1: i32, %arg2: memref<10000x128xf32, #tpu.memory_space<hbm>>, %arg3: memref<160256xi32, #tpu.memory_space<hbm>>, %arg4: memref<160256xi32, #tpu.memory_space<hbm>>, %arg5: memref<160256xf32, #tpu.memory_space<hbm>>, %arg6: memref<655360xf32, #tpu.memory_space<hbm>>, %arg7: memref<5008xi32, #tpu.memory_space<vmem>>, %arg8: memref<5008xi32, #tpu.memory_space<vmem>>, %arg9: memref<5008xf32, #tpu.memory_space<vmem>>, %arg10: memref<5008xi32, #tpu.memory_space<vmem>>, %arg11: memref<5024xi32, #tpu.memory_space<vmem>>, %arg12: memref<5024xf32, #tpu.memory_space<vmem>>, %arg13: memref<64x128xf32, #tpu.memory_space<vmem>>, %arg14: memref<20480xf32, #tpu.memory_space<vmem>>) attributes {dimension_semantics = [#tpu.dimension_semantics<core_parallel>, #tpu.dimension_semantics<subcore_parallel>], iteration_bounds = array<i64: 2, 16>, scalar_prefetch = 0 : i64, scratch_operands = 8 : i64, tpu.core_type = #tpu.core_type<sc_vector_subcore>, window_params = [{transform_indices = #map}, {transform_indices = #map1}, {transform_indices = #map1}, {transform_indices = #map1}, {transform_indices = #map1}]} {
    %mul3A = arith.constant 2 : i32
    %mul3A_0 = arith.muli %arg1, %mul3A : i32
    %add3A = arith.addi %mul3A_0, %arg0 : i32
    %mul3A_1 = arith.constant 320 : i32
    %mul3A_2 = arith.muli %add3A, %mul3A_1 : i32
    %scan3A = arith.constant 0 : i32
    %scan3A_3 = arith.constant 1280 : i32
    %scan3A_4 = arith.addi %scan3A, %scan3A_3 : i32
    %scan3A_5 = arith.constant 1 : i32
    scf.for %scan3A_19 = %scan3A to %scan3A_4 step %scan3A_5  : i32 {
      %mul3A_20 = arith.constant 1 : i32
      %mul3A_21 = arith.muli %scan3A_19, %mul3A_20 : i32
      %add3A_22 = arith.constant 0 : i32
      %add3A_23 = arith.addi %add3A_22, %mul3A_21 : i32
      %broadcast_in_dim3A = arith.constant 0.000000e+00 : f32
      %broadcast_in_dim3A_24 = vector.broadcast %broadcast_in_dim3A : f32 to vector<16xf32>
      %mul3A_25 = arith.constant 16 : i32
      %mul3A_26 = arith.muli %add3A_23, %mul3A_25 : i32
      %swap3A = arith.index_cast %mul3A_26 : i32 to index
      %swap3A_27 = tpu.vector_load %arg14[%swap3A] {strides = array<i32>} : memref<20480xf32, #tpu.memory_space<vmem>>, vector<16xf32>,
      tpu.vector_store %arg14[%swap3A], %broadcast_in_dim3A_24 {strides = array<i32>} : memref<20480xf32, #tpu.memory_space<vmem>>, vector<16xf32>,
    }
    %scan3A_6 = arith.constant 1280 : i32
    %scan3A_7 = arith.constant 0 : i32
    %scan3A_8 = arith.constant 313 : i32
    %scan3A_9 = arith.addi %scan3A_7, %scan3A_8 : i32
    %scan3A_10 = arith.constant 1 : i32
    scf.for %scan3A_19 = %scan3A_7 to %scan3A_9 step %scan3A_10  : i32 {
      %mul3A_20 = arith.constant 1 : i32
      %mul3A_21 = arith.muli %scan3A_19, %mul3A_20 : i32
      %add3A_22 = arith.constant 0 : i32
      %add3A_23 = arith.addi %add3A_22, %mul3A_21 : i32
      %broadcast_in_dim3A = arith.constant 0 : i32
      %broadcast_in_dim3A_24 = vector.broadcast %broadcast_in_dim3A : i32 to vector<16xi32>
      %mul3A_25 = arith.constant 16 : i32
      %mul3A_26 = arith.muli %add3A_23, %mul3A_25 : i32
      %swap3A = arith.index_cast %mul3A_26 : i32 to index
      %swap3A_27 = tpu.vector_load %arg10[%swap3A] {strides = array<i32>} : memref<5008xi32, #tpu.memory_space<vmem>>, vector<16xi32>,
      tpu.vector_store %arg10[%swap3A], %broadcast_in_dim3A_24 {strides = array<i32>} : memref<5008xi32, #tpu.memory_space<vmem>>, vector<16xi32>,
    }
    %scan3A_11 = arith.constant 313 : i32
    %scan3A_12 = arith.constant 0 : i32
    %scan3A_13 = arith.constant 32 : i32
    %scan3A_14 = arith.addi %scan3A_12, %scan3A_13 : i32
    %scan3A_15 = arith.constant 1 : i32
    scf.for %scan3A_19 = %scan3A_12 to %scan3A_14 step %scan3A_15  : i32 {
      %mul3A_20 = arith.constant 1 : i32
      %mul3A_21 = arith.muli %scan3A_19, %mul3A_20 : i32
      %add3A_22 = arith.constant 0 : i32
      %add3A_23 = arith.addi %add3A_22, %mul3A_21 : i32
      %mul3A_24 = arith.constant 5008 : i32
      %mul3A_25 = arith.muli %add3A_23, %mul3A_24 : i32
      "tpu.region"() ({
        %run_scoped3A = tpu.sem_alloc : memref<!tpu.dma_semaphore, #tpu.memory_space<semaphore_mem>>
        %dma_start3A = tpu.memref_slice %arg3[%mul3A_25] : memref<160256xi32, #tpu.memory_space<hbm>> -> memref<5008xi32, #tpu.memory_space<hbm>>
        %dma_start3A_64 = tpu.memref_slice %arg3[%mul3A_25] : memref<160256xi32, #tpu.memory_space<hbm>> -> memref<5008xi32, #tpu.memory_space<hbm>>
        tpu.enqueue_dma source(%dma_start3A_64 : memref<5008xi32, #tpu.memory_space<hbm>>) target(%arg7 : memref<5008xi32, #tpu.memory_space<vmem>>) target_semaphore(%run_scoped3A : memref<!tpu.dma_semaphore, #tpu.memory_space<semaphore_mem>>)
        %dma_wait3A = tpu.memref_slice %arg3[%mul3A_25] : memref<160256xi32, #tpu.memory_space<hbm>> -> memref<5008xi32, #tpu.memory_space<hbm>>
        %dma_wait3A_65 = tpu.memref_slice %arg3[%mul3A_25] : memref<160256xi32, #tpu.memory_space<hbm>> -> memref<5008xi32, #tpu.memory_space<hbm>>
        tpu.wait_dma2 semaphore(%run_scoped3A : memref<!tpu.dma_semaphore, #tpu.memory_space<semaphore_mem>>) src(%dma_wait3A_65 : memref<5008xi32, #tpu.memory_space<hbm>>) dst(%arg7 : memref<5008xi32, #tpu.memory_space<vmem>>)
        tpu.yield
      }) : () -> ()
      "tpu.region"() ({
        %run_scoped3A = tpu.sem_alloc : memref<!tpu.dma_semaphore, #tpu.memory_space<semaphore_mem>>
        %dma_start3A = tpu.memref_slice %arg4[%mul3A_25] : memref<160256xi32, #tpu.memory_space<hbm>> -> memref<5008xi32, #tpu.memory_space<hbm>>
        %dma_start3A_64 = tpu.memref_slice %arg4[%mul3A_25] : memref<160256xi32, #tpu.memory_space<hbm>> -> memref<5008xi32, #tpu.memory_space<hbm>>
        tpu.enqueue_dma source(%dma_start3A_64 : memref<5008xi32, #tpu.memory_space<hbm>>) target(%arg8 : memref<5008xi32, #tpu.memory_space<vmem>>) target_semaphore(%run_scoped3A : memref<!tpu.dma_semaphore, #tpu.memory_space<semaphore_mem>>)
        %dma_wait3A = tpu.memref_slice %arg4[%mul3A_25] : memref<160256xi32, #tpu.memory_space<hbm>> -> memref<5008xi32, #tpu.memory_space<hbm>>
        %dma_wait3A_65 = tpu.memref_slice %arg4[%mul3A_25] : memref<160256xi32, #tpu.memory_space<hbm>> -> memref<5008xi32, #tpu.memory_space<hbm>>
        tpu.wait_dma2 semaphore(%run_scoped3A : memref<!tpu.dma_semaphore, #tpu.memory_space<semaphore_mem>>) src(%dma_wait3A_65 : memref<5008xi32, #tpu.memory_space<hbm>>) dst(%arg8 : memref<5008xi32, #tpu.memory_space<vmem>>)
        tpu.yield
      }) : () -> ()
      "tpu.region"() ({
        %run_scoped3A = tpu.sem_alloc : memref<!tpu.dma_semaphore, #tpu.memory_space<semaphore_mem>>
        %dma_start3A = tpu.memref_slice %arg5[%mul3A_25] : memref<160256xf32, #tpu.memory_space<hbm>> -> memref<5008xf32, #tpu.memory_space<hbm>>
        %dma_start3A_64 = tpu.memref_slice %arg5[%mul3A_25] : memref<160256xf32, #tpu.memory_space<hbm>> -> memref<5008xf32, #tpu.memory_space<hbm>>
        tpu.enqueue_dma source(%dma_start3A_64 : memref<5008xf32, #tpu.memory_space<hbm>>) target(%arg9 : memref<5008xf32, #tpu.memory_space<vmem>>) target_semaphore(%run_scoped3A : memref<!tpu.dma_semaphore, #tpu.memory_space<semaphore_mem>>)
        %dma_wait3A = tpu.memref_slice %arg5[%mul3A_25] : memref<160256xf32, #tpu.memory_space<hbm>> -> memref<5008xf32, #tpu.memory_space<hbm>>
        %dma_wait3A_65 = tpu.memref_slice %arg5[%mul3A_25] : memref<160256xf32, #tpu.memory_space<hbm>> -> memref<5008xf32, #tpu.memory_space<hbm>>
        tpu.wait_dma2 semaphore(%run_scoped3A : memref<!tpu.dma_semaphore, #tpu.memory_space<semaphore_mem>>) src(%dma_wait3A_65 : memref<5008xf32, #tpu.memory_space<hbm>>) dst(%arg9 : memref<5008xf32, #tpu.memory_space<vmem>>)
        tpu.yield
      }) : () -> ()
      %scan3A_26 = arith.constant 0 : i32
      %scan3A_27 = arith.constant 0 : i32
      %scan3A_28 = arith.constant 313 : i32
      %scan3A_29 = arith.addi %scan3A_27, %scan3A_28 : i32
      %scan3A_30 = arith.constant 1 : i32
      %scan3A_31 = scf.for %scan3A_64 = %scan3A_27 to %scan3A_29 step %scan3A_30 iter_args(%scan3A_65 = %scan3A_26) -> (i32)  : i32 {
        %mul3A_66 = arith.constant 16 : i32
        %mul3A_67 = arith.muli %scan3A_64, %mul3A_66 : i32
        %get3A = arith.index_cast %mul3A_67 : i32 to index
        %get3A_68 = tpu.vector_load %arg7[%get3A] {strides = array<i32>} : memref<5008xi32, #tpu.memory_space<vmem>>, vector<16xi32>,
        %get3A_69 = arith.index_cast %mul3A_67 : i32 to index
        %get3A_70 = tpu.vector_load %arg8[%get3A_69] {strides = array<i32>} : memref<5008xi32, #tpu.memory_space<vmem>>, vector<16xi32>,
        %get3A_71 = arith.index_cast %mul3A_67 : i32 to index
        %get3A_72 = tpu.vector_load %arg9[%get3A_71] {strides = array<i32>} : memref<5008xf32, #tpu.memory_space<vmem>>, vector<16xf32>,
        %sub3A_73 = vector.broadcast %mul3A_2 : i32 to vector<16xi32>
        %sub3A_74 = arith.subi %get3A_70, %sub3A_73 : vector<16xi32>
        %ge3A = arith.constant 0 : i32
        %ge3A_75 = vector.broadcast %ge3A : i32 to vector<16xi32>
        %ge3A_76 = arith.cmpi sge, %sub3A_74, %ge3A_75 : vector<16xi32>
        %lt3A = arith.constant 320 : i32
        %lt3A_77 = vector.broadcast %lt3A : i32 to vector<16xi32>
        %lt3A_78 = arith.cmpi slt, %sub3A_74, %lt3A_77 : vector<16xi32>
        %and3A_79 = arith.andi %ge3A_76, %lt3A_78 : vector<16xi1>
        %lt3A_80 = arith.constant 10000 : i32
        %lt3A_81 = vector.broadcast %lt3A_80 : i32 to vector<16xi32>
        %lt3A_82 = arith.cmpi slt, %get3A_70, %lt3A_81 : vector<16xi32>
        %and3A_83 = arith.andi %and3A_79, %lt3A_82 : vector<16xi1>
        %swap3A = arith.index_cast %scan3A_65 : i32 to index
        %swap3A_84 = tpu.vector_load %arg10[%swap3A] masked %and3A_83 {strides = array<i32>} : memref<5008xi32, #tpu.memory_space<vmem>>, vector<16xi32>, vector<16xi1>
        tpu.vector_store %arg10[%swap3A], %get3A_68 masked %and3A_83 {strides = array<i32>} : memref<5008xi32, #tpu.memory_space<vmem>>, vector<16xi32>, vector<16xi1>
        %swap3A_85 = arith.index_cast %scan3A_65 : i32 to index
        %swap3A_86 = tpu.vector_load %arg11[%swap3A_85] masked %and3A_83 {strides = array<i32>} : memref<5024xi32, #tpu.memory_space<vmem>>, vector<16xi32>, vector<16xi1>
        tpu.vector_store %arg11[%swap3A_85], %sub3A_74 masked %and3A_83 {strides = array<i32>} : memref<5024xi32, #tpu.memory_space<vmem>>, vector<16xi32>, vector<16xi1>
        %swap3A_87 = arith.index_cast %scan3A_65 : i32 to index
        %swap3A_88 = tpu.vector_load %arg12[%swap3A_87] masked %and3A_83 {strides = array<i32>} : memref<5024xf32, #tpu.memory_space<vmem>>, vector<16xf32>, vector<16xi1>
        tpu.vector_store %arg12[%swap3A_87], %get3A_72 masked %and3A_83 {strides = array<i32>} : memref<5024xf32, #tpu.memory_space<vmem>>, vector<16xf32>, vector<16xi1>
        %convert_element_type3A = arith.extui %and3A_83 : vector<16xi1> to vector<16xi32>
        %reduce_sum3A = arith.constant true
        %reduce_sum3A_89 = vector.broadcast %reduce_sum3A : i1 to vector<16xi1>
        %reduce_sum3A_90 = tpu.scan <sum>, %convert_element_type3A masked %reduce_sum3A_89 : vector<16xi32>, vector<16xi1> -> vector<16xi32>
        %reduce_sum3A_91 = vector.extract %reduce_sum3A_90[15] : i32 from vector<16xi32>
        %add3A_92 = arith.addi %scan3A_65, %reduce_sum3A_91 : i32
        scf.yield %add3A_92 : i32
      }
      %scan3A_32 = arith.constant 313 : i32
      %add3A_33 = arith.constant 64 : i32
      %add3A_34 = arith.addi %scan3A_31, %add3A_33 : i32
      %sub3A = arith.constant 1 : i32
      %sub3A_35 = arith.subi %add3A_34, %sub3A : i32
      %jit3A = arith.constant 64 : i32
      %div3A = arith.divsi %sub3A_35, %jit3A : i32
      %sign3A = arith.constant 0 : i32
      %sign3A_36 = arith.cmpi sgt, %sub3A_35, %sign3A : i32
      %sign3A_37 = arith.extui %sign3A_36 : i1 to i32
      %sign3A_38 = arith.constant 0 : i32
      %sign3A_39 = arith.cmpi slt, %sub3A_35, %sign3A_38 : i32
      %sign3A_40 = arith.extui %sign3A_39 : i1 to i32
      %sign3A_41 = arith.subi %sign3A_37, %sign3A_40 : i32
      %sign3A_42 = arith.constant 0 : i32
      %sign3A_43 = arith.cmpi sgt, %jit3A, %sign3A_42 : i32
      %sign3A_44 = arith.extui %sign3A_43 : i1 to i32
      %sign3A_45 = arith.constant 0 : i32
      %sign3A_46 = arith.cmpi slt, %jit3A, %sign3A_45 : i32
      %sign3A_47 = arith.extui %sign3A_46 : i1 to i32
      %sign3A_48 = arith.subi %sign3A_44, %sign3A_47 : i32
      %ne3A = arith.cmpi ne, %sign3A_41, %sign3A_48 : i32
      %rem3A = arith.remsi %sub3A_35, %jit3A : i32
      %ne3A_49 = arith.constant 0 : i32
      %ne3A_50 = arith.cmpi ne, %rem3A, %ne3A_49 : i32
      %and3A = arith.andi %ne3A, %ne3A_50 : i1
      %sub3A_51 = arith.constant 1 : i32
      %sub3A_52 = arith.subi %div3A, %sub3A_51 : i32
      %select_n3A = arith.select %and3A, %sub3A_52, %div3A : i32
      %while3A = arith.constant 0 : i32
      %while3A_53 = arith.constant 0 : i32
      %while3A_54 = arith.subi %select_n3A, %while3A : i32
      %while3A_55 = arith.addi %while3A, %while3A_54 : i32
      %while3A_56 = arith.constant 1 : i32
      %while3A_57 = arith.divsi %while3A_54, %while3A_56 : i32
      %while3A_58 = arith.muli %while3A_57, %while3A_56 : i32
      %while3A_59 = arith.addi %while3A, %while3A_58 : i32
      %while3A_60 = arith.constant 1 : i32
      %while3A_61 = scf.for %while3A_64 = %while3A to %while3A_59 step %while3A_60 iter_args(%while3A_65 = %while3A_53) -> (i32)  : i32 {
        %mul3A_66 = arith.constant 64 : i32
        %mul3A_67 = arith.muli %while3A_64, %mul3A_66 : i32
        "tpu.region"() ({
          %run_scoped3A = tpu.sem_alloc : memref<!tpu.dma_semaphore, #tpu.memory_space<semaphore_mem>>
          %dma_start3A = tpu.memref_slice %arg10[%mul3A_67] : memref<5008xi32, #tpu.memory_space<vmem>> -> memref<64xi32, #tpu.memory_space<vmem>>
          %dma_start3A_85 = arith.constant 0 : i32
          %dma_start3A_86 = arith.constant 0 : i32
          %dma_start3A_87 = tpu.memref_slice %arg2[%dma_start3A_85, %dma_start3A_86] : memref<10000x128xf32, #tpu.memory_space<hbm>> -> memref<10000x128xf32, #tpu.memory_space<hbm>>
          tpu.enqueue_indirect_dma source(%dma_start3A_87 : memref<10000x128xf32, #tpu.memory_space<hbm>>) target(%arg13 : memref<64x128xf32, #tpu.memory_space<vmem>>) offsets(%dma_start3A : memref<64xi32, #tpu.memory_space<vmem>>) semaphore(%run_scoped3A : memref<!tpu.dma_semaphore, #tpu.memory_space<semaphore_mem>>)
          %dma_wait3A = tpu.memref_slice %arg10[%mul3A_67] : memref<5008xi32, #tpu.memory_space<vmem>> -> memref<64xi32, #tpu.memory_space<vmem>>
          %dma_wait3A_88 = arith.constant 0 : i32
          %dma_wait3A_89 = arith.constant 0 : i32
          %dma_wait3A_90 = tpu.memref_slice %arg2[%dma_wait3A_88, %dma_wait3A_89] : memref<10000x128xf32, #tpu.memory_space<hbm>> -> memref<10000x128xf32, #tpu.memory_space<hbm>>
          tpu.wait_indirect_dma semaphore(%run_scoped3A : memref<!tpu.dma_semaphore, #tpu.memory_space<semaphore_mem>>) src(%dma_wait3A_90 : memref<10000x128xf32, #tpu.memory_space<hbm>>) dst(%arg13 : memref<64x128xf32, #tpu.memory_space<vmem>>)
          tpu.yield
        }) : () -> ()
        %mul3A_68 = arith.constant 64 : i32
        %mul3A_69 = arith.muli %while3A_64, %mul3A_68 : i32
        %sub3A_70 = arith.subi %scan3A_31, %mul3A_69 : i32
        %min3A = arith.constant 64 : i32
        %min3A_71 = arith.minsi %sub3A_70, %min3A : i32
        %while3A_72 = arith.constant 0 : i32
        %while3A_73 = arith.constant 0 : i32
        %while3A_74 = arith.subi %min3A_71, %while3A_72 : i32
        %while3A_75 = arith.addi %while3A_72, %while3A_74 : i32
        %while3A_76 = arith.constant 1 : i32
        %while3A_77 = arith.divsi %while3A_74, %while3A_76 : i32
        %while3A_78 = arith.muli %while3A_77, %while3A_76 : i32
        %while3A_79 = arith.addi %while3A_72, %while3A_78 : i32
        %while3A_80 = arith.constant 1 : i32
        %while3A_81 = scf.for %while3A_85 = %while3A_72 to %while3A_79 step %while3A_80 iter_args(%while3A_86 = %while3A_73) -> (i32)  : i32 {
          %mul3A_87 = arith.constant 64 : i32
          %mul3A_88 = arith.muli %while3A_64, %mul3A_87 : i32
          %add3A_89 = arith.addi %mul3A_88, %while3A_85 : i32
          %get3A = arith.index_cast %add3A_89 : i32 to index
          %get3A_90 = tpu.vector_load %arg11[%get3A] {strides = array<i32>} : memref<5024xi32, #tpu.memory_space<vmem>>, vector<16xi32>,
          %slice3A = vector.extract_strided_slice %get3A_90 {offsets = [0], sizes = [1], strides = [1]} : vector<16xi32> to vector<1xi32>
          %squeeze3A = vector.extract %slice3A[0] : i32 from vector<1xi32>
          %get3A_91 = arith.index_cast %add3A_89 : i32 to index
          %get3A_92 = tpu.vector_load %arg12[%get3A_91] {strides = array<i32>} : memref<5024xf32, #tpu.memory_space<vmem>>, vector<16xf32>,
          %slice3A_93 = vector.extract_strided_slice %get3A_92 {offsets = [0], sizes = [1], strides = [1]} : vector<16xf32> to vector<1xf32>
          %squeeze3A_94 = vector.extract %slice3A_93[0] : f32 from vector<1xf32>
          %broadcast_in_dim3A = vector.broadcast %squeeze3A_94 : f32 to vector<16xf32>
          %get3A_95 = arith.index_cast %while3A_85 : i32 to index
          %get3A_96 = arith.constant 0 : index
          %get3A_97 = tpu.vector_load %arg13[%get3A_95, %get3A_96] {strides = array<i32>} : memref<64x128xf32, #tpu.memory_space<vmem>>, vector<16xf32>,
          %mul3A_98 = arith.constant 64 : i32
          %mul3A_99 = arith.muli %squeeze3A, %mul3A_98 : i32
          %add3A_100 = arith.constant 0 : i32
          %add3A_101 = arith.addi %mul3A_99, %add3A_100 : i32
          %mul3A_102 = arith.mulf %broadcast_in_dim3A, %get3A_97 : vector<16xf32>
          %swap3A = arith.index_cast %add3A_101 : i32 to index
          %swap3A_103 = tpu.vector_load %arg14[%swap3A] {strides = array<i32>} : memref<20480xf32, #tpu.memory_space<vmem>>, vector<16xf32>,
          tpu.vector_store %arg14[%swap3A], %mul3A_102 {add = true, strides = array<i32>} : memref<20480xf32, #tpu.memory_space<vmem>>, vector<16xf32>,
          %get3A_104 = arith.index_cast %while3A_85 : i32 to index
          %get3A_105 = arith.constant 16 : index
          %get3A_106 = tpu.vector_load %arg13[%get3A_104, %get3A_105] {strides = array<i32>} : memref<64x128xf32, #tpu.memory_space<vmem>>, vector<16xf32>,
          %mul3A_107 = arith.constant 64 : i32
          %mul3A_108 = arith.muli %squeeze3A, %mul3A_107 : i32
          %add3A_109 = arith.constant 16 : i32
          %add3A_110 = arith.addi %mul3A_108, %add3A_109 : i32
          %mul3A_111 = arith.mulf %broadcast_in_dim3A, %get3A_106 : vector<16xf32>
          %swap3A_112 = arith.index_cast %add3A_110 : i32 to index
          %swap3A_113 = tpu.vector_load %arg14[%swap3A_112] {strides = array<i32>} : memref<20480xf32, #tpu.memory_space<vmem>>, vector<16xf32>,
          tpu.vector_store %arg14[%swap3A_112], %mul3A_111 {add = true, strides = array<i32>} : memref<20480xf32, #tpu.memory_space<vmem>>, vector<16xf32>,
          %get3A_114 = arith.index_cast %while3A_85 : i32 to index
          %get3A_115 = arith.constant 32 : index
          %get3A_116 = tpu.vector_load %arg13[%get3A_114, %get3A_115] {strides = array<i32>} : memref<64x128xf32, #tpu.memory_space<vmem>>, vector<16xf32>,
          %mul3A_117 = arith.constant 64 : i32
          %mul3A_118 = arith.muli %squeeze3A, %mul3A_117 : i32
          %add3A_119 = arith.constant 32 : i32
          %add3A_120 = arith.addi %mul3A_118, %add3A_119 : i32
          %mul3A_121 = arith.mulf %broadcast_in_dim3A, %get3A_116 : vector<16xf32>
          %swap3A_122 = arith.index_cast %add3A_120 : i32 to index
          %swap3A_123 = tpu.vector_load %arg14[%swap3A_122] {strides = array<i32>} : memref<20480xf32, #tpu.memory_space<vmem>>, vector<16xf32>,
          tpu.vector_store %arg14[%swap3A_122], %mul3A_121 {add = true, strides = array<i32>} : memref<20480xf32, #tpu.memory_space<vmem>>, vector<16xf32>,
          %get3A_124 = arith.index_cast %while3A_85 : i32 to index
          %get3A_125 = arith.constant 48 : index
          %get3A_126 = tpu.vector_load %arg13[%get3A_124, %get3A_125] {strides = array<i32>} : memref<64x128xf32, #tpu.memory_space<vmem>>, vector<16xf32>,
          %mul3A_127 = arith.constant 64 : i32
          %mul3A_128 = arith.muli %squeeze3A, %mul3A_127 : i32
          %add3A_129 = arith.constant 48 : i32
          %add3A_130 = arith.addi %mul3A_128, %add3A_129 : i32
          %mul3A_131 = arith.mulf %broadcast_in_dim3A, %get3A_126 : vector<16xf32>
          %swap3A_132 = arith.index_cast %add3A_130 : i32 to index
          %swap3A_133 = tpu.vector_load %arg14[%swap3A_132] {strides = array<i32>} : memref<20480xf32, #tpu.memory_space<vmem>>, vector<16xf32>,
          tpu.vector_store %arg14[%swap3A_132], %mul3A_131 {add = true, strides = array<i32>} : memref<20480xf32, #tpu.memory_space<vmem>>, vector<16xf32>,
          %while3A_134 = arith.constant 0 : i32
          scf.yield %while3A_134 : i32
        }
        %while3A_82 = arith.constant 1 : i32
        %while3A_83 = scf.for %while3A_85 = %while3A_79 to %while3A_75 step %while3A_82 iter_args(%while3A_86 = %while3A_81) -> (i32)  : i32 {
          %mul3A_87 = arith.constant 64 : i32
          %mul3A_88 = arith.muli %while3A_64, %mul3A_87 : i32
          %add3A_89 = arith.addi %mul3A_88, %while3A_85 : i32
          %get3A = arith.index_cast %add3A_89 : i32 to index
          %get3A_90 = tpu.vector_load %arg11[%get3A] {strides = array<i32>} : memref<5024xi32, #tpu.memory_space<vmem>>, vector<16xi32>,
          %slice3A = vector.extract_strided_slice %get3A_90 {offsets = [0], sizes = [1], strides = [1]} : vector<16xi32> to vector<1xi32>
          %squeeze3A = vector.extract %slice3A[0] : i32 from vector<1xi32>
          %get3A_91 = arith.index_cast %add3A_89 : i32 to index
          %get3A_92 = tpu.vector_load %arg12[%get3A_91] {strides = array<i32>} : memref<5024xf32, #tpu.memory_space<vmem>>, vector<16xf32>,
          %slice3A_93 = vector.extract_strided_slice %get3A_92 {offsets = [0], sizes = [1], strides = [1]} : vector<16xf32> to vector<1xf32>
          %squeeze3A_94 = vector.extract %slice3A_93[0] : f32 from vector<1xf32>
          %broadcast_in_dim3A = vector.broadcast %squeeze3A_94 : f32 to vector<16xf32>
          %get3A_95 = arith.index_cast %while3A_85 : i32 to index
          %get3A_96 = arith.constant 0 : index
          %get3A_97 = tpu.vector_load %arg13[%get3A_95, %get3A_96] {strides = array<i32>} : memref<64x128xf32, #tpu.memory_space<vmem>>, vector<16xf32>,
          %mul3A_98 = arith.constant 64 : i32
          %mul3A_99 = arith.muli %squeeze3A, %mul3A_98 : i32
          %add3A_100 = arith.constant 0 : i32
          %add3A_101 = arith.addi %mul3A_99, %add3A_100 : i32
          %mul3A_102 = arith.mulf %broadcast_in_dim3A, %get3A_97 : vector<16xf32>
          %swap3A = arith.index_cast %add3A_101 : i32 to index
          %swap3A_103 = tpu.vector_load %arg14[%swap3A] {strides = array<i32>} : memref<20480xf32, #tpu.memory_space<vmem>>, vector<16xf32>,
          tpu.vector_store %arg14[%swap3A], %mul3A_102 {add = true, strides = array<i32>} : memref<20480xf32, #tpu.memory_space<vmem>>, vector<16xf32>,
          %get3A_104 = arith.index_cast %while3A_85 : i32 to index
          %get3A_105 = arith.constant 16 : index
          %get3A_106 = tpu.vector_load %arg13[%get3A_104, %get3A_105] {strides = array<i32>} : memref<64x128xf32, #tpu.memory_space<vmem>>, vector<16xf32>,
          %mul3A_107 = arith.constant 64 : i32
          %mul3A_108 = arith.muli %squeeze3A, %mul3A_107 : i32
          %add3A_109 = arith.constant 16 : i32
          %add3A_110 = arith.addi %mul3A_108, %add3A_109 : i32
          %mul3A_111 = arith.mulf %broadcast_in_dim3A, %get3A_106 : vector<16xf32>
          %swap3A_112 = arith.index_cast %add3A_110 : i32 to index
          %swap3A_113 = tpu.vector_load %arg14[%swap3A_112] {strides = array<i32>} : memref<20480xf32, #tpu.memory_space<vmem>>, vector<16xf32>,
          tpu.vector_store %arg14[%swap3A_112], %mul3A_111 {add = true, strides = array<i32>} : memref<20480xf32, #tpu.memory_space<vmem>>, vector<16xf32>,
          %get3A_114 = arith.index_cast %while3A_85 : i32 to index
          %get3A_115 = arith.constant 32 : index
          %get3A_116 = tpu.vector_load %arg13[%get3A_114, %get3A_115] {strides = array<i32>} : memref<64x128xf32, #tpu.memory_space<vmem>>, vector<16xf32>,
          %mul3A_117 = arith.constant 64 : i32
          %mul3A_118 = arith.muli %squeeze3A, %mul3A_117 : i32
          %add3A_119 = arith.constant 32 : i32
          %add3A_120 = arith.addi %mul3A_118, %add3A_119 : i32
          %mul3A_121 = arith.mulf %broadcast_in_dim3A, %get3A_116 : vector<16xf32>
          %swap3A_122 = arith.index_cast %add3A_120 : i32 to index
          %swap3A_123 = tpu.vector_load %arg14[%swap3A_122] {strides = array<i32>} : memref<20480xf32, #tpu.memory_space<vmem>>, vector<16xf32>,
          tpu.vector_store %arg14[%swap3A_122], %mul3A_121 {add = true, strides = array<i32>} : memref<20480xf32, #tpu.memory_space<vmem>>, vector<16xf32>,
          %get3A_124 = arith.index_cast %while3A_85 : i32 to index
          %get3A_125 = arith.constant 48 : index
          %get3A_126 = tpu.vector_load %arg13[%get3A_124, %get3A_125] {strides = array<i32>} : memref<64x128xf32, #tpu.memory_space<vmem>>, vector<16xf32>,
          %mul3A_127 = arith.constant 64 : i32
          %mul3A_128 = arith.muli %squeeze3A, %mul3A_127 : i32
          %add3A_129 = arith.constant 48 : i32
          %add3A_130 = arith.addi %mul3A_128, %add3A_129 : i32
          %mul3A_131 = arith.mulf %broadcast_in_dim3A, %get3A_126 : vector<16xf32>
          %swap3A_132 = arith.index_cast %add3A_130 : i32 to index
          %swap3A_133 = tpu.vector_load %arg14[%swap3A_132] {strides = array<i32>} : memref<20480xf32, #tpu.memory_space<vmem>>, vector<16xf32>,
          tpu.vector_store %arg14[%swap3A_132], %mul3A_131 {add = true, strides = array<i32>} : memref<20480xf32, #tpu.memory_space<vmem>>, vector<16xf32>,
          %while3A_134 = arith.constant 0 : i32
          scf.yield %while3A_134 : i32
        }
        %while3A_84 = arith.constant 0 : i32
        scf.yield %while3A_84 : i32
      }
      %while3A_62 = arith.constant 1 : i32
      %while3A_63 = scf.for %while3A_64 = %while3A_59 to %while3A_55 step %while3A_62 iter_args(%while3A_65 = %while3A_61) -> (i32)  : i32 {
        %mul3A_66 = arith.constant 64 : i32
        %mul3A_67 = arith.muli %while3A_64, %mul3A_66 : i32
        "tpu.region"() ({
          %run_scoped3A = tpu.sem_alloc : memref<!tpu.dma_semaphore, #tpu.memory_space<semaphore_mem>>
          %dma_start3A = tpu.memref_slice %arg10[%mul3A_67] : memref<5008xi32, #tpu.memory_space<vmem>> -> memref<64xi32, #tpu.memory_space<vmem>>
          %dma_start3A_85 = arith.constant 0 : i32
          %dma_start3A_86 = arith.constant 0 : i32
          %dma_start3A_87 = tpu.memref_slice %arg2[%dma_start3A_85, %dma_start3A_86] : memref<10000x128xf32, #tpu.memory_space<hbm>> -> memref<10000x128xf32, #tpu.memory_space<hbm>>
          tpu.enqueue_indirect_dma source(%dma_start3A_87 : memref<10000x128xf32, #tpu.memory_space<hbm>>) target(%arg13 : memref<64x128xf32, #tpu.memory_space<vmem>>) offsets(%dma_start3A : memref<64xi32, #tpu.memory_space<vmem>>) semaphore(%run_scoped3A : memref<!tpu.dma_semaphore, #tpu.memory_space<semaphore_mem>>)
          %dma_wait3A = tpu.memref_slice %arg10[%mul3A_67] : memref<5008xi32, #tpu.memory_space<vmem>> -> memref<64xi32, #tpu.memory_space<vmem>>
          %dma_wait3A_88 = arith.constant 0 : i32
          %dma_wait3A_89 = arith.constant 0 : i32
          %dma_wait3A_90 = tpu.memref_slice %arg2[%dma_wait3A_88, %dma_wait3A_89] : memref<10000x128xf32, #tpu.memory_space<hbm>> -> memref<10000x128xf32, #tpu.memory_space<hbm>>
          tpu.wait_indirect_dma semaphore(%run_scoped3A : memref<!tpu.dma_semaphore, #tpu.memory_space<semaphore_mem>>) src(%dma_wait3A_90 : memref<10000x128xf32, #tpu.memory_space<hbm>>) dst(%arg13 : memref<64x128xf32, #tpu.memory_space<vmem>>)
          tpu.yield
        }) : () -> ()
        %mul3A_68 = arith.constant 64 : i32
        %mul3A_69 = arith.muli %while3A_64, %mul3A_68 : i32
        %sub3A_70 = arith.subi %scan3A_31, %mul3A_69 : i32
        %min3A = arith.constant 64 : i32
        %min3A_71 = arith.minsi %sub3A_70, %min3A : i32
        %while3A_72 = arith.constant 0 : i32
        %while3A_73 = arith.constant 0 : i32
        %while3A_74 = arith.subi %min3A_71, %while3A_72 : i32
        %while3A_75 = arith.addi %while3A_72, %while3A_74 : i32
        %while3A_76 = arith.constant 1 : i32
        %while3A_77 = arith.divsi %while3A_74, %while3A_76 : i32
        %while3A_78 = arith.muli %while3A_77, %while3A_76 : i32
        %while3A_79 = arith.addi %while3A_72, %while3A_78 : i32
        %while3A_80 = arith.constant 1 : i32
        %while3A_81 = scf.for %while3A_85 = %while3A_72 to %while3A_79 step %while3A_80 iter_args(%while3A_86 = %while3A_73) -> (i32)  : i32 {
          %mul3A_87 = arith.constant 64 : i32
          %mul3A_88 = arith.muli %while3A_64, %mul3A_87 : i32
          %add3A_89 = arith.addi %mul3A_88, %while3A_85 : i32
          %get3A = arith.index_cast %add3A_89 : i32 to index
          %get3A_90 = tpu.vector_load %arg11[%get3A] {strides = array<i32>} : memref<5024xi32, #tpu.memory_space<vmem>>, vector<16xi32>,
          %slice3A = vector.extract_strided_slice %get3A_90 {offsets = [0], sizes = [1], strides = [1]} : vector<16xi32> to vector<1xi32>
          %squeeze3A = vector.extract %slice3A[0] : i32 from vector<1xi32>
          %get3A_91 = arith.index_cast %add3A_89 : i32 to index
          %get3A_92 = tpu.vector_load %arg12[%get3A_91] {strides = array<i32>} : memref<5024xf32, #tpu.memory_space<vmem>>, vector<16xf32>,
          %slice3A_93 = vector.extract_strided_slice %get3A_92 {offsets = [0], sizes = [1], strides = [1]} : vector<16xf32> to vector<1xf32>
          %squeeze3A_94 = vector.extract %slice3A_93[0] : f32 from vector<1xf32>
          %broadcast_in_dim3A = vector.broadcast %squeeze3A_94 : f32 to vector<16xf32>
          %get3A_95 = arith.index_cast %while3A_85 : i32 to index
          %get3A_96 = arith.constant 0 : index
          %get3A_97 = tpu.vector_load %arg13[%get3A_95, %get3A_96] {strides = array<i32>} : memref<64x128xf32, #tpu.memory_space<vmem>>, vector<16xf32>,
          %mul3A_98 = arith.constant 64 : i32
          %mul3A_99 = arith.muli %squeeze3A, %mul3A_98 : i32
          %add3A_100 = arith.constant 0 : i32
          %add3A_101 = arith.addi %mul3A_99, %add3A_100 : i32
          %mul3A_102 = arith.mulf %broadcast_in_dim3A, %get3A_97 : vector<16xf32>
          %swap3A = arith.index_cast %add3A_101 : i32 to index
          %swap3A_103 = tpu.vector_load %arg14[%swap3A] {strides = array<i32>} : memref<20480xf32, #tpu.memory_space<vmem>>, vector<16xf32>,
          tpu.vector_store %arg14[%swap3A], %mul3A_102 {add = true, strides = array<i32>} : memref<20480xf32, #tpu.memory_space<vmem>>, vector<16xf32>,
          %get3A_104 = arith.index_cast %while3A_85 : i32 to index
          %get3A_105 = arith.constant 16 : index
          %get3A_106 = tpu.vector_load %arg13[%get3A_104, %get3A_105] {strides = array<i32>} : memref<64x128xf32, #tpu.memory_space<vmem>>, vector<16xf32>,
          %mul3A_107 = arith.constant 64 : i32
          %mul3A_108 = arith.muli %squeeze3A, %mul3A_107 : i32
          %add3A_109 = arith.constant 16 : i32
          %add3A_110 = arith.addi %mul3A_108, %add3A_109 : i32
          %mul3A_111 = arith.mulf %broadcast_in_dim3A, %get3A_106 : vector<16xf32>
          %swap3A_112 = arith.index_cast %add3A_110 : i32 to index
          %swap3A_113 = tpu.vector_load %arg14[%swap3A_112] {strides = array<i32>} : memref<20480xf32, #tpu.memory_space<vmem>>, vector<16xf32>,
          tpu.vector_store %arg14[%swap3A_112], %mul3A_111 {add = true, strides = array<i32>} : memref<20480xf32, #tpu.memory_space<vmem>>, vector<16xf32>,
          %get3A_114 = arith.index_cast %while3A_85 : i32 to index
          %get3A_115 = arith.constant 32 : index
          %get3A_116 = tpu.vector_load %arg13[%get3A_114, %get3A_115] {strides = array<i32>} : memref<64x128xf32, #tpu.memory_space<vmem>>, vector<16xf32>,
          %mul3A_117 = arith.constant 64 : i32
          %mul3A_118 = arith.muli %squeeze3A, %mul3A_117 : i32
          %add3A_119 = arith.constant 32 : i32
          %add3A_120 = arith.addi %mul3A_118, %add3A_119 : i32
          %mul3A_121 = arith.mulf %broadcast_in_dim3A, %get3A_116 : vector<16xf32>
          %swap3A_122 = arith.index_cast %add3A_120 : i32 to index
          %swap3A_123 = tpu.vector_load %arg14[%swap3A_122] {strides = array<i32>} : memref<20480xf32, #tpu.memory_space<vmem>>, vector<16xf32>,
          tpu.vector_store %arg14[%swap3A_122], %mul3A_121 {add = true, strides = array<i32>} : memref<20480xf32, #tpu.memory_space<vmem>>, vector<16xf32>,
          %get3A_124 = arith.index_cast %while3A_85 : i32 to index
          %get3A_125 = arith.constant 48 : index
          %get3A_126 = tpu.vector_load %arg13[%get3A_124, %get3A_125] {strides = array<i32>} : memref<64x128xf32, #tpu.memory_space<vmem>>, vector<16xf32>,
          %mul3A_127 = arith.constant 64 : i32
          %mul3A_128 = arith.muli %squeeze3A, %mul3A_127 : i32
          %add3A_129 = arith.constant 48 : i32
          %add3A_130 = arith.addi %mul3A_128, %add3A_129 : i32
          %mul3A_131 = arith.mulf %broadcast_in_dim3A, %get3A_126 : vector<16xf32>
          %swap3A_132 = arith.index_cast %add3A_130 : i32 to index
          %swap3A_133 = tpu.vector_load %arg14[%swap3A_132] {strides = array<i32>} : memref<20480xf32, #tpu.memory_space<vmem>>, vector<16xf32>,
          tpu.vector_store %arg14[%swap3A_132], %mul3A_131 {add = true, strides = array<i32>} : memref<20480xf32, #tpu.memory_space<vmem>>, vector<16xf32>,
          %while3A_134 = arith.constant 0 : i32
          scf.yield %while3A_134 : i32
        }
        %while3A_82 = arith.constant 1 : i32
        %while3A_83 = scf.for %while3A_85 = %while3A_79 to %while3A_75 step %while3A_82 iter_args(%while3A_86 = %while3A_81) -> (i32)  : i32 {
          %mul3A_87 = arith.constant 64 : i32
          %mul3A_88 = arith.muli %while3A_64, %mul3A_87 : i32
          %add3A_89 = arith.addi %mul3A_88, %while3A_85 : i32
          %get3A = arith.index_cast %add3A_89 : i32 to index
          %get3A_90 = tpu.vector_load %arg11[%get3A] {strides = array<i32>} : memref<5024xi32, #tpu.memory_space<vmem>>, vector<16xi32>,
          %slice3A = vector.extract_strided_slice %get3A_90 {offsets = [0], sizes = [1], strides = [1]} : vector<16xi32> to vector<1xi32>
          %squeeze3A = vector.extract %slice3A[0] : i32 from vector<1xi32>
          %get3A_91 = arith.index_cast %add3A_89 : i32 to index
          %get3A_92 = tpu.vector_load %arg12[%get3A_91] {strides = array<i32>} : memref<5024xf32, #tpu.memory_space<vmem>>, vector<16xf32>,
          %slice3A_93 = vector.extract_strided_slice %get3A_92 {offsets = [0], sizes = [1], strides = [1]} : vector<16xf32> to vector<1xf32>
          %squeeze3A_94 = vector.extract %slice3A_93[0] : f32 from vector<1xf32>
          %broadcast_in_dim3A = vector.broadcast %squeeze3A_94 : f32 to vector<16xf32>
          %get3A_95 = arith.index_cast %while3A_85 : i32 to index
          %get3A_96 = arith.constant 0 : index
          %get3A_97 = tpu.vector_load %arg13[%get3A_95, %get3A_96] {strides = array<i32>} : memref<64x128xf32, #tpu.memory_space<vmem>>, vector<16xf32>,
          %mul3A_98 = arith.constant 64 : i32
          %mul3A_99 = arith.muli %squeeze3A, %mul3A_98 : i32
          %add3A_100 = arith.constant 0 : i32
          %add3A_101 = arith.addi %mul3A_99, %add3A_100 : i32
          %mul3A_102 = arith.mulf %broadcast_in_dim3A, %get3A_97 : vector<16xf32>
          %swap3A = arith.index_cast %add3A_101 : i32 to index
          %swap3A_103 = tpu.vector_load %arg14[%swap3A] {strides = array<i32>} : memref<20480xf32, #tpu.memory_space<vmem>>, vector<16xf32>,
          tpu.vector_store %arg14[%swap3A], %mul3A_102 {add = true, strides = array<i32>} : memref<20480xf32, #tpu.memory_space<vmem>>, vector<16xf32>,
          %get3A_104 = arith.index_cast %while3A_85 : i32 to index
          %get3A_105 = arith.constant 16 : index
          %get3A_106 = tpu.vector_load %arg13[%get3A_104, %get3A_105] {strides = array<i32>} : memref<64x128xf32, #tpu.memory_space<vmem>>, vector<16xf32>,
          %mul3A_107 = arith.constant 64 : i32
          %mul3A_108 = arith.muli %squeeze3A, %mul3A_107 : i32
          %add3A_109 = arith.constant 16 : i32
          %add3A_110 = arith.addi %mul3A_108, %add3A_109 : i32
          %mul3A_111 = arith.mulf %broadcast_in_dim3A, %get3A_106 : vector<16xf32>
          %swap3A_112 = arith.index_cast %add3A_110 : i32 to index
          %swap3A_113 = tpu.vector_load %arg14[%swap3A_112] {strides = array<i32>} : memref<20480xf32, #tpu.memory_space<vmem>>, vector<16xf32>,
          tpu.vector_store %arg14[%swap3A_112], %mul3A_111 {add = true, strides = array<i32>} : memref<20480xf32, #tpu.memory_space<vmem>>, vector<16xf32>,
          %get3A_114 = arith.index_cast %while3A_85 : i32 to index
          %get3A_115 = arith.constant 32 : index
          %get3A_116 = tpu.vector_load %arg13[%get3A_114, %get3A_115] {strides = array<i32>} : memref<64x128xf32, #tpu.memory_space<vmem>>, vector<16xf32>,
          %mul3A_117 = arith.constant 64 : i32
          %mul3A_118 = arith.muli %squeeze3A, %mul3A_117 : i32
          %add3A_119 = arith.constant 32 : i32
          %add3A_120 = arith.addi %mul3A_118, %add3A_119 : i32
          %mul3A_121 = arith.mulf %broadcast_in_dim3A, %get3A_116 : vector<16xf32>
          %swap3A_122 = arith.index_cast %add3A_120 : i32 to index
          %swap3A_123 = tpu.vector_load %arg14[%swap3A_122] {strides = array<i32>} : memref<20480xf32, #tpu.memory_space<vmem>>, vector<16xf32>,
          tpu.vector_store %arg14[%swap3A_122], %mul3A_121 {add = true, strides = array<i32>} : memref<20480xf32, #tpu.memory_space<vmem>>, vector<16xf32>,
          %get3A_124 = arith.index_cast %while3A_85 : i32 to index
          %get3A_125 = arith.constant 48 : index
          %get3A_126 = tpu.vector_load %arg13[%get3A_124, %get3A_125] {strides = array<i32>} : memref<64x128xf32, #tpu.memory_space<vmem>>, vector<16xf32>,
          %mul3A_127 = arith.constant 64 : i32
          %mul3A_128 = arith.muli %squeeze3A, %mul3A_127 : i32
          %add3A_129 = arith.constant 48 : i32
          %add3A_130 = arith.addi %mul3A_128, %add3A_129 : i32
          %mul3A_131 = arith.mulf %broadcast_in_dim3A, %get3A_126 : vector<16xf32>
          %swap3A_132 = arith.index_cast %add3A_130 : i32 to index
          %swap3A_133 = tpu.vector_load %arg14[%swap3A_132] {strides = array<i32>} : memref<20480xf32, #tpu.memory_space<vmem>>, vector<16xf32>,
          tpu.vector_store %arg14[%swap3A_132], %mul3A_131 {add = true, strides = array<i32>} : memref<20480xf32, #tpu.memory_space<vmem>>, vector<16xf32>,
          %while3A_134 = arith.constant 0 : i32
          scf.yield %while3A_134 : i32
        }
        %while3A_84 = arith.constant 0 : i32
        scf.yield %while3A_84 : i32
      }
    }
    %scan3A_16 = arith.constant 32 : i32
    %mul3A_17 = arith.constant 64 : i32
    %mul3A_18 = arith.muli %mul3A_2, %mul3A_17 : i32
    "tpu.region"() ({
      %run_scoped3A = tpu.sem_alloc : memref<!tpu.dma_semaphore, #tpu.memory_space<semaphore_mem>>
      %dma_start3A = tpu.memref_slice %arg6[%mul3A_18] : memref<655360xf32, #tpu.memory_space<hbm>> -> memref<20480xf32, #tpu.memory_space<hbm>>
      %dma_start3A_19 = tpu.memref_slice %arg6[%mul3A_18] : memref<655360xf32, #tpu.memory_space<hbm>> -> memref<20480xf32, #tpu.memory_space<hbm>>
      tpu.enqueue_dma source(%arg14 : memref<20480xf32, #tpu.memory_space<vmem>>) target(%dma_start3A_19 : memref<20480xf32, #tpu.memory_space<hbm>>) target_semaphore(%run_scoped3A : memref<!tpu.dma_semaphore, #tpu.memory_space<semaphore_mem>>)
      %dma_wait3A = tpu.memref_slice %arg6[%mul3A_18] : memref<655360xf32, #tpu.memory_space<hbm>> -> memref<20480xf32, #tpu.memory_space<hbm>>
      %dma_wait3A_20 = tpu.memref_slice %arg6[%mul3A_18] : memref<655360xf32, #tpu.memory_space<hbm>> -> memref<20480xf32, #tpu.memory_space<hbm>>
      tpu.wait_dma2 semaphore(%run_scoped3A : memref<!tpu.dma_semaphore, #tpu.memory_space<semaphore_mem>>) src(%arg14 : memref<20480xf32, #tpu.memory_space<vmem>>) dst(%dma_wait3A_20 : memref<20480xf32, #tpu.memory_space<hbm>>)
      tpu.yield
    }) : () -> ()
    return
  }
}

module attributes {stable_mosaic.version = 14 : i64} {
  func.func @body(%arg0: memref<32x10000xf32, #tpu.memory_space<vmem>>, %arg1: memref<10000xf32, #tpu.memory_space<vmem>>, %arg2: memref<10000x1xf32, #tpu.memory_space<vmem>>) attributes {dimension_semantics = [], scalar_prefetch = 0 : i64, scratch_operands = 0 : i64, tpu.core_type = #tpu.core_type<tc>} {
    %get3A = arith.constant 0 : index
    %get3A_0 = arith.constant 0 : index
    %get3A_1 = vector.load %arg0[%get3A, %get3A_0] : memref<32x10000xf32, #tpu.memory_space<vmem>>, vector<32x10000xf32>
    %reduce_sum3A = arith.constant dense<0.000000e+00> : vector<10000xf32>
    %reduce_sum3A_2 = vector.multi_reduction <add>, %get3A_1, %reduce_sum3A [0] : vector<32x10000xf32> to vector<10000xf32>
    %add3A = arith.constant 1.000000e+00 : f32
    %add3A_3 = vector.broadcast %add3A : f32 to vector<10000xf32>
    %add3A_4 = arith.addf %reduce_sum3A_2, %add3A_3 : vector<10000xf32>
    %gt3A = arith.constant 0.000000e+00 : f32
    %gt3A_5 = vector.broadcast %gt3A : f32 to vector<10000xf32>
    %gt3A_6 = arith.cmpf ogt, %add3A_4, %gt3A_5 : vector<10000xf32>
    %rsqrt3A = math.rsqrt %add3A_4 : vector<10000xf32>
    %jit3A = arith.constant 0.000000e+00 : f32
    %broadcast_in_dim3A = vector.broadcast %jit3A : f32 to vector<10000xf32>
    %select_n3A = arith.select %gt3A_6, %rsqrt3A, %broadcast_in_dim3A : vector<10000xi1>, vector<10000xf32>
    %swap3A = arith.constant 0 : index
    %swap3A_7 = vector.load %arg1[%swap3A] : memref<10000xf32, #tpu.memory_space<vmem>>, vector<10000xf32>
    tpu.vector_store %arg1[%swap3A], %select_n3A {strides = array<i32>} : memref<10000xf32, #tpu.memory_space<vmem>>, vector<10000xf32>,
    %mul3A = arith.mulf %select_n3A, %select_n3A : vector<10000xf32>
    %broadcast_in_dim3A_8 = vector.shape_cast %mul3A : vector<10000xf32> to vector<10000x1xf32>
    %swap3A_9 = arith.constant 0 : index
    %swap3A_10 = arith.constant 0 : index
    %swap3A_11 = vector.load %arg2[%swap3A_9, %swap3A_10] : memref<10000x1xf32, #tpu.memory_space<vmem>>, vector<10000x1xf32>
    tpu.vector_store %arg2[%swap3A_9, %swap3A_10], %broadcast_in_dim3A_8 {strides = array<i32>} : memref<10000x1xf32, #tpu.memory_space<vmem>>, vector<10000x1xf32>,
    return
  }
}

module attributes {stable_mosaic.version = 14 : i64} {
  func.func @body(%arg0: i32, %arg1: memref<2000x256xf32, #tpu.memory_space<vmem>>, %arg2: memref<256x256xf32, #tpu.memory_space<vmem>>, %arg3: memref<2000x256xf32, #tpu.memory_space<vmem>>) attributes {dimension_semantics = [#tpu.dimension_semantics<arbitrary>], iteration_bounds = array<i64: 5>, scalar_prefetch = 0 : i64, scratch_operands = 0 : i64, tpu.core_type = #tpu.core_type<tc>, window_params = [{transform_indices = @transform_0, window_bounds = array<i64: 2000, 256>}, {pipeline_mode = #tpu.pipeline_mode<synchronous>, transform_indices = @transform_1, window_bounds = array<i64: 256, 256>}, {transform_indices = @transform_2, window_bounds = array<i64: 2000, 256>}]} {
    %get3A = arith.constant 0 : index
    %get3A_0 = arith.constant 0 : index
    %get3A_1 = vector.load %arg1[%get3A, %get3A_0] : memref<2000x256xf32, #tpu.memory_space<vmem>>, vector<2000x256xf32>
    %get3A_2 = arith.constant 0 : index
    %get3A_3 = arith.constant 0 : index
    %get3A_4 = vector.load %arg2[%get3A_2, %get3A_3] : memref<256x256xf32, #tpu.memory_space<vmem>>, vector<256x256xf32>
    %dot_general3A = arith.constant dense<0.000000e+00> : vector<2000x256xf32>
    %dot_general3A_5 = tpu.matmul %get3A_1, %get3A_4, %dot_general3A {dimension_numbers = #tpu.dot_dimension_numbers<[1], [0], [0], [1], [0, 0, 1, 1], [], []>, transpose_lhs_hint = false} : vector<2000x256xf32>, vector<256x256xf32>, vector<2000x256xf32> -> vector<2000x256xf32>
    %swap3A = arith.constant 0 : index
    %swap3A_6 = arith.constant 0 : index
    %swap3A_7 = vector.load %arg3[%swap3A, %swap3A_6] : memref<2000x256xf32, #tpu.memory_space<vmem>>, vector<2000x256xf32>
    tpu.vector_store %arg3[%swap3A, %swap3A_6], %dot_general3A_5 {strides = array<i32>} : memref<2000x256xf32, #tpu.memory_space<vmem>>, vector<2000x256xf32>,
    return
  }
  func.func @transform_0(%arg0: i32) -> (i32, i32) {
    %c0_i32 = arith.constant 0 : i32
    %c0_i32_0 = arith.constant 0 : i32
    return %arg0, %c0_i32 : i32, i32
  }
  func.func @transform_1(%arg0: i32) -> (i32, i32) {
    %c0_i32 = arith.constant 0 : i32
    %c0_i32_0 = arith.constant 0 : i32
    %c0_i32_1 = arith.constant 0 : i32
    return %c0_i32, %c0_i32_0 : i32, i32
  }
  func.func @transform_2(%arg0: i32) -> (i32, i32) {
    %c0_i32 = arith.constant 0 : i32
    %c0_i32_0 = arith.constant 0 : i32
    return %arg0, %c0_i32 : i32, i32
  }
}

module attributes {stable_mosaic.version = 14 : i64} {
  func.func @body(%arg0: i32, %arg1: memref<2000x256xf32, #tpu.memory_space<vmem>>, %arg2: memref<2000x256xf32, #tpu.memory_space<vmem>>, %arg3: memref<2000x1xf32, #tpu.memory_space<vmem>>, %arg4: memref<256xf32, #tpu.memory_space<vmem>>, %arg5: memref<2000x256xf32, #tpu.memory_space<vmem>>, %arg6: memref<2x256xf32, #tpu.memory_space<vmem>>) attributes {dimension_semantics = [#tpu.dimension_semantics<arbitrary>], iteration_bounds = array<i64: 5>, scalar_prefetch = 0 : i64, scratch_operands = 0 : i64, tpu.core_type = #tpu.core_type<tc>, window_params = [{transform_indices = @transform_0, window_bounds = array<i64: 2000, 256>}, {transform_indices = @transform_1, window_bounds = array<i64: 2000, 256>}, {transform_indices = @transform_2, window_bounds = array<i64: 2000, 1>}, {pipeline_mode = #tpu.pipeline_mode<synchronous>, transform_indices = @transform_3, window_bounds = array<i64: 256>}, {transform_indices = @transform_4, window_bounds = array<i64: 2000, 256>}, {pipeline_mode = #tpu.pipeline_mode<synchronous>, transform_indices = @transform_5, window_bounds = array<i64: 2, 256>}]} {
    %get3A = arith.constant 0 : index
    %get3A_0 = arith.constant 0 : index
    %get3A_1 = vector.load %arg1[%get3A, %get3A_0] : memref<2000x256xf32, #tpu.memory_space<vmem>>, vector<2000x256xf32>
    %get3A_2 = arith.constant 0 : index
    %get3A_3 = arith.constant 0 : index
    %get3A_4 = vector.load %arg3[%get3A_2, %get3A_3] : memref<2000x1xf32, #tpu.memory_space<vmem>>, vector<2000x1xf32>
    %get3A_5 = arith.constant 0 : index
    %get3A_6 = arith.constant 0 : index
    %get3A_7 = vector.load %arg2[%get3A_5, %get3A_6] : memref<2000x256xf32, #tpu.memory_space<vmem>>, vector<2000x256xf32>
    %mul3A = vector.broadcast %get3A_4 : vector<2000x1xf32> to vector<2000x256xf32>
    %mul3A_8 = arith.mulf %mul3A, %get3A_7 : vector<2000x256xf32>
    %add3A = arith.addf %get3A_1, %mul3A_8 : vector<2000x256xf32>
    %get3A_9 = arith.constant 0 : index
    %get3A_10 = vector.load %arg4[%get3A_9] : memref<256xf32, #tpu.memory_space<vmem>>, vector<256xf32>
    %broadcast_in_dim3A = vector.shape_cast %get3A_10 : vector<256xf32> to vector<1x256xf32>
    %add3A_11 = vector.broadcast %broadcast_in_dim3A : vector<1x256xf32> to vector<2000x256xf32>
    %add3A_12 = arith.addf %add3A, %add3A_11 : vector<2000x256xf32>
    %swap3A = arith.constant 0 : index
    %swap3A_13 = arith.constant 0 : index
    %swap3A_14 = vector.load %arg5[%swap3A, %swap3A_13] : memref<2000x256xf32, #tpu.memory_space<vmem>>, vector<2000x256xf32>
    tpu.vector_store %arg5[%swap3A, %swap3A_13], %add3A_12 {strides = array<i32>} : memref<2000x256xf32, #tpu.memory_space<vmem>>, vector<2000x256xf32>,
    %reduce_sum3A = arith.constant dense<0.000000e+00> : vector<256xf32>
    %reduce_sum3A_15 = vector.multi_reduction <add>, %add3A_12, %reduce_sum3A [0] : vector<2000x256xf32> to vector<256xf32>
    %broadcast_in_dim3A_16 = vector.shape_cast %reduce_sum3A_15 : vector<256xf32> to vector<1x256xf32>
    %mul3A_17 = arith.mulf %add3A_12, %add3A_12 : vector<2000x256xf32>
    %reduce_sum3A_18 = arith.constant dense<0.000000e+00> : vector<256xf32>
    %reduce_sum3A_19 = vector.multi_reduction <add>, %mul3A_17, %reduce_sum3A_18 [0] : vector<2000x256xf32> to vector<256xf32>
    %broadcast_in_dim3A_20 = vector.shape_cast %reduce_sum3A_19 : vector<256xf32> to vector<1x256xf32>
    %concatenate3A = tpu.concatenate %broadcast_in_dim3A_16, %broadcast_in_dim3A_20 in 0 : vector<1x256xf32>, vector<1x256xf32> -> vector<2x256xf32>
    %eq3A = arith.constant 0 : i32
    %eq3A_21 = arith.cmpi eq, %arg0, %eq3A : i32
    %convert_element_type3A = arith.extui %eq3A_21 : i1 to i32
    %cond3A = arith.constant 0 : i32
    %cond3A_22 = arith.cmpi ne, %convert_element_type3A, %cond3A : i32
    scf.if %cond3A_22 {
      %broadcast_in_dim3A_30 = arith.constant 0.000000e+00 : f32
      %broadcast_in_dim3A_31 = vector.broadcast %broadcast_in_dim3A_30 : f32 to vector<2x256xf32>
      %swap3A_32 = arith.constant 0 : index
      %swap3A_33 = arith.constant 0 : index
      %swap3A_34 = vector.load %arg6[%swap3A_32, %swap3A_33] : memref<2x256xf32, #tpu.memory_space<vmem>>, vector<2x256xf32>
      tpu.vector_store %arg6[%swap3A_32, %swap3A_33], %broadcast_in_dim3A_31 {strides = array<i32>} : memref<2x256xf32, #tpu.memory_space<vmem>>, vector<2x256xf32>,
    } else {
    }
    %get3A_23 = arith.constant 0 : index
    %get3A_24 = arith.constant 0 : index
    %get3A_25 = vector.load %arg6[%get3A_23, %get3A_24] : memref<2x256xf32, #tpu.memory_space<vmem>>, vector<2x256xf32>
    %add3A_26 = arith.addf %get3A_25, %concatenate3A : vector<2x256xf32>
    %swap3A_27 = arith.constant 0 : index
    %swap3A_28 = arith.constant 0 : index
    %swap3A_29 = vector.load %arg6[%swap3A_27, %swap3A_28] : memref<2x256xf32, #tpu.memory_space<vmem>>, vector<2x256xf32>
    tpu.vector_store %arg6[%swap3A_27, %swap3A_28], %add3A_26 {strides = array<i32>} : memref<2x256xf32, #tpu.memory_space<vmem>>, vector<2x256xf32>,
    return
  }
  func.func @transform_0(%arg0: i32) -> (i32, i32) {
    %c0_i32 = arith.constant 0 : i32
    %c0_i32_0 = arith.constant 0 : i32
    return %arg0, %c0_i32 : i32, i32
  }
  func.func @transform_1(%arg0: i32) -> (i32, i32) {
    %c0_i32 = arith.constant 0 : i32
    %c0_i32_0 = arith.constant 0 : i32
    return %arg0, %c0_i32 : i32, i32
  }
  func.func @transform_2(%arg0: i32) -> (i32, i32) {
    %c0_i32 = arith.constant 0 : i32
    %c0_i32_0 = arith.constant 0 : i32
    return %arg0, %c0_i32 : i32, i32
  }
  func.func @transform_3(%arg0: i32) -> i32 {
    %c0_i32 = arith.constant 0 : i32
    %c0_i32_0 = arith.constant 0 : i32
    return %c0_i32 : i32
  }
  func.func @transform_4(%arg0: i32) -> (i32, i32) {
    %c0_i32 = arith.constant 0 : i32
    %c0_i32_0 = arith.constant 0 : i32
    return %arg0, %c0_i32 : i32, i32
  }
  func.func @transform_5(%arg0: i32) -> (i32, i32) {
    %c0_i32 = arith.constant 0 : i32
    %c0_i32_0 = arith.constant 0 : i32
    %c0_i32_1 = arith.constant 0 : i32
    return %c0_i32, %c0_i32_0 : i32, i32
  }
}

module attributes {stable_mosaic.version = 14 : i64} {
  func.func @body(%arg0: i32, %arg1: memref<2000x256xf32, #tpu.memory_space<vmem>>, %arg2: memref<2x256xf32, #tpu.memory_space<vmem>>, %arg3: memref<256xf32, #tpu.memory_space<vmem>>, %arg4: memref<256xf32, #tpu.memory_space<vmem>>, %arg5: memref<256x64xf32, #tpu.memory_space<vmem>>, %arg6: memref<2000x64xf32, #tpu.memory_space<vmem>>) attributes {dimension_semantics = [#tpu.dimension_semantics<arbitrary>], iteration_bounds = array<i64: 5>, scalar_prefetch = 0 : i64, scratch_operands = 0 : i64, tpu.core_type = #tpu.core_type<tc>, window_params = [{transform_indices = @transform_0, window_bounds = array<i64: 2000, 256>}, {pipeline_mode = #tpu.pipeline_mode<synchronous>, transform_indices = @transform_1, window_bounds = array<i64: 2, 256>}, {pipeline_mode = #tpu.pipeline_mode<synchronous>, transform_indices = @transform_2, window_bounds = array<i64: 256>}, {pipeline_mode = #tpu.pipeline_mode<synchronous>, transform_indices = @transform_3, window_bounds = array<i64: 256>}, {pipeline_mode = #tpu.pipeline_mode<synchronous>, transform_indices = @transform_4, window_bounds = array<i64: 256, 64>}, {transform_indices = @transform_5, window_bounds = array<i64: 2000, 64>}]} {
    %get3A = arith.constant 0 : index
    %get3A_0 = arith.constant 0 : index
    %get3A_1 = vector.load %arg2[%get3A, %get3A_0] : memref<2x256xf32, #tpu.memory_space<vmem>>, vector<1x256xf32>
    %get3A_2 = vector.shape_cast %get3A_1 : vector<1x256xf32> to vector<256xf32>
    %mul3A = arith.constant 9.99999974E-5 : f32
    %mul3A_3 = vector.broadcast %mul3A : f32 to vector<256xf32>
    %mul3A_4 = arith.mulf %get3A_2, %mul3A_3 : vector<256xf32>
    %get3A_5 = arith.constant 1 : index
    %get3A_6 = arith.constant 0 : index
    %get3A_7 = vector.load %arg2[%get3A_5, %get3A_6] : memref<2x256xf32, #tpu.memory_space<vmem>>, vector<1x256xf32>
    %get3A_8 = vector.shape_cast %get3A_7 : vector<1x256xf32> to vector<256xf32>
    %mul3A_9 = arith.constant 9.99999974E-5 : f32
    %mul3A_10 = vector.broadcast %mul3A_9 : f32 to vector<256xf32>
    %mul3A_11 = arith.mulf %get3A_8, %mul3A_10 : vector<256xf32>
    %mul3A_12 = arith.mulf %mul3A_4, %mul3A_4 : vector<256xf32>
    %sub3A = arith.subf %mul3A_11, %mul3A_12 : vector<256xf32>
    %add3A = arith.constant 9.99999974E-6 : f32
    %add3A_13 = vector.broadcast %add3A : f32 to vector<256xf32>
    %add3A_14 = arith.addf %sub3A, %add3A_13 : vector<256xf32>
    %rsqrt3A = math.rsqrt %add3A_14 : vector<256xf32>
    %get3A_15 = arith.constant 0 : index
    %get3A_16 = arith.constant 0 : index
    %get3A_17 = vector.load %arg1[%get3A_15, %get3A_16] : memref<2000x256xf32, #tpu.memory_space<vmem>>, vector<2000x256xf32>
    %broadcast_in_dim3A = vector.shape_cast %mul3A_4 : vector<256xf32> to vector<1x256xf32>
    %sub3A_18 = vector.broadcast %broadcast_in_dim3A : vector<1x256xf32> to vector<2000x256xf32>
    %sub3A_19 = arith.subf %get3A_17, %sub3A_18 : vector<2000x256xf32>
    %broadcast_in_dim3A_20 = vector.shape_cast %rsqrt3A : vector<256xf32> to vector<1x256xf32>
    %mul3A_21 = vector.broadcast %broadcast_in_dim3A_20 : vector<1x256xf32> to vector<2000x256xf32>
    %mul3A_22 = arith.mulf %sub3A_19, %mul3A_21 : vector<2000x256xf32>
    %get3A_23 = arith.constant 0 : index
    %get3A_24 = vector.load %arg3[%get3A_23] : memref<256xf32, #tpu.memory_space<vmem>>, vector<256xf32>
    %broadcast_in_dim3A_25 = vector.shape_cast %get3A_24 : vector<256xf32> to vector<1x256xf32>
    %mul3A_26 = vector.broadcast %broadcast_in_dim3A_25 : vector<1x256xf32> to vector<2000x256xf32>
    %mul3A_27 = arith.mulf %mul3A_22, %mul3A_26 : vector<2000x256xf32>
    %get3A_28 = arith.constant 0 : index
    %get3A_29 = vector.load %arg4[%get3A_28] : memref<256xf32, #tpu.memory_space<vmem>>, vector<256xf32>
    %broadcast_in_dim3A_30 = vector.shape_cast %get3A_29 : vector<256xf32> to vector<1x256xf32>
    %add3A_31 = vector.broadcast %broadcast_in_dim3A_30 : vector<1x256xf32> to vector<2000x256xf32>
    %add3A_32 = arith.addf %mul3A_27, %add3A_31 : vector<2000x256xf32>
    %max3A = arith.constant 0.000000e+00 : f32
    %max3A_33 = vector.broadcast %max3A : f32 to vector<2000x256xf32>
    %max3A_34 = arith.maximumf %add3A_32, %max3A_33 : vector<2000x256xf32>
    %get3A_35 = arith.constant 0 : index
    %get3A_36 = arith.constant 0 : index
    %get3A_37 = vector.load %arg5[%get3A_35, %get3A_36] : memref<256x64xf32, #tpu.memory_space<vmem>>, vector<256x64xf32>
    %dot_general3A = arith.constant dense<0.000000e+00> : vector<2000x64xf32>
    %dot_general3A_38 = tpu.matmul %max3A_34, %get3A_37, %dot_general3A {dimension_numbers = #tpu.dot_dimension_numbers<[1], [0], [0], [1], [0, 0, 1, 1], [], []>, transpose_lhs_hint = false} : vector<2000x256xf32>, vector<256x64xf32>, vector<2000x64xf32> -> vector<2000x64xf32>
    %swap3A = arith.constant 0 : index
    %swap3A_39 = arith.constant 0 : index
    %swap3A_40 = vector.load %arg6[%swap3A, %swap3A_39] : memref<2000x64xf32, #tpu.memory_space<vmem>>, vector<2000x64xf32>
    tpu.vector_store %arg6[%swap3A, %swap3A_39], %dot_general3A_38 {strides = array<i32>} : memref<2000x64xf32, #tpu.memory_space<vmem>>, vector<2000x64xf32>,
    return
  }
  func.func @transform_0(%arg0: i32) -> (i32, i32) {
    %c0_i32 = arith.constant 0 : i32
    %c0_i32_0 = arith.constant 0 : i32
    return %arg0, %c0_i32 : i32, i32
  }
  func.func @transform_1(%arg0: i32) -> (i32, i32) {
    %c0_i32 = arith.constant 0 : i32
    %c0_i32_0 = arith.constant 0 : i32
    %c0_i32_1 = arith.constant 0 : i32
    return %c0_i32, %c0_i32_0 : i32, i32
  }
  func.func @transform_2(%arg0: i32) -> i32 {
    %c0_i32 = arith.constant 0 : i32
    %c0_i32_0 = arith.constant 0 : i32
    return %c0_i32 : i32
  }
  func.func @transform_3(%arg0: i32) -> i32 {
    %c0_i32 = arith.constant 0 : i32
    %c0_i32_0 = arith.constant 0 : i32
    return %c0_i32 : i32
  }
  func.func @transform_4(%arg0: i32) -> (i32, i32) {
    %c0_i32 = arith.constant 0 : i32
    %c0_i32_0 = arith.constant 0 : i32
    %c0_i32_1 = arith.constant 0 : i32
    return %c0_i32, %c0_i32_0 : i32, i32
  }
  func.func @transform_5(%arg0: i32) -> (i32, i32) {
    %c0_i32 = arith.constant 0 : i32
    %c0_i32_0 = arith.constant 0 : i32
    return %arg0, %c0_i32 : i32, i32
  }
}

module attributes {stable_mosaic.version = 14 : i64} {
  func.func @body(%arg0: i32, %arg1: memref<2000x64xf32, #tpu.memory_space<vmem>>, %arg2: memref<2000x64xf32, #tpu.memory_space<vmem>>, %arg3: memref<2000x1xf32, #tpu.memory_space<vmem>>, %arg4: memref<64xf32, #tpu.memory_space<vmem>>, %arg5: memref<2000x64xf32, #tpu.memory_space<vmem>>, %arg6: memref<2x64xf32, #tpu.memory_space<vmem>>) attributes {dimension_semantics = [#tpu.dimension_semantics<arbitrary>], iteration_bounds = array<i64: 5>, scalar_prefetch = 0 : i64, scratch_operands = 0 : i64, tpu.core_type = #tpu.core_type<tc>, window_params = [{transform_indices = @transform_0, window_bounds = array<i64: 2000, 64>}, {transform_indices = @transform_1, window_bounds = array<i64: 2000, 64>}, {transform_indices = @transform_2, window_bounds = array<i64: 2000, 1>}, {pipeline_mode = #tpu.pipeline_mode<synchronous>, transform_indices = @transform_3, window_bounds = array<i64: 64>}, {transform_indices = @transform_4, window_bounds = array<i64: 2000, 64>}, {pipeline_mode = #tpu.pipeline_mode<synchronous>, transform_indices = @transform_5, window_bounds = array<i64: 2, 64>}]} {
    %get3A = arith.constant 0 : index
    %get3A_0 = arith.constant 0 : index
    %get3A_1 = vector.load %arg1[%get3A, %get3A_0] : memref<2000x64xf32, #tpu.memory_space<vmem>>, vector<2000x64xf32>
    %get3A_2 = arith.constant 0 : index
    %get3A_3 = arith.constant 0 : index
    %get3A_4 = vector.load %arg3[%get3A_2, %get3A_3] : memref<2000x1xf32, #tpu.memory_space<vmem>>, vector<2000x1xf32>
    %get3A_5 = arith.constant 0 : index
    %get3A_6 = arith.constant 0 : index
    %get3A_7 = vector.load %arg2[%get3A_5, %get3A_6] : memref<2000x64xf32, #tpu.memory_space<vmem>>, vector<2000x64xf32>
    %mul3A = vector.broadcast %get3A_4 : vector<2000x1xf32> to vector<2000x64xf32>
    %mul3A_8 = arith.mulf %mul3A, %get3A_7 : vector<2000x64xf32>
    %add3A = arith.addf %get3A_1, %mul3A_8 : vector<2000x64xf32>
    %get3A_9 = arith.constant 0 : index
    %get3A_10 = vector.load %arg4[%get3A_9] : memref<64xf32, #tpu.memory_space<vmem>>, vector<64xf32>
    %broadcast_in_dim3A = vector.shape_cast %get3A_10 : vector<64xf32> to vector<1x64xf32>
    %add3A_11 = vector.broadcast %broadcast_in_dim3A : vector<1x64xf32> to vector<2000x64xf32>
    %add3A_12 = arith.addf %add3A, %add3A_11 : vector<2000x64xf32>
    %swap3A = arith.constant 0 : index
    %swap3A_13 = arith.constant 0 : index
    %swap3A_14 = vector.load %arg5[%swap3A, %swap3A_13] : memref<2000x64xf32, #tpu.memory_space<vmem>>, vector<2000x64xf32>
    tpu.vector_store %arg5[%swap3A, %swap3A_13], %add3A_12 {strides = array<i32>} : memref<2000x64xf32, #tpu.memory_space<vmem>>, vector<2000x64xf32>,
    %reduce_sum3A = arith.constant dense<0.000000e+00> : vector<64xf32>
    %reduce_sum3A_15 = vector.multi_reduction <add>, %add3A_12, %reduce_sum3A [0] : vector<2000x64xf32> to vector<64xf32>
    %broadcast_in_dim3A_16 = vector.shape_cast %reduce_sum3A_15 : vector<64xf32> to vector<1x64xf32>
    %mul3A_17 = arith.mulf %add3A_12, %add3A_12 : vector<2000x64xf32>
    %reduce_sum3A_18 = arith.constant dense<0.000000e+00> : vector<64xf32>
    %reduce_sum3A_19 = vector.multi_reduction <add>, %mul3A_17, %reduce_sum3A_18 [0] : vector<2000x64xf32> to vector<64xf32>
    %broadcast_in_dim3A_20 = vector.shape_cast %reduce_sum3A_19 : vector<64xf32> to vector<1x64xf32>
    %concatenate3A = tpu.concatenate %broadcast_in_dim3A_16, %broadcast_in_dim3A_20 in 0 : vector<1x64xf32>, vector<1x64xf32> -> vector<2x64xf32>
    %eq3A = arith.constant 0 : i32
    %eq3A_21 = arith.cmpi eq, %arg0, %eq3A : i32
    %convert_element_type3A = arith.extui %eq3A_21 : i1 to i32
    %cond3A = arith.constant 0 : i32
    %cond3A_22 = arith.cmpi ne, %convert_element_type3A, %cond3A : i32
    scf.if %cond3A_22 {
      %broadcast_in_dim3A_30 = arith.constant 0.000000e+00 : f32
      %broadcast_in_dim3A_31 = vector.broadcast %broadcast_in_dim3A_30 : f32 to vector<2x64xf32>
      %swap3A_32 = arith.constant 0 : index
      %swap3A_33 = arith.constant 0 : index
      %swap3A_34 = vector.load %arg6[%swap3A_32, %swap3A_33] : memref<2x64xf32, #tpu.memory_space<vmem>>, vector<2x64xf32>
      tpu.vector_store %arg6[%swap3A_32, %swap3A_33], %broadcast_in_dim3A_31 {strides = array<i32>} : memref<2x64xf32, #tpu.memory_space<vmem>>, vector<2x64xf32>,
    } else {
    }
    %get3A_23 = arith.constant 0 : index
    %get3A_24 = arith.constant 0 : index
    %get3A_25 = vector.load %arg6[%get3A_23, %get3A_24] : memref<2x64xf32, #tpu.memory_space<vmem>>, vector<2x64xf32>
    %add3A_26 = arith.addf %get3A_25, %concatenate3A : vector<2x64xf32>
    %swap3A_27 = arith.constant 0 : index
    %swap3A_28 = arith.constant 0 : index
    %swap3A_29 = vector.load %arg6[%swap3A_27, %swap3A_28] : memref<2x64xf32, #tpu.memory_space<vmem>>, vector<2x64xf32>
    tpu.vector_store %arg6[%swap3A_27, %swap3A_28], %add3A_26 {strides = array<i32>} : memref<2x64xf32, #tpu.memory_space<vmem>>, vector<2x64xf32>,
    return
  }
  func.func @transform_0(%arg0: i32) -> (i32, i32) {
    %c0_i32 = arith.constant 0 : i32
    %c0_i32_0 = arith.constant 0 : i32
    return %arg0, %c0_i32 : i32, i32
  }
  func.func @transform_1(%arg0: i32) -> (i32, i32) {
    %c0_i32 = arith.constant 0 : i32
    %c0_i32_0 = arith.constant 0 : i32
    return %arg0, %c0_i32 : i32, i32
  }
  func.func @transform_2(%arg0: i32) -> (i32, i32) {
    %c0_i32 = arith.constant 0 : i32
    %c0_i32_0 = arith.constant 0 : i32
    return %arg0, %c0_i32 : i32, i32
  }
  func.func @transform_3(%arg0: i32) -> i32 {
    %c0_i32 = arith.constant 0 : i32
    %c0_i32_0 = arith.constant 0 : i32
    return %c0_i32 : i32
  }
  func.func @transform_4(%arg0: i32) -> (i32, i32) {
    %c0_i32 = arith.constant 0 : i32
    %c0_i32_0 = arith.constant 0 : i32
    return %arg0, %c0_i32 : i32, i32
  }
  func.func @transform_5(%arg0: i32) -> (i32, i32) {
    %c0_i32 = arith.constant 0 : i32
    %c0_i32_0 = arith.constant 0 : i32
    %c0_i32_1 = arith.constant 0 : i32
    return %c0_i32, %c0_i32_0 : i32, i32
  }
}

module attributes {stable_mosaic.version = 14 : i64} {
  func.func @body(%arg0: i32, %arg1: memref<2000x64xf32, #tpu.memory_space<vmem>>, %arg2: memref<2x64xf32, #tpu.memory_space<vmem>>, %arg3: memref<64xf32, #tpu.memory_space<vmem>>, %arg4: memref<64xf32, #tpu.memory_space<vmem>>, %arg5: memref<64x128xf32, #tpu.memory_space<vmem>>, %arg6: memref<128xf32, #tpu.memory_space<vmem>>, %arg7: memref<2000x128xf32, #tpu.memory_space<vmem>>) attributes {dimension_semantics = [#tpu.dimension_semantics<arbitrary>], iteration_bounds = array<i64: 5>, scalar_prefetch = 0 : i64, scratch_operands = 0 : i64, tpu.core_type = #tpu.core_type<tc>, window_params = [{transform_indices = @transform_0, window_bounds = array<i64: 2000, 64>}, {pipeline_mode = #tpu.pipeline_mode<synchronous>, transform_indices = @transform_1, window_bounds = array<i64: 2, 64>}, {pipeline_mode = #tpu.pipeline_mode<synchronous>, transform_indices = @transform_2, window_bounds = array<i64: 64>}, {pipeline_mode = #tpu.pipeline_mode<synchronous>, transform_indices = @transform_3, window_bounds = array<i64: 64>}, {pipeline_mode = #tpu.pipeline_mode<synchronous>, transform_indices = @transform_4, window_bounds = array<i64: 64, 128>}, {pipeline_mode = #tpu.pipeline_mode<synchronous>, transform_indices = @transform_5, window_bounds = array<i64: 128>}, {transform_indices = @transform_6, window_bounds = array<i64: 2000, 128>}]} {
    %get3A = arith.constant 0 : index
    %get3A_0 = arith.constant 0 : index
    %get3A_1 = vector.load %arg2[%get3A, %get3A_0] : memref<2x64xf32, #tpu.memory_space<vmem>>, vector<1x64xf32>
    %get3A_2 = vector.shape_cast %get3A_1 : vector<1x64xf32> to vector<64xf32>
    %mul3A = arith.constant 9.99999974E-5 : f32
    %mul3A_3 = vector.broadcast %mul3A : f32 to vector<64xf32>
    %mul3A_4 = arith.mulf %get3A_2, %mul3A_3 : vector<64xf32>
    %get3A_5 = arith.constant 1 : index
    %get3A_6 = arith.constant 0 : index
    %get3A_7 = vector.load %arg2[%get3A_5, %get3A_6] : memref<2x64xf32, #tpu.memory_space<vmem>>, vector<1x64xf32>
    %get3A_8 = vector.shape_cast %get3A_7 : vector<1x64xf32> to vector<64xf32>
    %mul3A_9 = arith.constant 9.99999974E-5 : f32
    %mul3A_10 = vector.broadcast %mul3A_9 : f32 to vector<64xf32>
    %mul3A_11 = arith.mulf %get3A_8, %mul3A_10 : vector<64xf32>
    %mul3A_12 = arith.mulf %mul3A_4, %mul3A_4 : vector<64xf32>
    %sub3A = arith.subf %mul3A_11, %mul3A_12 : vector<64xf32>
    %add3A = arith.constant 9.99999974E-6 : f32
    %add3A_13 = vector.broadcast %add3A : f32 to vector<64xf32>
    %add3A_14 = arith.addf %sub3A, %add3A_13 : vector<64xf32>
    %rsqrt3A = math.rsqrt %add3A_14 : vector<64xf32>
    %get3A_15 = arith.constant 0 : index
    %get3A_16 = arith.constant 0 : index
    %get3A_17 = vector.load %arg1[%get3A_15, %get3A_16] : memref<2000x64xf32, #tpu.memory_space<vmem>>, vector<2000x64xf32>
    %broadcast_in_dim3A = vector.shape_cast %mul3A_4 : vector<64xf32> to vector<1x64xf32>
    %sub3A_18 = vector.broadcast %broadcast_in_dim3A : vector<1x64xf32> to vector<2000x64xf32>
    %sub3A_19 = arith.subf %get3A_17, %sub3A_18 : vector<2000x64xf32>
    %broadcast_in_dim3A_20 = vector.shape_cast %rsqrt3A : vector<64xf32> to vector<1x64xf32>
    %mul3A_21 = vector.broadcast %broadcast_in_dim3A_20 : vector<1x64xf32> to vector<2000x64xf32>
    %mul3A_22 = arith.mulf %sub3A_19, %mul3A_21 : vector<2000x64xf32>
    %get3A_23 = arith.constant 0 : index
    %get3A_24 = vector.load %arg3[%get3A_23] : memref<64xf32, #tpu.memory_space<vmem>>, vector<64xf32>
    %broadcast_in_dim3A_25 = vector.shape_cast %get3A_24 : vector<64xf32> to vector<1x64xf32>
    %mul3A_26 = vector.broadcast %broadcast_in_dim3A_25 : vector<1x64xf32> to vector<2000x64xf32>
    %mul3A_27 = arith.mulf %mul3A_22, %mul3A_26 : vector<2000x64xf32>
    %get3A_28 = arith.constant 0 : index
    %get3A_29 = vector.load %arg4[%get3A_28] : memref<64xf32, #tpu.memory_space<vmem>>, vector<64xf32>
    %broadcast_in_dim3A_30 = vector.shape_cast %get3A_29 : vector<64xf32> to vector<1x64xf32>
    %add3A_31 = vector.broadcast %broadcast_in_dim3A_30 : vector<1x64xf32> to vector<2000x64xf32>
    %add3A_32 = arith.addf %mul3A_27, %add3A_31 : vector<2000x64xf32>
    %max3A = arith.constant 0.000000e+00 : f32
    %max3A_33 = vector.broadcast %max3A : f32 to vector<2000x64xf32>
    %max3A_34 = arith.maximumf %add3A_32, %max3A_33 : vector<2000x64xf32>
    %get3A_35 = arith.constant 0 : index
    %get3A_36 = arith.constant 0 : index
    %get3A_37 = vector.load %arg5[%get3A_35, %get3A_36] : memref<64x128xf32, #tpu.memory_space<vmem>>, vector<64x128xf32>
    %dot_general3A = arith.constant dense<0.000000e+00> : vector<2000x128xf32>
    %dot_general3A_38 = tpu.matmul %max3A_34, %get3A_37, %dot_general3A {dimension_numbers = #tpu.dot_dimension_numbers<[1], [0], [0], [1], [0, 0, 1, 1], [], []>, transpose_lhs_hint = false} : vector<2000x64xf32>, vector<64x128xf32>, vector<2000x128xf32> -> vector<2000x128xf32>
    %get3A_39 = arith.constant 0 : index
    %get3A_40 = vector.load %arg6[%get3A_39] : memref<128xf32, #tpu.memory_space<vmem>>, vector<128xf32>
    %broadcast_in_dim3A_41 = vector.shape_cast %get3A_40 : vector<128xf32> to vector<1x128xf32>
    %add3A_42 = vector.broadcast %broadcast_in_dim3A_41 : vector<1x128xf32> to vector<2000x128xf32>
    %add3A_43 = arith.addf %dot_general3A_38, %add3A_42 : vector<2000x128xf32>
    %swap3A = arith.constant 0 : index
    %swap3A_44 = arith.constant 0 : index
    %swap3A_45 = vector.load %arg7[%swap3A, %swap3A_44] : memref<2000x128xf32, #tpu.memory_space<vmem>>, vector<2000x128xf32>
    tpu.vector_store %arg7[%swap3A, %swap3A_44], %add3A_43 {strides = array<i32>} : memref<2000x128xf32, #tpu.memory_space<vmem>>, vector<2000x128xf32>,
    return
  }
  func.func @transform_0(%arg0: i32) -> (i32, i32) {
    %c0_i32 = arith.constant 0 : i32
    %c0_i32_0 = arith.constant 0 : i32
    return %arg0, %c0_i32 : i32, i32
  }
  func.func @transform_1(%arg0: i32) -> (i32, i32) {
    %c0_i32 = arith.constant 0 : i32
    %c0_i32_0 = arith.constant 0 : i32
    %c0_i32_1 = arith.constant 0 : i32
    return %c0_i32, %c0_i32_0 : i32, i32
  }
  func.func @transform_2(%arg0: i32) -> i32 {
    %c0_i32 = arith.constant 0 : i32
    %c0_i32_0 = arith.constant 0 : i32
    return %c0_i32 : i32
  }
  func.func @transform_3(%arg0: i32) -> i32 {
    %c0_i32 = arith.constant 0 : i32
    %c0_i32_0 = arith.constant 0 : i32
    return %c0_i32 : i32
  }
  func.func @transform_4(%arg0: i32) -> (i32, i32) {
    %c0_i32 = arith.constant 0 : i32
    %c0_i32_0 = arith.constant 0 : i32
    %c0_i32_1 = arith.constant 0 : i32
    return %c0_i32, %c0_i32_0 : i32, i32
  }
  func.func @transform_5(%arg0: i32) -> i32 {
    %c0_i32 = arith.constant 0 : i32
    %c0_i32_0 = arith.constant 0 : i32
    return %c0_i32 : i32
  }
  func.func @transform_6(%arg0: i32) -> (i32, i32) {
    %c0_i32 = arith.constant 0 : i32
    %c0_i32_0 = arith.constant 0 : i32
    return %arg0, %c0_i32 : i32, i32
  }
}

</mosaic_0001>

<sc_bundles>
// kernel: kernel.12.cloned.1.call-start
scs
__scs_entry_jumppad:
0x0: {  	(pc) =	sbr.rel $0x88, $3  }
0x1: {  	(tag) =	ssettag $0x0;
	lr =	simm.s32 $0x1  }
0x2: {  	[smem:$0x3F94] =	sst lr;
	_ =	strace $0xD0000000  }
0x3: {  	_ = 	snop  }
0x4: {  	_ = 	snop  }
0x5: {  	_ = 	snop  }
0x6: {  	_ = 	snop  }
0x7: {  	_ = 	snop  }
__scs_overlays_trampoline_lowered:
0x8: {  	[smem:$0x3FA3] =	sst s0  }
0x9: {  	[smem:$0x3FA4] =	sst s1  }
0xa: {  	[smem:$0x3FA5] =	sst s2  }
0xb: {  	[smem:$0x3FA6] =	sst s3  }
0xc: {  	[smem:$0x3FA7] =	sst s4  }
0xd: {  	[smem:$0x3FA8] =	sst s5  }
0xe: {  	[smem:$0x3FA9] =	sst s6  }
0xf: {  	[smem:$0x3FAA] =	sst s7  }
0x10: {  	[smem:$0x3FAB] =	sst s8  }
0x11: {  	[smem:$0x3FAC] =	sst s9;
	s0 =	simm.s32 @!p0 $0x0  }
0x12: {  	s1 =	sld [smem:$0x3F92];
	s0 =	simm.s32 @p0 $0x1  }
0x13: {  	[smem:$0x3FAD] =	sst s0;
	s0 =	simm.s32 @!p1 $0x0  }
0x14: {  	s2 =	sld [smem:$0x3F91];
	s0 =	simm.s32 @p1 $0x1  }
0x15: {  	[smem:$0x3FAE] =	sst s0;
	s0 =	simm.s32 @!p2 $0x0  }
0x16: {  	s3 =	sld [smem:$0x3FDB];
	s0 =	simm.s32 @p2 $0x1  }
0x17: {  	s4 =	simm.s32 $0x1BF5;
	[smem:$0x3FB0] =	sst s0  }
0x18: {  	s0 =	sld [smem:$0x3F93];
	_ =	swait.ge [sflag:s4], $0x0  }
0x19: {  	s7 =	sld [smem:$0x3F94]  }
0x1a: {  	s8 =	sadd.s32 $0xFFFFE003, lr  }
0x1b: {  	s9 =	sadd.s32 $0xFFFFFEF7, lr;
	s5 =	simm.s32 $0xFFFFFFFF;
	p2 =	slt.u32 s8, $0xFFFFF086  }
0x1c: {  	p1 =	slt.u32 s9, $0xF7A;
	s5 =	simm.s32 @!p2 $0x0  }
0x1d: {  	s5 =	simm.s32 @p1 $0x1;
	p0 =	seq.s32 s7, s2  }
0x1e: {  	s7 =	smul.u32 @!p0 $0xF7A, s2;
	p2 =	seq.s32 @!p0 s5, $0x0  }
0x1f: {  	s9 =	smul.u32 $0xF7A, s1;
	s8 =	simm.s32 @!p0 $0x1BF5;
	p2 =	por !p2, p0  }
0x20: {  	[sflag:s8] =	ssyncset.s32 @!p0 $0xFFFFF086;
	s6 =	sadd.s32 @!p0 s3, s7;
	s7 =	simm.s32 @!p0 $0x108  }
0x21: {  	s3 =	sadd.s32 s3, s9;
	s6 =	sadd.s32 @!p0 $0x88, s6;
	s7 =	simm.s32 @p2 $0x1082  }
0x22: {  	[simem:s7], [sflag:s8] =	dma.local @!p0 [hbm:s6], $0xF7A  }
0x23: {  	s9 =	sor.u32 $0xD0000000, s2;
	s6 =	simm.s32 $0x108;
	_ =	swait.ge @!p0 [sflag:s8], $0x0  }
0x24: {  	s3 =	sadd.s32 $0x88, s3;
	s6 =	simm.s32 @!p1 $0x1082;
	[sflag:s4] =	ssyncset.s32 $0xFFFFF086  }
0x25: {  	[simem:s6], [sflag:s4] =	dma.local [hbm:s3], $0xF7A  }
0x26: {  	[smem:$0x3F94] =	sst s1;
	(tag) =	ssettag s2;
	_ =	strace s9  }
0x27: {  	s1 =	sld [smem:$0x3FA4]  }
0x28: {  	s2 =	sld [smem:$0x3FA5]  }
0x29: {  	s4 =	sld [smem:$0x3FA7]  }
0x2a: {  	p0 =	seq.s32 s5, $0x0;
	s5 =	sld [smem:$0x3FA8]  }
0x2b: {  	s6 =	sld [smem:$0x3FA9]  }
0x2c: {  	s7 =	sld [smem:$0x3FAA]  }
0x2d: {  	s3 =	simm.s32 $0x108;
	s8 =	sld [smem:$0x3FAB]  }
0x2e: {  	s3 =	simm.s32 @!p0 $0x1082;
	s9 =	sld [smem:$0x3FAC]  }
0x2f: {  	lr =	sadd.s32 s0, s3;
	s0 =	sld [smem:$0x3FA3]  }
0x30: {  	s3 =	sld [smem:$0x3FA6]  }
0x31: {  	[smem:$0x3FAF] =	sst s10  }
0x32: {  	s10 =	sld [smem:$0x3FAD];
	_ =	sdelay $0x3  }
0x33: {  	p0 =	seq.s32 s10, $0x1;
	s10 =	sld [smem:$0x3FAF];
	_ =	sdelay $0x3  }
0x34: {  	[smem:$0x3FAF] =	sst s10  }
0x35: {  	s10 =	sld [smem:$0x3FAE];
	_ =	sdelay $0x3  }
0x36: {  	p1 =	seq.s32 s10, $0x1;
	s10 =	sld [smem:$0x3FAF];
	_ =	sdelay $0x3  }
0x37: {  	[smem:$0x3FAF] =	sst s10  }
0x38: {  	s10 =	sld [smem:$0x3FB0]  }
0x39: {  	_ = 	snop;
	(pc) =	sbr.ind lr, $3  }
0x3a: {  	_ = 	snop  }
0x3b: {  	_ = 	snop  }
0x3c: {  	p2 =	seq.s32 s10, $0x1;
	s10 =	sld [smem:$0x3FAF]  }
0x3d: {  	_ =	shalt  }
0x3e: {  	_ =	shalt  }
0x3f: {  	_ =	shalt  }
0x40: {  	_ =	shalt  }
0x41: {  	_ =	shalt  }
0x42: {  	_ =	shalt  }
0x43: {  	_ =	shalt  }
0x44: {  	_ =	shalt  }
0x45: {  	_ =	shalt  }
0x46: {  	_ =	shalt  }
0x47: {  	_ =	shalt  }
0x48: {  	_ =	shalt  }
0x49: {  	_ =	shalt  }
0x4a: {  	_ =	shalt  }
0x4b: {  	_ =	shalt  }
0x4c: {  	_ =	shalt  }
0x4d: {  	_ =	shalt  }
0x4e: {  	_ =	shalt  }
0x4f: {  	_ =	shalt  }
0x50: {  	_ =	shalt  }
0x51: {  	_ =	shalt  }
0x52: {  	_ =	shalt  }
0x53: {  	_ =	shalt  }
0x54: {  	_ =	shalt  }
0x55: {  	_ =	shalt  }
0x56: {  	_ =	shalt  }
0x57: {  	_ =	shalt  }
0x58: {  	_ =	shalt  }
0x59: {  	_ =	shalt  }
0x5a: {  	_ =	shalt  }
0x5b: {  	_ =	shalt  }
0x5c: {  	_ =	shalt  }
0x5d: {  	_ =	shalt  }
0x5e: {  	_ =	shalt  }
0x5f: {  	_ =	shalt  }
0x60: {  	_ =	shalt  }
0x61: {  	_ =	shalt  }
0x62: {  	_ =	shalt  }
0x63: {  	_ =	shalt  }
0x64: {  	_ =	shalt  }
0x65: {  	_ =	shalt  }
0x66: {  	_ =	shalt  }
0x67: {  	_ =	shalt  }
0x68: {  	_ =	shalt  }
0x69: {  	_ =	shalt  }
0x6a: {  	_ =	shalt  }
0x6b: {  	_ =	shalt  }
0x6c: {  	_ =	shalt  }
0x6d: {  	_ =	shalt  }
0x6e: {  	_ =	shalt  }
0x6f: {  	_ =	shalt  }
0x70: {  	_ =	shalt  }
0x71: {  	_ =	shalt  }
0x72: {  	_ =	shalt  }
0x73: {  	_ =	shalt  }
0x74: {  	_ =	shalt  }
0x75: {  	_ =	shalt  }
0x76: {  	_ =	shalt  }
0x77: {  	_ =	shalt  }
0x78: {  	_ =	shalt  }
0x79: {  	_ =	shalt  }
0x7a: {  	_ =	shalt  }
0x7b: {  	_ =	shalt  }
0x7c: {  	_ =	shalt  }
0x7d: {  	_ =	shalt  }
0x7e: {  	_ =	shalt  }
0x7f: {  	_ =	shalt  }
0x80: {  	_ =	shalt  }
0x81: {  	_ =	shalt  }
0x82: {  	_ =	shalt  }
0x83: {  	_ =	shalt  }
0x84: {  	_ =	shalt  }
0x85: {  	_ =	shalt  }
0x86: {  	_ =	shalt  }
0x87: {  	_ =	shalt  }
.Lfunc_end0:
.L_simem_size_0:
called_computation_lowered:
.L_overlay_start_0:
0x88: {  	s2 =	sld [smem:$0x3FD9]  }
0x89: {  	s3 =	sld [smem:$0x3FFE];
	_ =	sdelay $0x1  }
0x8a: {  	s1 =	srdreg.scid  }
0x8b: {  	s0 =	sand.u32 $0x1, s1  }
0x8c: {  	s17 =	sshll.u32 s0, $0xA;
	s2 =	sadd.s32 s3, s2  }
0x8d: {  	s2 =	sadd.s32 s2, s17  }
0x8e: {  	[smem:$0x3FBB] =	sst s2  }
0x8f: {  	_ = 	snop  }
0x90: {  	s2 =	sld [smem:$0x3FD0];
	(tm) =	ssettm $0x1  }
0x91: {  	s18 =	sld [smem:$0x3FFB];
	_ =	sdelay $0x3  }
0x92: {  	_ =	strace s18  }
0x93: {  	s3 =	sld [smem:$0x3FFC];
	_ =	sdelay $0x3  }
0x94: {  	_ =	strace s3  }
0x95: {  	s3 =	sld [smem:$0x3FFD];
	_ =	sdelay $0x3  }
0x96: {  	_ =	strace s3  }
0x97: {  	_ =	strace $0x8FFFFFFF  }
0x98: {  	s19 =	sld [smem:$0x3FDB];
	_ =	sdelay $0x1  }
0x99: {  	s4 =	simm.s32 $_scs_section_size  }
0x9a: {  	s5 =	simm.s32 $_size__tile_overlayer_lowered;
	s6 =	simm.s32 $_tile_overlayer_lowered  }
0x9b: {  	s22 =	simm.s32 $0x1BFF;
	s21 =	sshll.u32 s6, $0x1;
	s3 =	sadd.s32 s4, s19  }
0x9c: {  	s7 =	simm.s32 $0x0;
	s20 =	sshll.u32 s5, $0x1;
	s5 =	sadd.s32 s21, s3  }
0x9d: {  	[timem:s7], [sflag:s22] =	dma.local [hbm:s5], s20  }
0x9e: {  	_ =	swait.ge [sflag:s22], s20  }
0x9f: {  	s4 =	ssub.s32 $0x0, s20;
	[sflag:s22] =	ssyncset.done $0x0  }
0xa0: {  	[sflag:s22] =	ssyncadd.s32 s4;
	_ =	sdelay $0x1  }
0xa1: {  	s23 =	simm.s32 $0x1B8B  }
0xa2: {  	_ =	swait.ge [sflag:s23], $0x1  }
0xa3: {  	[sflag:s23] =	ssyncset.done $0x0  }
0xa4: {  	s25 =	simm.s32 $0x1B8E;
	s24 =	sld [smem:$0x3FFE];
	[sflag:s23] =	ssyncadd.s32 $0xFFFFFFFF  }
0xa5: {  	s26 =	simm.s32 $execute0_lowered;
	[smem:$0x3FD2] =	sst s25  }
0xa6: {  	s5 =	sshll.u32 s26, $0x1;
	_ =	strace $0x80000046;
	[dreg:$0x1] =	wrdreg $0xFFFFFFFF  }
0xa7: {  	s28 =	simm.s32 $_size_execute0_lowered;
	s3 =	sadd.s32 s3, s5;
	[dreg:$0x0] =	wrdreg $0x0  }
0xa8: {  	s5 =	sshll.u32 s28, $0x1;
	[dreg:$0x2] =	wrdreg s3  }
0xa9: {  	[dreg:$0x3] =	wrdreg s5  }
0xaa: {  	[dreg:$0x4] =	wrdreg $0xC0  }
0xab: {  	_ =	task [dreg:s7], $0x5FFFF  }
0xac: {  	[dreg:$0x1] =	wrdreg $0xFFFFFFFF  }
0xad: {  	[dreg:$0x0] =	wrdreg $0x60  }
0xae: {  	[dreg:$0x2] =	wrdreg s24  }
0xaf: {  	[dreg:$0x3] =	wrdreg s2  }
0xb0: {  	[dreg:$0x4] =	wrdreg $0x9  }
0xb1: {  	_ =	task.clear_ibuf [dreg:s7], $0x5FFFF;
	_ =	strace $0x90000046  }
0xb2: {  	s29 =	simm.s32 $0x9;
	_ =	strace $0x80000048  }
0xb3: {  	_ =	swait.ge [sflag:s29], $0x1  }
0xb4: {  	[sflag:s29] =	ssyncadd.s32 $0xFFFFFFFF  }
0xb5: {  	_ =	strace $0x90000048  }
0xb6: {  	_ =	sfence  }
0xb7: {  	s30 =	sld [smem:$0x0];
	_ =	sdelay $0x2  }
0xb8: {  	s31 =	sshll.u32 s1, $0xD;
	s1 =	sshrl.u32 s1, $0x2  }
0xb9: {  	s3 =	sand.u32 $0x4000, s31;
	s1 =	sadd.s32 s1, s30  }
0xba: {  	s0 =	sor.u32 s3, s0;
	s1 =	sshll.u32 s1, $0x11  }
0xbb: {  	s0 =	sor.u32 s1, s0  }
0xbc: {  	s0 =	sadd.s32 $0x8F2B, s0  }
0xbd: {  	[sflag:s0] =	ssyncadd.remote.s32 $0x1  }
0xbe: {  	_ =	sfence.sel $0xFFFF  }
0xbf: {  	[dreg:$0x0] =	wrdreg $0xFFFFFFFF;
	(pc) =	sbr.abs _section_cstart, $3  }
0xc0: {  	[dreg:$0x1] =	wrdreg $0xFFFFFFFF  }
0xc1: {  	_ =	task.clear_ibuf [dreg:s7], $0x2FFFF;
	_ =	strace $0x9FFFFFFF  }
0xc2: {  	(tm) =	ssettm $0x7FFFFFFF  }
0xc3: {  	_ =	shalt  }
tec
execute0_lowered:
.L_overlay_start_1:
0x0: {  	(tag) =	ssettag $0x1  }
0x1: {  	s3 =	rddreg [dreg:$0x0];
	s1 =	srdreg.scid  }
0x2: {  	s0 =	stileid.u32;
	s5 =	rddreg [dreg:$0x1]  }
0x3: {  	s2 =	simm.s32 $0x0;
	s4 =	sand.u32 $0x1, s1;
	s6 =	sshll.u32 s0, $0x1  }
0x4: {  	s9 =	simm.s32 $0x2800;
	s10 =	simm.s32 $0x0;
	s6 =	sor.u32 s4, s6  }
0x5: {  	s1 =	rddreg [dreg:$0x2];
	s4 =	ssub.s32 $0x2, s4;
	s7 =	smul.u32 $0x272, s6  }
0x6: {  	[smem:$0x7FF] =	sst s2;
	s31 =	sshrl.u32 s4, $0x1;
	s6 =	smul.u32 $0x4E2, s6  }
0x7: {  	_ =	strace $0x80000047;
	s8 =	ssub.s32 s4, s31;
	s7 =	sadd.s32 s7, s3  }
0x8: {  	s5 =	sadd.s32 s5, s6;
	s6 =	smax.u32 s8, $0x1;
	s8 =	simm.s32 $0x1400  }
0x9: {  	v0 =	vimm.f32 $0.0e+00;
	s3 =	sadd.s32 $0x3E00, s7;
	s4 =	sadd.s32 $0x8E00, s7;
	s7 =	simm.s32 $0x1  }
.LBB2_1:
0xa: {  	[tilespmem:s2], [sflag:$0x1] =	stream.linear.gather [hbm4b:s3+s2], $0x1390, $0x38;
	[tilespmem:$0x4F80] =	vst v63  }
0xb: {  	_ =	swait.ge [sflag:s7], $0x1390  }
0xc: {  	[sflag:s7] =	ssyncset.done $0x0  }
0xd: {  	[sflag:s7] =	ssyncadd.s32 $0xFFFFEC70  }
0xe: {  	[tilespmem:s8], [sflag:$0x1] =	stream.linear.gather [hbm4b:s4+s2], $0x1390, $0x38;
	[tilespmem:$0x4F80] =	vst v63  }
0xf: {  	_ =	swait.ge [sflag:s7], $0x1390  }
0x10: {  	[sflag:s7] =	ssyncset.done $0x0  }
0x11: {  	s11 =	simm.s32 $0x0;
	[sflag:s7] =	ssyncadd.s32 $0xFFFFEC70  }
.LBB2_2:
0x12: {  	p0 =	sne.s32 s11, $0x9C00  }
.Ltmp0:
0x13: {  	_ = 	snop;
	(pc) =	sbr.rel @p0 .LBB2_2-.Ltmp0, $3  }
0x14: {  	_ =	sdelay $0x1  }
0x15: {  	s12 =	sshra.s32 s11, $0x2  }
0x16: {  	s11 =	sadd.s32 $0x40, s11;
	[tilespmem:s12+$0x2800] =	vst v0  }
0x17: {  	s12 =	simm.s32 $0x0;
	s11 =	simm.s32 $0x4  }
.LBB2_4:
0x18: {  	p0 =	sne.s32 s11, $0x4E3C;
	v1 =	vld [tilespmem:s12+$0x0];
	_ =	sdelay $0x2  }
0x19: {  	v2 =	vld [tilespmem:s12+$0x1400]  }
.Ltmp1:
0x1a: {  	(pc) =	sbr.rel @p0 .LBB2_4-.Ltmp1, $2  }
0x1b: {  	_ =	sdelay $0x2  }
0x1c: {  	s12 =	sshra.s32 s11, $0x2;
	s11 =	sadd.s32 $0x4, s11;
	[tilespmem:v1+s9+$0x0] =	vst.idx.add.f32.msk $0x1, v2  }
0x1d: {  	v1 =	vld [tilespmem:s12+$0x0];
	_ =	sdelay $0x2  }
0x1e: {  	v2 =	vld [tilespmem:s12+$0x1400];
	_ =	sdelay $0x2  }
0x1f: {  	s10 =	sadd.s32 $0x1, s10  }
0x20: {  	p0 =	sne.s32 s10, s6  }
.Ltmp2:
0x21: {  	[tilespmem:v1+s9+$0x0] =	vst.idx.add.f32.msk $0x1, v2;
	(pc) =	sbr.rel @p0 .LBB2_1-.Ltmp2, $4  }
0x22: {  	[hbm4b:s5+s2] =	stream.linear.scatter [tilespmem:s9], [sflag:$0x1], $0x2710, $0x38;
	[tilespmem:$0x4F80] =	vst v63  }
0x23: {  	_ =	swait.ge [sflag:s7], $0x2710  }
0x24: {  	[sflag:s7] =	ssyncset.done $0x0  }
0x25: {  	[sflag:s7] =	ssyncadd.s32 $0xFFFFD8F0  }
0x26: {  	_ =	sfence.sel $0x180000  }
0x27: {  	[bflag:$0x0] =	sbarrier.arrive $0xFFFF  }
0x28: {  	p0 =	sne.s32 s0, $0x0;
	_ =	strace $0x90000047  }
0x29: {  	s0 =	sadd.s32 @!p0 $0x100000, s1;
	[bflag:$0x2] =	sbarrier.arrive $0xFFFF  }
0x2a: {  	[sflag:s0] =	ssyncadd.tile.s32 @!p0 $0x1;
	_ =	shalt  }
.Lfunc_end2:
_tile_overlayer_lowered:
.L_overlay_start_2:
0x2b: {  	(tag) =	ssettag $0x2  }
0x2c: {  	s0 =	rddreg [dreg:$0x0];
	s2 =	stileid.u32  }
0x2d: {  	s1 =	rddreg [dreg:$0x1];
	p0 =	sne.s32 s2, $0x0  }
0x2e: {  	s3 =	rddreg [dreg:$0x2];
	[bflag:$0x3] =	sbarrier.arrive $0xFFFF;
	s2 =	simm.s32 @!p0 $0x1C01  }
0x2f: {  	[timem:s3], [sflag:s2] =	dma.local @!p0 [hbm:s0], s1  }
0x30: {  	s0 =	simm.s32 @!p0 $0x1  }
0x31: {  	_ =	swait.ge @!p0 [sflag:s0], s1  }
0x32: {  	s1 =	ssub.s32 @!p0 $0x0, s1;
	[sflag:s0] =	ssyncset.done @!p0 $0x0  }
0x33: {  	[sflag:s0] =	ssyncadd.s32 @!p0 s1  }
0x34: {  	[bflag:$0x3] =	sbarrier.arrive $0xFFFF  }
0x35: {  	_ =	shalt  }

// kernel: kernel.15.cloned.1.call-start
scs
__scs_entry_jumppad:
0x0: {  	(pc) =	sbr.rel $0x88, $3  }
0x1: {  	(tag) =	ssettag $0x0;
	lr =	simm.s32 $0x1  }
0x2: {  	[smem:$0x3F94] =	sst lr;
	_ =	strace $0xD0000000  }
0x3: {  	_ = 	snop  }
0x4: {  	_ = 	snop  }
0x5: {  	_ = 	snop  }
0x6: {  	_ = 	snop  }
0x7: {  	_ = 	snop  }
__scs_overlays_trampoline_lowered:
0x8: {  	[smem:$0x3FA3] =	sst s0  }
0x9: {  	[smem:$0x3FA4] =	sst s1  }
0xa: {  	[smem:$0x3FA5] =	sst s2  }
0xb: {  	[smem:$0x3FA6] =	sst s3  }
0xc: {  	[smem:$0x3FA7] =	sst s4  }
0xd: {  	[smem:$0x3FA8] =	sst s5  }
0xe: {  	[smem:$0x3FA9] =	sst s6  }
0xf: {  	[smem:$0x3FAA] =	sst s7  }
0x10: {  	[smem:$0x3FAB] =	sst s8  }
0x11: {  	[smem:$0x3FAC] =	sst s9;
	s0 =	simm.s32 @!p0 $0x0  }
0x12: {  	s1 =	sld [smem:$0x3F92];
	s0 =	simm.s32 @p0 $0x1  }
0x13: {  	[smem:$0x3FAD] =	sst s0;
	s0 =	simm.s32 @!p1 $0x0  }
0x14: {  	s2 =	sld [smem:$0x3F91];
	s0 =	simm.s32 @p1 $0x1  }
0x15: {  	[smem:$0x3FAE] =	sst s0;
	s0 =	simm.s32 @!p2 $0x0  }
0x16: {  	s3 =	sld [smem:$0x3FDB];
	s0 =	simm.s32 @p2 $0x1  }
0x17: {  	s4 =	simm.s32 $0x1BF5;
	[smem:$0x3FB0] =	sst s0  }
0x18: {  	s0 =	sld [smem:$0x3F93];
	_ =	swait.ge [sflag:s4], $0x0  }
0x19: {  	s7 =	sld [smem:$0x3F94]  }
0x1a: {  	s8 =	sadd.s32 $0xFFFFE003, lr  }
0x1b: {  	s9 =	sadd.s32 $0xFFFFFEF7, lr;
	s5 =	simm.s32 $0xFFFFFFFF;
	p2 =	slt.u32 s8, $0xFFFFF086  }
0x1c: {  	p1 =	slt.u32 s9, $0xF7A;
	s5 =	simm.s32 @!p2 $0x0  }
0x1d: {  	s5 =	simm.s32 @p1 $0x1;
	p0 =	seq.s32 s7, s2  }
0x1e: {  	s7 =	smul.u32 @!p0 $0xF7A, s2;
	p2 =	seq.s32 @!p0 s5, $0x0  }
0x1f: {  	s9 =	smul.u32 $0xF7A, s1;
	s8 =	simm.s32 @!p0 $0x1BF5;
	p2 =	por !p2, p0  }
0x20: {  	[sflag:s8] =	ssyncset.s32 @!p0 $0xFFFFF086;
	s6 =	sadd.s32 @!p0 s3, s7;
	s7 =	simm.s32 @!p0 $0x108  }
0x21: {  	s3 =	sadd.s32 s3, s9;
	s6 =	sadd.s32 @!p0 $0x88, s6;
	s7 =	simm.s32 @p2 $0x1082  }
0x22: {  	[simem:s7], [sflag:s8] =	dma.local @!p0 [hbm:s6], $0xF7A  }
0x23: {  	s9 =	sor.u32 $0xD0000000, s2;
	s6 =	simm.s32 $0x108;
	_ =	swait.ge @!p0 [sflag:s8], $0x0  }
0x24: {  	s3 =	sadd.s32 $0x88, s3;
	s6 =	simm.s32 @!p1 $0x1082;
	[sflag:s4] =	ssyncset.s32 $0xFFFFF086  }
0x25: {  	[simem:s6], [sflag:s4] =	dma.local [hbm:s3], $0xF7A  }
0x26: {  	[smem:$0x3F94] =	sst s1;
	(tag) =	ssettag s2;
	_ =	strace s9  }
0x27: {  	s1 =	sld [smem:$0x3FA4]  }
0x28: {  	s2 =	sld [smem:$0x3FA5]  }
0x29: {  	s4 =	sld [smem:$0x3FA7]  }
0x2a: {  	p0 =	seq.s32 s5, $0x0;
	s5 =	sld [smem:$0x3FA8]  }
0x2b: {  	s6 =	sld [smem:$0x3FA9]  }
0x2c: {  	s7 =	sld [smem:$0x3FAA]  }
0x2d: {  	s3 =	simm.s32 $0x108;
	s8 =	sld [smem:$0x3FAB]  }
0x2e: {  	s3 =	simm.s32 @!p0 $0x1082;
	s9 =	sld [smem:$0x3FAC]  }
0x2f: {  	lr =	sadd.s32 s0, s3;
	s0 =	sld [smem:$0x3FA3]  }
0x30: {  	s3 =	sld [smem:$0x3FA6]  }
0x31: {  	[smem:$0x3FAF] =	sst s10  }
0x32: {  	s10 =	sld [smem:$0x3FAD];
	_ =	sdelay $0x3  }
0x33: {  	p0 =	seq.s32 s10, $0x1;
	s10 =	sld [smem:$0x3FAF];
	_ =	sdelay $0x3  }
0x34: {  	[smem:$0x3FAF] =	sst s10  }
0x35: {  	s10 =	sld [smem:$0x3FAE];
	_ =	sdelay $0x3  }
0x36: {  	p1 =	seq.s32 s10, $0x1;
	s10 =	sld [smem:$0x3FAF];
	_ =	sdelay $0x3  }
0x37: {  	[smem:$0x3FAF] =	sst s10  }
0x38: {  	s10 =	sld [smem:$0x3FB0]  }
0x39: {  	_ = 	snop;
	(pc) =	sbr.ind lr, $3  }
0x3a: {  	_ = 	snop  }
0x3b: {  	_ = 	snop  }
0x3c: {  	p2 =	seq.s32 s10, $0x1;
	s10 =	sld [smem:$0x3FAF]  }
0x3d: {  	_ =	shalt  }
0x3e: {  	_ =	shalt  }
0x3f: {  	_ =	shalt  }
0x40: {  	_ =	shalt  }
0x41: {  	_ =	shalt  }
0x42: {  	_ =	shalt  }
0x43: {  	_ =	shalt  }
0x44: {  	_ =	shalt  }
0x45: {  	_ =	shalt  }
0x46: {  	_ =	shalt  }
0x47: {  	_ =	shalt  }
0x48: {  	_ =	shalt  }
0x49: {  	_ =	shalt  }
0x4a: {  	_ =	shalt  }
0x4b: {  	_ =	shalt  }
0x4c: {  	_ =	shalt  }
0x4d: {  	_ =	shalt  }
0x4e: {  	_ =	shalt  }
0x4f: {  	_ =	shalt  }
0x50: {  	_ =	shalt  }
0x51: {  	_ =	shalt  }
0x52: {  	_ =	shalt  }
0x53: {  	_ =	shalt  }
0x54: {  	_ =	shalt  }
0x55: {  	_ =	shalt  }
0x56: {  	_ =	shalt  }
0x57: {  	_ =	shalt  }
0x58: {  	_ =	shalt  }
0x59: {  	_ =	shalt  }
0x5a: {  	_ =	shalt  }
0x5b: {  	_ =	shalt  }
0x5c: {  	_ =	shalt  }
0x5d: {  	_ =	shalt  }
0x5e: {  	_ =	shalt  }
0x5f: {  	_ =	shalt  }
0x60: {  	_ =	shalt  }
0x61: {  	_ =	shalt  }
0x62: {  	_ =	shalt  }
0x63: {  	_ =	shalt  }
0x64: {  	_ =	shalt  }
0x65: {  	_ =	shalt  }
0x66: {  	_ =	shalt  }
0x67: {  	_ =	shalt  }
0x68: {  	_ =	shalt  }
0x69: {  	_ =	shalt  }
0x6a: {  	_ =	shalt  }
0x6b: {  	_ =	shalt  }
0x6c: {  	_ =	shalt  }
0x6d: {  	_ =	shalt  }
0x6e: {  	_ =	shalt  }
0x6f: {  	_ =	shalt  }
0x70: {  	_ =	shalt  }
0x71: {  	_ =	shalt  }
0x72: {  	_ =	shalt  }
0x73: {  	_ =	shalt  }
0x74: {  	_ =	shalt  }
0x75: {  	_ =	shalt  }
0x76: {  	_ =	shalt  }
0x77: {  	_ =	shalt  }
0x78: {  	_ =	shalt  }
0x79: {  	_ =	shalt  }
0x7a: {  	_ =	shalt  }
0x7b: {  	_ =	shalt  }
0x7c: {  	_ =	shalt  }
0x7d: {  	_ =	shalt  }
0x7e: {  	_ =	shalt  }
0x7f: {  	_ =	shalt  }
0x80: {  	_ =	shalt  }
0x81: {  	_ =	shalt  }
0x82: {  	_ =	shalt  }
0x83: {  	_ =	shalt  }
0x84: {  	_ =	shalt  }
0x85: {  	_ =	shalt  }
0x86: {  	_ =	shalt  }
0x87: {  	_ =	shalt  }
.Lfunc_end0:
.L_simem_size_0:
called_computation.1_lowered:
.L_overlay_start_0:
0x88: {  	s2 =	sld [smem:$0x3FD9]  }
0x89: {  	s3 =	sld [smem:$0x3FFE];
	_ =	sdelay $0x1  }
0x8a: {  	s1 =	srdreg.scid  }
0x8b: {  	s0 =	sand.u32 $0x1, s1  }
0x8c: {  	s17 =	sshll.u32 s0, $0xA;
	s2 =	sadd.s32 s3, s2  }
0x8d: {  	s2 =	sadd.s32 s2, s17  }
0x8e: {  	[smem:$0x3FBB] =	sst s2  }
0x8f: {  	_ = 	snop  }
0x90: {  	s2 =	sld [smem:$0x3FD0];
	(tm) =	ssettm $0x1  }
0x91: {  	s18 =	sld [smem:$0x3FFB];
	_ =	sdelay $0x3  }
0x92: {  	_ =	strace s18  }
0x93: {  	s3 =	sld [smem:$0x3FFC];
	_ =	sdelay $0x3  }
0x94: {  	_ =	strace s3  }
0x95: {  	s3 =	sld [smem:$0x3FFD];
	_ =	sdelay $0x3  }
0x96: {  	_ =	strace s3  }
0x97: {  	_ =	strace $0x8FFFFFFF  }
0x98: {  	s19 =	sld [smem:$0x3FDB];
	_ =	sdelay $0x1  }
0x99: {  	s4 =	simm.s32 $_scs_section_size  }
0x9a: {  	s5 =	simm.s32 $_size__tile_overlayer_lowered;
	s6 =	simm.s32 $_tile_overlayer_lowered  }
0x9b: {  	s22 =	simm.s32 $0x1BFF;
	s21 =	sshll.u32 s6, $0x1;
	s3 =	sadd.s32 s4, s19  }
0x9c: {  	s7 =	simm.s32 $0x0;
	s20 =	sshll.u32 s5, $0x1;
	s5 =	sadd.s32 s21, s3  }
0x9d: {  	[timem:s7], [sflag:s22] =	dma.local [hbm:s5], s20  }
0x9e: {  	_ =	swait.ge [sflag:s22], s20  }
0x9f: {  	s4 =	ssub.s32 $0x0, s20;
	[sflag:s22] =	ssyncset.done $0x0  }
0xa0: {  	[sflag:s22] =	ssyncadd.s32 s4;
	_ =	sdelay $0x1  }
0xa1: {  	s23 =	simm.s32 $0x1B8B  }
0xa2: {  	_ =	swait.ge [sflag:s23], $0x1  }
0xa3: {  	[sflag:s23] =	ssyncset.done $0x0  }
0xa4: {  	s25 =	simm.s32 $0x1B8E;
	s24 =	sld [smem:$0x3FFE];
	[sflag:s23] =	ssyncadd.s32 $0xFFFFFFFF  }
0xa5: {  	s26 =	simm.s32 $execute0_lowered;
	[smem:$0x3FD2] =	sst s25  }
0xa6: {  	s5 =	sshll.u32 s26, $0x1;
	_ =	strace $0x80000049;
	[dreg:$0x1] =	wrdreg $0xFFFFFFFF  }
0xa7: {  	s28 =	simm.s32 $_size_execute0_lowered;
	s3 =	sadd.s32 s3, s5;
	[dreg:$0x0] =	wrdreg $0x0  }
0xa8: {  	s5 =	sshll.u32 s28, $0x1;
	[dreg:$0x2] =	wrdreg s3  }
0xa9: {  	[dreg:$0x3] =	wrdreg s5  }
0xaa: {  	[dreg:$0x4] =	wrdreg $0xC0  }
0xab: {  	_ =	task [dreg:s7], $0x5FFFF  }
0xac: {  	[dreg:$0x1] =	wrdreg $0xFFFFFFFF  }
0xad: {  	[dreg:$0x0] =	wrdreg $0x60  }
0xae: {  	[dreg:$0x2] =	wrdreg s24  }
0xaf: {  	[dreg:$0x3] =	wrdreg s2  }
0xb0: {  	[dreg:$0x4] =	wrdreg $0x9  }
0xb1: {  	_ =	task.clear_ibuf [dreg:s7], $0x5FFFF;
	_ =	strace $0x90000049  }
0xb2: {  	s29 =	simm.s32 $0x9;
	_ =	strace $0x8000004B  }
0xb3: {  	_ =	swait.ge [sflag:s29], $0x1  }
0xb4: {  	[sflag:s29] =	ssyncadd.s32 $0xFFFFFFFF  }
0xb5: {  	_ =	strace $0x9000004B  }
0xb6: {  	_ =	sfence  }
0xb7: {  	s30 =	sld [smem:$0x0];
	_ =	sdelay $0x2  }
0xb8: {  	s31 =	sshll.u32 s1, $0xD;
	s1 =	sshrl.u32 s1, $0x2  }
0xb9: {  	s3 =	sand.u32 $0x4000, s31;
	s1 =	sadd.s32 s1, s30  }
0xba: {  	s0 =	sor.u32 s3, s0;
	s1 =	sshll.u32 s1, $0x11  }
0xbb: {  	s0 =	sor.u32 s1, s0  }
0xbc: {  	s0 =	sadd.s32 $0x8F2B, s0  }
0xbd: {  	[sflag:s0] =	ssyncadd.remote.s32 $0x1  }
0xbe: {  	_ =	sfence.sel $0xFFFF  }
0xbf: {  	[dreg:$0x0] =	wrdreg $0xFFFFFFFF;
	(pc) =	sbr.abs _section_cstart, $3  }
0xc0: {  	[dreg:$0x1] =	wrdreg $0xFFFFFFFF  }
0xc1: {  	_ =	task.clear_ibuf [dreg:s7], $0x2FFFF;
	_ =	strace $0x9FFFFFFF  }
0xc2: {  	(tm) =	ssettm $0x7FFFFFFF  }
0xc3: {  	_ =	shalt  }
tec
execute0_lowered:
.L_overlay_start_1:
0x0: {  	(tag) =	ssettag $0x1  }
0x1: {  	s1 =	srdreg.scid  }
0x2: {  	s0 =	stileid.u32;
	s4 =	rddreg [dreg:$0x0]  }
0x3: {  	s2 =	rddreg [dreg:$0x1];
	s3 =	simm.s32 $0x0;
	s9 =	simm.s32 $0x1  }
0x4: {  	s10 =	simm.s32 $0x1400;
	s5 =	sand.u32 $0x1, s1;
	s30 =	sshll.u32 s0, $0x1  }
0x5: {  	s11 =	simm.s32 $0x2800;
	s12 =	simm.s32 $0x5000;
	s6 =	sor.u32 s5, s30  }
0x6: {  	s13 =	simm.s32 $0x3C00;
	s5 =	ssub.s32 $0x2, s5;
	s6 =	smul.u32 $0x272, s6  }
0x7: {  	s14 =	simm.s32 $0x0;
	s1 =	rddreg [dreg:$0x2];
	s31 =	sshrl.u32 s5, $0x1  }
0x8: {  	[smem:$0x7FF] =	sst s3;
	s8 =	ssub.s32 s5, s31;
	s7 =	sadd.s32 s6, s4  }
0x9: {  	_ =	strace $0x8000004A;
	s8 =	smax.u32 s8, $0x1;
	s4 =	sadd.s32 $0xDE00, s7  }
0xa: {  	s5 =	sadd.s32 $0x3E00, s7;
	s6 =	sadd.s32 $0x8E00, s7;
	s7 =	sadd.s32 $0x12E00, s7  }
.LBB2_1:
0xb: {  	[tilespmem:s3], [sflag:$0x1] =	stream.linear.gather [hbm4b:s4+s3], $0x1390, $0x38;
	[tilespmem:$0x7780] =	vst v63  }
0xc: {  	_ =	swait.ge [sflag:s9], $0x1390  }
0xd: {  	[sflag:s9] =	ssyncset.done $0x0  }
0xe: {  	[sflag:s9] =	ssyncadd.s32 $0xFFFFEC70  }
0xf: {  	[tilespmem:s10], [sflag:$0x1] =	stream.linear.gather [hbm4b:s5+s3], $0x1390, $0x38;
	[tilespmem:$0x7780] =	vst v63  }
0x10: {  	_ =	swait.ge [sflag:s9], $0x1390  }
0x11: {  	[sflag:s9] =	ssyncset.done $0x0  }
0x12: {  	[sflag:s9] =	ssyncadd.s32 $0xFFFFEC70  }
0x13: {  	[tilespmem:s11], [sflag:$0x1] =	stream.linear.gather [hbm4b:s6+s3], $0x1390, $0x38;
	[tilespmem:$0x7780] =	vst v63  }
0x14: {  	_ =	swait.ge [sflag:s9], $0x1390  }
0x15: {  	[sflag:s9] =	ssyncset.done $0x0  }
0x16: {  	[sflag:s9] =	ssyncadd.s32 $0xFFFFEC70  }
0x17: {  	[tilespmem:s12], [sflag:$0x1] =	stream.linear.gather [hbm4b:s2+s3], $0x2780, $0x38;
	[tilespmem:$0x7780] =	vst v63  }
0x18: {  	_ =	swait.ge [sflag:s9], $0x2780  }
0x19: {  	[sflag:s9] =	ssyncset.done $0x0  }
0x1a: {  	s15 =	simm.s32 $0x0;
	[sflag:s9] =	ssyncadd.s32 $0xFFFFD880  }
0x1b: {  	v0 =	vld [tilespmem:s15+$0x0]  }
0x1c: {  	v2 =	vld [tilespmem:s15+$0x1400];
	_ =	sdelay $0x5  }
0x1d: {  	v1 =	vld [tilespmem:s15+$0x2800]  }
0x1e: {  	v0 =	vld.idx.msk [tilespmem:v0+s12+$0x0], $0xffff  }
0x1f: {  	s16 =	simm.s32 $0x10;
	s17 =	simm.s32 $0x80;
	v2 =	vld.idx.msk [tilespmem:v2+s12+$0x0], $0xffff  }
.LBB2_2:
0x20: {  	p0 =	sne.s32 s17, $0x4E00;
	v3 =	vld [tilespmem:s16+$0x0];
	_ =	sdelay $0x1  }
0x21: {  	v4 =	vld [tilespmem:s16+$0x1400]  }
0x22: {  	v0 =	vmul.f32 v1, v0;
	_ =	sdelay $0x1  }
0x23: {  	v0 =	vmul.f32 v0, v2  }
.Ltmp0:
0x24: {  	(pc) =	sbr.rel @p0 .LBB2_2-.Ltmp0, $4  }
0x25: {  	[tilespmem:s15+$0x3C00] =	vst v0;
	s15 =	smov.u32 s16  }
0x26: {  	v0 =	vld.idx.msk [tilespmem:v3+s12+$0x0], $0xffff  }
0x27: {  	v1 =	vld [tilespmem:s15+$0x2800]  }
0x28: {  	s16 =	sshra.s32 s17, $0x2;
	s17 =	sadd.s32 $0x40, s17;
	v2 =	vld.idx.msk [tilespmem:v4+s12+$0x0], $0xffff  }
0x29: {  	v3 =	vld [tilespmem:s16+$0x0];
	_ =	sdelay $0x2  }
0x2a: {  	v4 =	vld [tilespmem:s16+$0x1400];
	v0 =	vmul.f32 v1, v0;
	_ =	sdelay $0x1  }
0x2b: {  	v0 =	vmul.f32 v0, v2;
	_ =	sdelay $0x1  }
0x2c: {  	[tilespmem:s15+$0x3C00] =	vst v0  }
0x2d: {  	v0 =	vld.idx.msk [tilespmem:v3+s12+$0x0], $0xffff  }
0x2e: {  	v62 =	vld [tilespmem:s16+$0x2800];
	_ =	sdelay $0x1  }
0x2f: {  	v63 =	vld.idx.msk [tilespmem:v4+s12+$0x0], $0xffff;
	_ =	sdelay $0x2  }
0x30: {  	v0 =	vmul.f32 v62, v0;
	_ =	sdelay $0x1  }
0x31: {  	s14 =	sadd.s32 $0x1, s14;
	v0 =	vmul.f32 v0, v63  }
0x32: {  	p0 =	sne.s32 s14, s8  }
.Ltmp1:
0x33: {  	[tilespmem:s16+$0x3C00] =	vst v0;
	(pc) =	sbr.rel @p0 .LBB2_1-.Ltmp1, $4  }
0x34: {  	[hbm4b:s7+s3] =	stream.linear.scatter [tilespmem:s13], [sflag:$0x1], $0x1390, $0x38;
	[tilespmem:$0x7780] =	vst v63  }
0x35: {  	_ =	swait.ge [sflag:s9], $0x1390  }
0x36: {  	[sflag:s9] =	ssyncset.done $0x0  }
0x37: {  	[sflag:s9] =	ssyncadd.s32 $0xFFFFEC70  }
0x38: {  	_ =	sfence.sel $0x180000  }
0x39: {  	[bflag:$0x0] =	sbarrier.arrive $0xFFFF  }
0x3a: {  	p0 =	sne.s32 s0, $0x0;
	_ =	strace $0x9000004A  }
0x3b: {  	s0 =	sadd.s32 @!p0 $0x100000, s1;
	[bflag:$0x2] =	sbarrier.arrive $0xFFFF  }
0x3c: {  	[sflag:s0] =	ssyncadd.tile.s32 @!p0 $0x1;
	_ =	shalt  }
.Lfunc_end2:
_tile_overlayer_lowered:
.L_overlay_start_2:
0x3d: {  	(tag) =	ssettag $0x2  }
0x3e: {  	s0 =	rddreg [dreg:$0x0];
	s2 =	stileid.u32  }
0x3f: {  	s1 =	rddreg [dreg:$0x1];
	p0 =	sne.s32 s2, $0x0  }
0x40: {  	s3 =	rddreg [dreg:$0x2];
	[bflag:$0x3] =	sbarrier.arrive $0xFFFF;
	s2 =	simm.s32 @!p0 $0x1C01  }
0x41: {  	[timem:s3], [sflag:s2] =	dma.local @!p0 [hbm:s0], s1  }
0x42: {  	s0 =	simm.s32 @!p0 $0x1  }
0x43: {  	_ =	swait.ge @!p0 [sflag:s0], s1  }
0x44: {  	s1 =	ssub.s32 @!p0 $0x0, s1;
	[sflag:s0] =	ssyncset.done @!p0 $0x0  }
0x45: {  	[sflag:s0] =	ssyncadd.s32 @!p0 s1  }
0x46: {  	[bflag:$0x3] =	sbarrier.arrive $0xFFFF  }
0x47: {  	_ =	shalt  }

// kernel: kernel.18.cloned.1.call-start
scs
__scs_entry_jumppad:
0x0: {  	(pc) =	sbr.rel $0x88, $3  }
0x1: {  	(tag) =	ssettag $0x0;
	lr =	simm.s32 $0x1  }
0x2: {  	[smem:$0x3F94] =	sst lr;
	_ =	strace $0xD0000000  }
0x3: {  	_ = 	snop  }
0x4: {  	_ = 	snop  }
0x5: {  	_ = 	snop  }
0x6: {  	_ = 	snop  }
0x7: {  	_ = 	snop  }
__scs_overlays_trampoline_lowered:
0x8: {  	[smem:$0x3FA3] =	sst s0  }
0x9: {  	[smem:$0x3FA4] =	sst s1  }
0xa: {  	[smem:$0x3FA5] =	sst s2  }
0xb: {  	[smem:$0x3FA6] =	sst s3  }
0xc: {  	[smem:$0x3FA7] =	sst s4  }
0xd: {  	[smem:$0x3FA8] =	sst s5  }
0xe: {  	[smem:$0x3FA9] =	sst s6  }
0xf: {  	[smem:$0x3FAA] =	sst s7  }
0x10: {  	[smem:$0x3FAB] =	sst s8  }
0x11: {  	[smem:$0x3FAC] =	sst s9;
	s0 =	simm.s32 @!p0 $0x0  }
0x12: {  	s1 =	sld [smem:$0x3F92];
	s0 =	simm.s32 @p0 $0x1  }
0x13: {  	[smem:$0x3FAD] =	sst s0;
	s0 =	simm.s32 @!p1 $0x0  }
0x14: {  	s2 =	sld [smem:$0x3F91];
	s0 =	simm.s32 @p1 $0x1  }
0x15: {  	[smem:$0x3FAE] =	sst s0;
	s0 =	simm.s32 @!p2 $0x0  }
0x16: {  	s3 =	sld [smem:$0x3FDB];
	s0 =	simm.s32 @p2 $0x1  }
0x17: {  	s4 =	simm.s32 $0x1BF5;
	[smem:$0x3FB0] =	sst s0  }
0x18: {  	s0 =	sld [smem:$0x3F93];
	_ =	swait.ge [sflag:s4], $0x0  }
0x19: {  	s7 =	sld [smem:$0x3F94]  }
0x1a: {  	s8 =	sadd.s32 $0xFFFFE003, lr  }
0x1b: {  	s9 =	sadd.s32 $0xFFFFFEF7, lr;
	s5 =	simm.s32 $0xFFFFFFFF;
	p2 =	slt.u32 s8, $0xFFFFF086  }
0x1c: {  	p1 =	slt.u32 s9, $0xF7A;
	s5 =	simm.s32 @!p2 $0x0  }
0x1d: {  	s5 =	simm.s32 @p1 $0x1;
	p0 =	seq.s32 s7, s2  }
0x1e: {  	s7 =	smul.u32 @!p0 $0xF7A, s2;
	p2 =	seq.s32 @!p0 s5, $0x0  }
0x1f: {  	s9 =	smul.u32 $0xF7A, s1;
	s8 =	simm.s32 @!p0 $0x1BF5;
	p2 =	por !p2, p0  }
0x20: {  	[sflag:s8] =	ssyncset.s32 @!p0 $0xFFFFF086;
	s6 =	sadd.s32 @!p0 s3, s7;
	s7 =	simm.s32 @!p0 $0x108  }
0x21: {  	s3 =	sadd.s32 s3, s9;
	s6 =	sadd.s32 @!p0 $0x88, s6;
	s7 =	simm.s32 @p2 $0x1082  }
0x22: {  	[simem:s7], [sflag:s8] =	dma.local @!p0 [hbm:s6], $0xF7A  }
0x23: {  	s9 =	sor.u32 $0xD0000000, s2;
	s6 =	simm.s32 $0x108;
	_ =	swait.ge @!p0 [sflag:s8], $0x0  }
0x24: {  	s3 =	sadd.s32 $0x88, s3;
	s6 =	simm.s32 @!p1 $0x1082;
	[sflag:s4] =	ssyncset.s32 $0xFFFFF086  }
0x25: {  	[simem:s6], [sflag:s4] =	dma.local [hbm:s3], $0xF7A  }
0x26: {  	[smem:$0x3F94] =	sst s1;
	(tag) =	ssettag s2;
	_ =	strace s9  }
0x27: {  	s1 =	sld [smem:$0x3FA4]  }
0x28: {  	s2 =	sld [smem:$0x3FA5]  }
0x29: {  	s4 =	sld [smem:$0x3FA7]  }
0x2a: {  	p0 =	seq.s32 s5, $0x0;
	s5 =	sld [smem:$0x3FA8]  }
0x2b: {  	s6 =	sld [smem:$0x3FA9]  }
0x2c: {  	s7 =	sld [smem:$0x3FAA]  }
0x2d: {  	s3 =	simm.s32 $0x108;
	s8 =	sld [smem:$0x3FAB]  }
0x2e: {  	s3 =	simm.s32 @!p0 $0x1082;
	s9 =	sld [smem:$0x3FAC]  }
0x2f: {  	lr =	sadd.s32 s0, s3;
	s0 =	sld [smem:$0x3FA3]  }
0x30: {  	s3 =	sld [smem:$0x3FA6]  }
0x31: {  	[smem:$0x3FAF] =	sst s10  }
0x32: {  	s10 =	sld [smem:$0x3FAD];
	_ =	sdelay $0x3  }
0x33: {  	p0 =	seq.s32 s10, $0x1;
	s10 =	sld [smem:$0x3FAF];
	_ =	sdelay $0x3  }
0x34: {  	[smem:$0x3FAF] =	sst s10  }
0x35: {  	s10 =	sld [smem:$0x3FAE];
	_ =	sdelay $0x3  }
0x36: {  	p1 =	seq.s32 s10, $0x1;
	s10 =	sld [smem:$0x3FAF];
	_ =	sdelay $0x3  }
0x37: {  	[smem:$0x3FAF] =	sst s10  }
0x38: {  	s10 =	sld [smem:$0x3FB0]  }
0x39: {  	_ = 	snop;
	(pc) =	sbr.ind lr, $3  }
0x3a: {  	_ = 	snop  }
0x3b: {  	_ = 	snop  }
0x3c: {  	p2 =	seq.s32 s10, $0x1;
	s10 =	sld [smem:$0x3FAF]  }
0x3d: {  	_ =	shalt  }
0x3e: {  	_ =	shalt  }
0x3f: {  	_ =	shalt  }
0x40: {  	_ =	shalt  }
0x41: {  	_ =	shalt  }
0x42: {  	_ =	shalt  }
0x43: {  	_ =	shalt  }
0x44: {  	_ =	shalt  }
0x45: {  	_ =	shalt  }
0x46: {  	_ =	shalt  }
0x47: {  	_ =	shalt  }
0x48: {  	_ =	shalt  }
0x49: {  	_ =	shalt  }
0x4a: {  	_ =	shalt  }
0x4b: {  	_ =	shalt  }
0x4c: {  	_ =	shalt  }
0x4d: {  	_ =	shalt  }
0x4e: {  	_ =	shalt  }
0x4f: {  	_ =	shalt  }
0x50: {  	_ =	shalt  }
0x51: {  	_ =	shalt  }
0x52: {  	_ =	shalt  }
0x53: {  	_ =	shalt  }
0x54: {  	_ =	shalt  }
0x55: {  	_ =	shalt  }
0x56: {  	_ =	shalt  }
0x57: {  	_ =	shalt  }
0x58: {  	_ =	shalt  }
0x59: {  	_ =	shalt  }
0x5a: {  	_ =	shalt  }
0x5b: {  	_ =	shalt  }
0x5c: {  	_ =	shalt  }
0x5d: {  	_ =	shalt  }
0x5e: {  	_ =	shalt  }
0x5f: {  	_ =	shalt  }
0x60: {  	_ =	shalt  }
0x61: {  	_ =	shalt  }
0x62: {  	_ =	shalt  }
0x63: {  	_ =	shalt  }
0x64: {  	_ =	shalt  }
0x65: {  	_ =	shalt  }
0x66: {  	_ =	shalt  }
0x67: {  	_ =	shalt  }
0x68: {  	_ =	shalt  }
0x69: {  	_ =	shalt  }
0x6a: {  	_ =	shalt  }
0x6b: {  	_ =	shalt  }
0x6c: {  	_ =	shalt  }
0x6d: {  	_ =	shalt  }
0x6e: {  	_ =	shalt  }
0x6f: {  	_ =	shalt  }
0x70: {  	_ =	shalt  }
0x71: {  	_ =	shalt  }
0x72: {  	_ =	shalt  }
0x73: {  	_ =	shalt  }
0x74: {  	_ =	shalt  }
0x75: {  	_ =	shalt  }
0x76: {  	_ =	shalt  }
0x77: {  	_ =	shalt  }
0x78: {  	_ =	shalt  }
0x79: {  	_ =	shalt  }
0x7a: {  	_ =	shalt  }
0x7b: {  	_ =	shalt  }
0x7c: {  	_ =	shalt  }
0x7d: {  	_ =	shalt  }
0x7e: {  	_ =	shalt  }
0x7f: {  	_ =	shalt  }
0x80: {  	_ =	shalt  }
0x81: {  	_ =	shalt  }
0x82: {  	_ =	shalt  }
0x83: {  	_ =	shalt  }
0x84: {  	_ =	shalt  }
0x85: {  	_ =	shalt  }
0x86: {  	_ =	shalt  }
0x87: {  	_ =	shalt  }
.Lfunc_end0:
.L_simem_size_0:
called_computation.2_lowered:
.L_overlay_start_0:
0x88: {  	s2 =	sld [smem:$0x3FD9]  }
0x89: {  	s3 =	sld [smem:$0x3FFE];
	_ =	sdelay $0x1  }
0x8a: {  	s1 =	srdreg.scid  }
0x8b: {  	s0 =	sand.u32 $0x1, s1  }
0x8c: {  	s16 =	sshll.u32 s0, $0xA;
	s2 =	sadd.s32 s3, s2  }
0x8d: {  	s2 =	sadd.s32 s2, s16  }
0x8e: {  	[smem:$0x3FBB] =	sst s2  }
0x8f: {  	_ = 	snop  }
0x90: {  	(tm) =	ssettm $0x1  }
0x91: {  	s17 =	sld [smem:$0x3FFB];
	_ =	sdelay $0x3  }
0x92: {  	_ =	strace s17  }
0x93: {  	s2 =	sld [smem:$0x3FFC];
	_ =	sdelay $0x3  }
0x94: {  	_ =	strace s2  }
0x95: {  	s2 =	sld [smem:$0x3FFD];
	_ =	sdelay $0x3  }
0x96: {  	_ =	strace s2  }
0x97: {  	_ =	strace $0x8FFFFFFF  }
0x98: {  	s18 =	sld [smem:$0x3FDB];
	_ =	sdelay $0x1  }
0x99: {  	s19 =	simm.s32 $_scs_section_size  }
0x9a: {  	s4 =	simm.s32 $_size__tile_overlayer_lowered;
	s5 =	simm.s32 $_tile_overlayer_lowered  }
0x9b: {  	s22 =	simm.s32 $0x1BFF;
	s21 =	sshll.u32 s5, $0x1;
	s2 =	sadd.s32 s19, s18  }
0x9c: {  	s6 =	simm.s32 $0x0;
	s20 =	sshll.u32 s4, $0x1;
	s4 =	sadd.s32 s21, s2  }
0x9d: {  	[timem:s6], [sflag:s22] =	dma.local [hbm:s4], s20  }
0x9e: {  	_ =	swait.ge [sflag:s22], s20  }
0x9f: {  	s3 =	ssub.s32 $0x0, s20;
	[sflag:s22] =	ssyncset.done $0x0  }
0xa0: {  	[sflag:s22] =	ssyncadd.s32 s3;
	_ =	sdelay $0x1  }
0xa1: {  	s23 =	simm.s32 $0x1B8B  }
0xa2: {  	_ =	swait.ge [sflag:s23], $0x1  }
0xa3: {  	[sflag:s23] =	ssyncset.done $0x0  }
0xa4: {  	s25 =	simm.s32 $0x1B8E;
	s24 =	sld [smem:$0x3FFE];
	[sflag:s23] =	ssyncadd.s32 $0xFFFFFFFF  }
0xa5: {  	s26 =	simm.s32 $execute0_lowered;
	[smem:$0x3FD2] =	sst s25  }
0xa6: {  	s4 =	sshll.u32 s26, $0x1;
	_ =	strace $0x8000004C;
	[dreg:$0x1] =	wrdreg $0xFFFFFFFF  }
0xa7: {  	s28 =	simm.s32 $_size_execute0_lowered;
	s2 =	sadd.s32 s2, s4;
	[dreg:$0x0] =	wrdreg $0x0  }
0xa8: {  	s4 =	sshll.u32 s28, $0x1;
	[dreg:$0x2] =	wrdreg s2  }
0xa9: {  	[dreg:$0x3] =	wrdreg s4  }
0xaa: {  	[dreg:$0x4] =	wrdreg $0xC0  }
0xab: {  	_ =	task [dreg:s6], $0x5FFFF  }
0xac: {  	[dreg:$0x1] =	wrdreg $0xFFFFFFFF  }
0xad: {  	[dreg:$0x0] =	wrdreg $0x60  }
0xae: {  	[dreg:$0x2] =	wrdreg s24  }
0xaf: {  	[dreg:$0x3] =	wrdreg $0x9  }
0xb0: {  	_ =	task.clear_ibuf [dreg:s6], $0x4FFFF;
	_ =	strace $0x9000004C  }
0xb1: {  	s29 =	simm.s32 $0x9;
	_ =	strace $0x8000004E  }
0xb2: {  	_ =	swait.ge [sflag:s29], $0x1  }
0xb3: {  	[sflag:s29] =	ssyncadd.s32 $0xFFFFFFFF  }
0xb4: {  	_ =	strace $0x9000004E  }
0xb5: {  	_ =	sfence  }
0xb6: {  	s30 =	sld [smem:$0x0];
	_ =	sdelay $0x2  }
0xb7: {  	s31 =	sshll.u32 s1, $0xD;
	s1 =	sshrl.u32 s1, $0x2  }
0xb8: {  	s3 =	sand.u32 $0x4000, s31;
	s1 =	sadd.s32 s1, s30  }
0xb9: {  	s0 =	sor.u32 s3, s0;
	s1 =	sshll.u32 s1, $0x11  }
0xba: {  	s0 =	sor.u32 s1, s0  }
0xbb: {  	s0 =	sadd.s32 $0x8F2B, s0  }
0xbc: {  	[sflag:s0] =	ssyncadd.remote.s32 $0x1  }
0xbd: {  	_ =	sfence.sel $0xFFFF  }
0xbe: {  	[dreg:$0x0] =	wrdreg $0xFFFFFFFF;
	(pc) =	sbr.abs _section_cstart, $3  }
0xbf: {  	[dreg:$0x1] =	wrdreg $0xFFFFFFFF  }
0xc0: {  	_ =	task.clear_ibuf [dreg:s6], $0x2FFFF;
	_ =	strace $0x9FFFFFFF  }
0xc1: {  	(tm) =	ssettm $0x7FFFFFFF  }
tec
execute0_lowered:
.L_overlay_start_1:
0x0: {  	(tag) =	ssettag $0x1  }
0x1: {  	s0 =	rddreg [dreg:$0x0]  }
0x2: {  	s3 =	simm.s32 $0x0;
	s1 =	srdreg.scid;
	s2 =	stileid.u32  }
0x3: {  	s9 =	simm.s32 $0x1;
	s10 =	simm.s32 $0x1400;
	s11 =	simm.s32 $0x2800  }
0x4: {  	s12 =	simm.s32 $0x7800;
	s13 =	simm.s32 $0x8000;
	s14 =	simm.s32 $0x8800  }
0x5: {  	s15 =	simm.s32 $0x9000;
	s16 =	simm.s32 $0x9800;
	s17 =	simm.s32 $0xA000  }
0x6: {  	s18 =	simm.s32 $0xA800;
	s1 =	sand.u32 $0x1, s1;
	s2 =	sshll.u32 s2, $0x1  }
0x7: {  	s19 =	simm.s32 $0xB000;
	[smem:$0x7FF] =	sst s3;
	s2 =	sor.u32 s1, s2  }
0x8: {  	s3 =	sadd.s32 $0x17E00, s0;
	s1 =	ssub.s32 $0x2, s1;
	s7 =	smul.u32 $0x2800, s2  }
.Ltmp0:
0x9: {  	s4 =	sadd.s32 $0xDE00, s0;
	s8 =	sshrl.u32 s1, $0x1;
	(pc) =	sbr.rel .LBB2_1-.Ltmp0, $4  }
0xa: {  	s5 =	sadd.s32 $0x3E00, s0;
	s6 =	sadd.s32 $0x12E00, s0;
	s1 =	ssub.s32 s1, s8  }
0xb: {  	v1 =	vimm.f32 $0.0e+00;
	v5 =	vlaneseq.u32;
	v2 =	vimm.s32 $0x0;
	s2 =	smul.u32 $0xFFFFFEC0, s2;
	s0 =	sadd.s32 s7, s0;
	s31 =	smax.u32 s1, $0x1  }
0xc: {  	vm0 =	vmmov $0xffff;
	v3 =	vand.u32 $0x7, v5;
	v4 =	vshrl.u32 v5, $0x3;
	_ =	strace $0x8000004D;
	s0 =	sadd.s32 $0x66000, s0;
	[dreg:$0x3] =	wrdreg s31  }
0xd: {  	s21 =	simm.s32 $0x0;
	s25 =	simm.s32 $0x0;
	v5 =	vor.u32 $0x8, v5;
	v4 =	vmul.u32 $0x8, v4;
	v0 =	vmov s2;
	[dreg:$0x2] =	wrdreg s0  }
.LBB2_15:
0xe: {  	s0 =	simm.s32 $0x0;
	s1 =	rddreg [dreg:$0x2];
	s2 =	simm.s32 $0xB800  }
0xf: {  	[hbm4b:s1+s0] =	stream.linear.scatter [tilespmem:s2], [sflag:$0x1], $0x14000, $0x38;
	[tilespmem:$0x1F800] =	vst v63  }
0x10: {  	_ =	swait.ge [sflag:s9], $0x14000  }
0x11: {  	s21 =	sadd.s32 $0x1, s21;
	s31 =	rddreg [dreg:$0x3]  }
0x12: {  	p0 =	sne.s32 s21, s31  }
.Ltmp1:
0x13: {  	_ = 	snop;
	(pc) =	sbr.rel @!p0 .LBB2_16-.Ltmp1, $3  }
0x14: {  	_ =	sdelay $0x1  }
0x15: {  	[sflag:s9] =	ssyncset.done $0x0  }
0x16: {  	[sflag:s9] =	ssyncadd.s32 $0xFFFEC000  }
.LBB2_1:
0x17: {  	s0 =	simm.s32 $0x40;
	s1 =	simm.s32 $0x0  }
.LBB2_2:
0x18: {  	p0 =	sne.s32 s0, $0x4FFC0;
	[tilespmem:s1+$0xB800] =	vst v1;
	s1 =	smov.u32 s0;
	s0 =	sadd.s32 $0x40, s0  }
.Ltmp2:
0x19: {  	(pc) =	sbr.rel @p0 .LBB2_2-.Ltmp2, $2  }
0x1a: {  	_ =	sdelay $0x2  }
0x1b: {  	s1 =	sshra.s32 s1, $0x2  }
0x1c: {  	[tilespmem:s1+$0xB800] =	vst v1;
	s22 =	simm.s32 $0x0;
	s0 =	simm.s32 $0x40;
	s1 =	simm.s32 $0x0  }
.LBB2_4:
0x1d: {  	p0 =	sne.s32 s0, $0x4E00;
	[tilespmem:s1+$0x3C00] =	vst v2;
	s1 =	smov.u32 s0;
	s0 =	sadd.s32 $0x40, s0  }
.Ltmp3:
0x1e: {  	(pc) =	sbr.rel @p0 .LBB2_4-.Ltmp3, $2  }
0x1f: {  	_ =	sdelay $0x2  }
0x20: {  	s1 =	sshra.s32 s1, $0x2  }
.Ltmp4:
0x21: {  	(pc) =	sbr.rel .LBB2_6-.Ltmp4, $2  }
0x22: {  	_ =	sdelay $0x2  }
0x23: {  	[tilespmem:s1+$0x3C00] =	vst v2  }
.LBB2_14:
0x24: {  	s22 =	sadd.s32 $0x1, s22  }
0x25: {  	p0 =	sne.s32 s22, $0x20  }
.Ltmp5:
0x26: {  	_ = 	snop;
	(pc) =	sbr.rel @!p0 .LBB2_15-.Ltmp5, $1  }
0x27: {  	_ =	sdelay $0x3  }
.LBB2_6:
0x28: {  	s1 =	smul.u32 $0x272, s22;
	_ =	sdelay $0x1  }
0x29: {  	s0 =	simm.s32 $0x0;
	s2 =	sadd.s32 s4, s1  }
0x2a: {  	[tilespmem:s0], [sflag:$0x1] =	stream.linear.gather [hbm4b:s2+s0], $0x1390, $0x38;
	[tilespmem:$0x1F800] =	vst v63  }
0x2b: {  	_ =	swait.ge [sflag:s9], $0x1390  }
0x2c: {  	[sflag:s9] =	ssyncset.done $0x0  }
0x2d: {  	s30 =	sadd.s32 s5, s1;
	[sflag:s9] =	ssyncadd.s32 $0xFFFFEC70  }
0x2e: {  	[tilespmem:s10], [sflag:$0x1] =	stream.linear.gather [hbm4b:s30+s0], $0x1390, $0x38;
	[tilespmem:$0x1F800] =	vst v63  }
0x2f: {  	_ =	swait.ge [sflag:s9], $0x1390  }
0x30: {  	[sflag:s9] =	ssyncset.done $0x0  }
0x31: {  	s1 =	sadd.s32 s6, s1;
	[sflag:s9] =	ssyncadd.s32 $0xFFFFEC70  }
0x32: {  	[tilespmem:s11], [sflag:$0x1] =	stream.linear.gather [hbm4b:s1+s0], $0x1390, $0x38;
	[tilespmem:$0x1F800] =	vst v63  }
0x33: {  	_ =	swait.ge [sflag:s9], $0x1390  }
0x34: {  	[sflag:s9] =	ssyncset.done $0x0  }
0x35: {  	s31 =	simm.s32 $0x0;
	[sflag:s9] =	ssyncadd.s32 $0xFFFFEC70  }
0x36: {  	v6 =	vld [tilespmem:s31+$0x1400];
	_ =	sdelay $0x4  }
0x37: {  	v7 =	vadd.s32 v0, v6  }
0x38: {  	vm2 =	vlt.s32 v6, $0x2710;
	vm1 =	vlt.u32 v7, $0x140  }
0x39: {  	vm1 =	vmand vm2, vm1  }
0x3a: {  	v6 =	vsel vm1, $0x1, v2  }
0x3b: {  	(xrf0) =	vadd.scan.msk.s32 $0xffff, v6  }
0x3c: {  	v8 =	vld [tilespmem:s31+$0x0];
	_ =	sdelay $0x1  }
0x3d: {  	v6 =	vld [tilespmem:s31+$0x2800];
	_ =	sdelay $0x2  }
0x3e: {  	[tilespmem:s0+$0x3C00] =	vst.msk vm1, v8;
	v63, _, _ =	vpop (xrf0)  }
0x3f: {  	[tilespmem:s0+$0x5000] =	vst.msk vm1, v7;
	(v2sf) =	vpush v63, $0xF  }
0x40: {  	s2 =	simm.s32 $0x10;
	s1 =	simm.s32 $0x80;
	[tilespmem:s0+$0x6400] =	vst.msk vm1, v6  }
.LBB2_7:
0x41: {  	p0 =	sne.s32 s1, $0x4E00;
	v6 =	vld [tilespmem:s2+$0x1400]  }
0x42: {  	v7 =	vld [tilespmem:s2+$0x0]  }
0x43: {  	v8 =	vld [tilespmem:s2+$0x2800];
	_ =	sdelay $0x2  }
0x44: {  	v9 =	vadd.s32 v0, v6  }
0x45: {  	vm2 =	vlt.s32 v6, $0x2710;
	vm1 =	vlt.u32 v9, $0x140  }
0x46: {  	vm1 =	vmand vm2, vm1  }
0x47: {  	v6 =	vsel vm1, $0x1, v2  }
0x48: {  	(xrf0) =	vadd.scan.msk.s32 $0xffff, v6;
	_ =	sdelay $0x3  }
.Ltmp6:
0x49: {  	s2 =	spop (v2sf);
	(pc) =	sbr.rel @p0 .LBB2_7-.Ltmp6, $4  }
0x4a: {  	s0 =	sadd.s32 s0, s2  }
0x4b: {  	[tilespmem:s0+$0x3C00] =	vst.msk vm1, v7;
	v6, _, _ =	vpop (xrf0)  }
0x4c: {  	[tilespmem:s0+$0x5000] =	vst.msk vm1, v9;
	(v2sf) =	vpush v6, $0xF  }
0x4d: {  	s2 =	sshra.s32 s1, $0x2;
	s1 =	sadd.s32 $0x40, s1;
	[tilespmem:s0+$0x6400] =	vst.msk vm1, v8  }
0x4e: {  	v6 =	vld [tilespmem:s2+$0x1400];
	_ =	sdelay $0x4  }
0x4f: {  	v7 =	vadd.s32 v0, v6  }
0x50: {  	vm2 =	vlt.s32 v6, $0x2710;
	vm1 =	vlt.u32 v7, $0x140  }
0x51: {  	vm1 =	vmand vm2, vm1  }
0x52: {  	v6 =	vsel vm1, $0x1, v2  }
0x53: {  	(xrf0) =	vadd.scan.msk.s32 $0xffff, v6;
	_ =	sdelay $0x5  }
0x54: {  	v6, _, _ =	vpop (xrf0)  }
0x55: {  	(v2sf) =	vpush v6, $0xF;
	_ =	sdelay $0xd  }
0x56: {  	s1 =	spop (v2sf)  }
0x57: {  	s0 =	sadd.s32 s0, s1;
	s29 =	spop (v2sf)  }
0x58: {  	s23 =	sadd.s32 s0, s29  }
0x59: {  	s1 =	sadd.s32 $0x3F, s23  }
0x5a: {  	s7 =	sand.u32 $0x3F, s1  }
0x5b: {  	s30 =	sshra.s32 s1, $0x1F;
	p1 =	slt.s32 s1, $0x1;
	p0 =	sne.s32 s7, $0x0  }
0x5c: {  	v8 =	vld [tilespmem:s2+$0x2800];
	s31 =	sshrl.u32 s30, $0x1A;
	p0 =	por !p1, !p0  }
0x5d: {  	v6 =	vld [tilespmem:s2+$0x0];
	s2 =	simm.s32 $0x1;
	s1 =	sadd.s32 s31, s1;
	p0 =	por !p0, !p0  }
0x5e: {  	s1 =	sshra.s32 s1, $0x6;
	s2 =	simm.s32 @!p0 $0x0  }
0x5f: {  	s24 =	ssub.s32 s1, s2  }
0x60: {  	p0 =	slt.s32 s24, $0x1  }
.Ltmp7:
0x61: {  	_ = 	snop;
	(pc) =	sbr.rel @p0 .LBB2_14-.Ltmp7, $4  }
0x62: {  	_ = 	snop  }
0x63: {  	[tilespmem:s0+$0x3C00] =	vst.msk vm1, v6  }
0x64: {  	[tilespmem:s0+$0x5000] =	vst.msk vm1, v7  }
0x65: {  	[tilespmem:s0+$0x6400] =	vst.msk vm1, v8  }
.Ltmp8:
0x66: {  	(pc) =	sbr.rel .LBB2_10-.Ltmp8, $3  }
0x67: {  	_ =	sdelay $0x1  }
0x68: {  	s26 =	simm.s32 $0x5000  }
0x69: {  	s20 =	simm.s32 $0x6400;
	s29 =	smov.u32 s23;
	s30 =	simm.s32 $0x0  }
.LBB2_13:
0x6a: {  	s30 =	sadd.s32 $0x1, s30  }
0x6b: {  	p0 =	sne.s32 s30, s24  }
.Ltmp9:
0x6c: {  	_ = 	snop;
	(pc) =	sbr.rel @!p0 .LBB2_14-.Ltmp9, $2  }
0x6d: {  	_ =	sdelay $0x2  }
0x6e: {  	s29 =	sadd.s32 $0xFFFFFFC0, s29;
	s26 =	sadd.s32 $0x40, s26;
	s20 =	sadd.s32 $0x40, s20  }
.LBB2_10:
0x6f: {  	s0 =	sshll.u32 s30, $0x6  }
0x70: {  	v6 =	vld [tilespmem:s0+$0x3C00];
	_ =	sdelay $0x4  }
0x71: {  	v7 =	vshll.u32 v6, $0x1  }
0x72: {  	v6 =	vand.u32 $0x7, v6;
	v7 =	vand.u32 $0xFFFFFFF0, v7  }
0x73: {  	v6 =	vor.u32 v6, v7  }
0x74: {  	v7 =	vperm.xlane v6, v3;
	_ =	sdelay $0x1  }
0x75: {  	v6 =	vperm.xlane v6, v5;
	v7 =	vadd.s32 v4, v7;
	_ =	sdelay $0x1  }
0x76: {  	v6 =	vadd.s32 v4, v6;
	_ =	sdelay $0x2  }
0x77: {  	[tilespmem:s12], [sflag:$0x1] =	stream.indirect_vreg.gather [hbm4b:s3+s25], $0x80, v7, vm0, $0xb8;
	[tilespmem:$0x1F800] =	vst v63  }
0x78: {  	_ = 	snop  }
0x79: {  	[tilespmem:s13], [sflag:$0x1] =	stream.indirect_vreg.gather [hbm4b:s3+s25], $0x80, v6, vm0, $0xb8;
	[tilespmem:$0x1F800] =	vst v63  }
0x7a: {  	v6 =	vld [tilespmem:s0+$0x3C10];
	_ =	sdelay $0x4  }
0x7b: {  	v7 =	vshll.u32 v6, $0x1  }
0x7c: {  	v6 =	vand.u32 $0x7, v6;
	v7 =	vand.u32 $0xFFFFFFF0, v7  }
0x7d: {  	v6 =	vor.u32 v6, v7  }
0x7e: {  	v7 =	vperm.xlane v6, v3;
	_ =	sdelay $0x1  }
0x7f: {  	v6 =	vperm.xlane v6, v5;
	v7 =	vadd.s32 v4, v7;
	_ =	sdelay $0x1  }
0x80: {  	v6 =	vadd.s32 v4, v6;
	_ =	sdelay $0x2  }
0x81: {  	[tilespmem:s14], [sflag:$0x1] =	stream.indirect_vreg.gather [hbm4b:s3+s25], $0x80, v7, vm0, $0xb8;
	[tilespmem:$0x1F800] =	vst v63  }
0x82: {  	_ = 	snop  }
0x83: {  	[tilespmem:s15], [sflag:$0x1] =	stream.indirect_vreg.gather [hbm4b:s3+s25], $0x80, v6, vm0, $0xb8;
	[tilespmem:$0x1F800] =	vst v63  }
0x84: {  	v6 =	vld [tilespmem:s0+$0x3C20];
	_ =	sdelay $0x4  }
0x85: {  	v7 =	vshll.u32 v6, $0x1  }
0x86: {  	v6 =	vand.u32 $0x7, v6;
	v7 =	vand.u32 $0xFFFFFFF0, v7  }
0x87: {  	v6 =	vor.u32 v6, v7  }
0x88: {  	v7 =	vperm.xlane v6, v3;
	_ =	sdelay $0x1  }
0x89: {  	v6 =	vperm.xlane v6, v5;
	v7 =	vadd.s32 v4, v7;
	_ =	sdelay $0x1  }
0x8a: {  	v6 =	vadd.s32 v4, v6;
	_ =	sdelay $0x2  }
0x8b: {  	[tilespmem:s16], [sflag:$0x1] =	stream.indirect_vreg.gather [hbm4b:s3+s25], $0x80, v7, vm0, $0xb8;
	[tilespmem:$0x1F800] =	vst v63  }
0x8c: {  	_ = 	snop  }
0x8d: {  	[tilespmem:s17], [sflag:$0x1] =	stream.indirect_vreg.gather [hbm4b:s3+s25], $0x80, v6, vm0, $0xb8;
	[tilespmem:$0x1F800] =	vst v63  }
0x8e: {  	v6 =	vld [tilespmem:s0+$0x3C30];
	_ =	sdelay $0x4  }
0x8f: {  	v7 =	vshll.u32 v6, $0x1  }
0x90: {  	v6 =	vand.u32 $0x7, v6;
	v7 =	vand.u32 $0xFFFFFFF0, v7  }
0x91: {  	v6 =	vor.u32 v6, v7  }
0x92: {  	v7 =	vperm.xlane v6, v3;
	_ =	sdelay $0x1  }
0x93: {  	v6 =	vperm.xlane v6, v5;
	v7 =	vadd.s32 v4, v7;
	_ =	sdelay $0x1  }
0x94: {  	v6 =	vadd.s32 v4, v6  }
0x95: {  	s0 =	ssub.s32 s23, s0  }
0x96: {  	p0 =	slt.s32 s0, $0x1  }
0x97: {  	[tilespmem:s18], [sflag:$0x1] =	stream.indirect_vreg.gather [hbm4b:s3+s25], $0x80, v7, vm0, $0xb8;
	[tilespmem:$0x1F800] =	vst v63  }
.Ltmp10:
0x98: {  	_ = 	snop;
	(pc) =	sbr.rel @p0 .LBB2_13-.Ltmp10, $4  }
0x99: {  	[tilespmem:s19], [sflag:$0x1] =	stream.indirect_vreg.gather [hbm4b:s3+s25], $0x80, v6, vm0, $0xb8;
	[tilespmem:$0x1F800] =	vst v63  }
0x9a: {  	_ =	swait.ge [sflag:s9], $0x4000  }
0x9b: {  	[sflag:s9] =	ssyncset.done $0x0  }
0x9c: {  	[sflag:s9] =	ssyncadd.s32 $0xFFFFC000  }
0x9d: {  	v6 =	vld [tilespmem:s26+$0x0];
	_ =	sdelay $0x4  }
0x9e: {  	(v2sf) =	vpush v6, $0x0;
	_ =	sdelay $0x7  }
0x9f: {  	s0 =	sand.u32 $0xFFFFF800, s25;
	s1 =	sand.u32 $0x380, s25  }
0xa0: {  	s0 =	sor.u32 s1, s0  }
0xa1: {  	v7 =	vld [tilespmem:s0+$0x7800]  }
0xa2: {  	v6 =	vld.msk [tilespmem:s20+$0x0 ss:$0x0], $0xffff;
	_ =	sdelay $0x3  }
0xa3: {  	s8 =	spop (v2sf)  }
0xa4: {  	v7 =	vmul.f32 v7, v6;
	s1 =	sshll.u32 s8, $0xA  }
0xa5: {  	s1 =	sshra.s32 s1, $0x2  }
0xa6: {  	[tilespmem:s1+$0xB800] =	vst.add.f32.msk $0xffff, v7  }
0xa7: {  	v7 =	vld [tilespmem:s0+$0x7810];
	_ =	sdelay $0x4  }
0xa8: {  	v7 =	vmul.f32 v7, v6;
	_ =	sdelay $0x1  }
0xa9: {  	[tilespmem:s1+$0xB810] =	vst.add.f32.msk $0xffff, v7  }
0xaa: {  	v7 =	vld [tilespmem:s0+$0x7820];
	_ =	sdelay $0x4  }
0xab: {  	v7 =	vmul.f32 v7, v6;
	_ =	sdelay $0x1  }
0xac: {  	[tilespmem:s1+$0xB820] =	vst.add.f32.msk $0xffff, v7  }
0xad: {  	v7 =	vld [tilespmem:s0+$0x7830];
	_ =	sdelay $0x4  }
0xae: {  	v7 =	vmul.f32 v7, v6;
	_ =	sdelay $0x1  }
0xaf: {  	[tilespmem:s1+$0xB830] =	vst.add.f32.msk $0xffff, v7  }
0xb0: {  	v7 =	vld [tilespmem:s0+$0x7840];
	_ =	sdelay $0x4  }
0xb1: {  	v7 =	vmul.f32 v7, v6;
	_ =	sdelay $0x1  }
0xb2: {  	[tilespmem:s1+$0xB840] =	vst.add.f32.msk $0xffff, v7  }
0xb3: {  	v7 =	vld [tilespmem:s0+$0x7850];
	_ =	sdelay $0x4  }
0xb4: {  	v7 =	vmul.f32 v7, v6;
	_ =	sdelay $0x1  }
0xb5: {  	[tilespmem:s1+$0xB850] =	vst.add.f32.msk $0xffff, v7  }
0xb6: {  	v7 =	vld [tilespmem:s0+$0x7860];
	_ =	sdelay $0x4  }
0xb7: {  	v7 =	vmul.f32 v7, v6;
	_ =	sdelay $0x1  }
0xb8: {  	[tilespmem:s1+$0xB860] =	vst.add.f32.msk $0xffff, v7  }
0xb9: {  	v7 =	vld [tilespmem:s0+$0x7870];
	_ =	sdelay $0x4  }
0xba: {  	v7 =	vmul.f32 v7, v6;
	_ =	sdelay $0x1  }
0xbb: {  	[tilespmem:s1+$0xB870] =	vst.add.f32.msk $0xffff, v7  }
0xbc: {  	v7 =	vld [tilespmem:s0+$0x7C00];
	_ =	sdelay $0x4  }
0xbd: {  	v7 =	vmul.f32 v7, v6;
	_ =	sdelay $0x1  }
0xbe: {  	[tilespmem:s1+$0xB880] =	vst.add.f32.msk $0xffff, v7  }
0xbf: {  	v7 =	vld [tilespmem:s0+$0x7C10];
	_ =	sdelay $0x4  }
0xc0: {  	v7 =	vmul.f32 v7, v6;
	_ =	sdelay $0x1  }
0xc1: {  	[tilespmem:s1+$0xB890] =	vst.add.f32.msk $0xffff, v7  }
0xc2: {  	v7 =	vld [tilespmem:s0+$0x7C20];
	_ =	sdelay $0x4  }
0xc3: {  	v7 =	vmul.f32 v7, v6;
	_ =	sdelay $0x1  }
0xc4: {  	[tilespmem:s1+$0xB8A0] =	vst.add.f32.msk $0xffff, v7  }
0xc5: {  	v7 =	vld [tilespmem:s0+$0x7C30];
	_ =	sdelay $0x4  }
0xc6: {  	v7 =	vmul.f32 v7, v6;
	_ =	sdelay $0x1  }
0xc7: {  	[tilespmem:s1+$0xB8B0] =	vst.add.f32.msk $0xffff, v7  }
0xc8: {  	v7 =	vld [tilespmem:s0+$0x7C40];
	_ =	sdelay $0x4  }
0xc9: {  	v7 =	vmul.f32 v7, v6;
	_ =	sdelay $0x1  }
0xca: {  	[tilespmem:s1+$0xB8C0] =	vst.add.f32.msk $0xffff, v7  }
0xcb: {  	v7 =	vld [tilespmem:s0+$0x7C50];
	_ =	sdelay $0x4  }
0xcc: {  	v7 =	vmul.f32 v7, v6;
	_ =	sdelay $0x1  }
0xcd: {  	[tilespmem:s1+$0xB8D0] =	vst.add.f32.msk $0xffff, v7  }
0xce: {  	v7 =	vld [tilespmem:s0+$0x7C60];
	_ =	sdelay $0x4  }
0xcf: {  	v7 =	vmul.f32 v7, v6;
	_ =	sdelay $0x1  }
0xd0: {  	[tilespmem:s1+$0xB8E0] =	vst.add.f32.msk $0xffff, v7  }
0xd1: {  	p0 =	sgt.s32 s29, $0x1;
	v7 =	vld [tilespmem:s0+$0x7C70];
	s0 =	smov.u32 s29  }
0xd2: {  	s0 =	simm.s32 @!p0 $0x1  }
0xd3: {  	s0 =	smin.u32 s0, $0x40  }
0xd4: {  	s31 =	sshll.u32 s0, $0x8  }
0xd5: {  	p0 =	sne.s32 s31, $0x100  }
.Ltmp11:
0xd6: {  	_ = 	snop;
	(pc) =	sbr.rel @!p0 .LBB2_13-.Ltmp11, $4  }
0xd7: {  	_ = 	snop  }
0xd8: {  	v6 =	vmul.f32 v7, v6  }
0xd9: {  	s2 =	simm.s32 $0x0  }
0xda: {  	s28 =	smov.u32 s20;
	s0 =	simm.s32 $0x100;
	[tilespmem:s1+$0xB8F0] =	vst.add.f32.msk $0xffff, v6;
	s1 =	sadd.s32 $0x1, s26  }
.LBB2_12:
0xdb: {  	v6 =	vld [tilespmem:s1+$0x0];
	s7 =	smov.u32 s0;
	s0 =	sadd.s32 $0x100, s0  }
0xdc: {  	p0 =	sne.s32 s31, s0;
	_ =	sdelay $0x3  }
0xdd: {  	(v2sf) =	vpush v6, $0x0;
	_ =	sdelay $0x7  }
0xde: {  	s2 =	sadd.s32 $0x80, s2  }
0xdf: {  	s28 =	sadd.s32 $0x1, s28;
	s7 =	sand.u32 $0xFFFFF800, s7;
	s8 =	sand.u32 $0x380, s2  }
0xe0: {  	s7 =	sor.u32 s8, s7;
	v6 =	vld.msk [tilespmem:s28+$0x0 ss:$0x0], $0xffff  }
0xe1: {  	v7 =	vld [tilespmem:s7+$0x7800];
	_ =	sdelay $0x3  }
0xe2: {  	s8 =	spop (v2sf)  }
0xe3: {  	v7 =	vmul.f32 v7, v6;
	s8 =	sshll.u32 s8, $0xA  }
0xe4: {  	s8 =	sshra.s32 s8, $0x2  }
0xe5: {  	[tilespmem:s8+$0xB800] =	vst.add.f32.msk $0xffff, v7  }
0xe6: {  	v7 =	vld [tilespmem:s7+$0x7810];
	_ =	sdelay $0x4  }
0xe7: {  	v7 =	vmul.f32 v7, v6;
	_ =	sdelay $0x1  }
0xe8: {  	[tilespmem:s8+$0xB810] =	vst.add.f32.msk $0xffff, v7  }
0xe9: {  	v7 =	vld [tilespmem:s7+$0x7820];
	_ =	sdelay $0x4  }
0xea: {  	v7 =	vmul.f32 v7, v6;
	_ =	sdelay $0x1  }
0xeb: {  	[tilespmem:s8+$0xB820] =	vst.add.f32.msk $0xffff, v7  }
0xec: {  	v7 =	vld [tilespmem:s7+$0x7830];
	_ =	sdelay $0x4  }
0xed: {  	v7 =	vmul.f32 v7, v6;
	_ =	sdelay $0x1  }
0xee: {  	[tilespmem:s8+$0xB830] =	vst.add.f32.msk $0xffff, v7  }
0xef: {  	v7 =	vld [tilespmem:s7+$0x7840];
	_ =	sdelay $0x4  }
0xf0: {  	v7 =	vmul.f32 v7, v6;
	_ =	sdelay $0x1  }
0xf1: {  	[tilespmem:s8+$0xB840] =	vst.add.f32.msk $0xffff, v7  }
0xf2: {  	v7 =	vld [tilespmem:s7+$0x7850];
	_ =	sdelay $0x4  }
0xf3: {  	v7 =	vmul.f32 v7, v6;
	_ =	sdelay $0x1  }
0xf4: {  	[tilespmem:s8+$0xB850] =	vst.add.f32.msk $0xffff, v7  }
0xf5: {  	v7 =	vld [tilespmem:s7+$0x7860];
	_ =	sdelay $0x4  }
0xf6: {  	v7 =	vmul.f32 v7, v6;
	_ =	sdelay $0x1  }
0xf7: {  	[tilespmem:s8+$0xB860] =	vst.add.f32.msk $0xffff, v7  }
0xf8: {  	v7 =	vld [tilespmem:s7+$0x7870];
	_ =	sdelay $0x4  }
0xf9: {  	v7 =	vmul.f32 v7, v6;
	_ =	sdelay $0x1  }
0xfa: {  	[tilespmem:s8+$0xB870] =	vst.add.f32.msk $0xffff, v7  }
0xfb: {  	v7 =	vld [tilespmem:s7+$0x7C00];
	_ =	sdelay $0x4  }
0xfc: {  	v7 =	vmul.f32 v7, v6;
	_ =	sdelay $0x1  }
0xfd: {  	[tilespmem:s8+$0xB880] =	vst.add.f32.msk $0xffff, v7  }
0xfe: {  	v7 =	vld [tilespmem:s7+$0x7C10];
	_ =	sdelay $0x4  }
0xff: {  	v7 =	vmul.f32 v7, v6;
	_ =	sdelay $0x1  }
0x100: {  	[tilespmem:s8+$0xB890] =	vst.add.f32.msk $0xffff, v7  }
0x101: {  	v7 =	vld [tilespmem:s7+$0x7C20];
	_ =	sdelay $0x4  }
0x102: {  	v7 =	vmul.f32 v7, v6;
	_ =	sdelay $0x1  }
0x103: {  	[tilespmem:s8+$0xB8A0] =	vst.add.f32.msk $0xffff, v7  }
0x104: {  	v7 =	vld [tilespmem:s7+$0x7C30];
	_ =	sdelay $0x4  }
0x105: {  	v7 =	vmul.f32 v7, v6;
	_ =	sdelay $0x1  }
0x106: {  	[tilespmem:s8+$0xB8B0] =	vst.add.f32.msk $0xffff, v7  }
0x107: {  	v7 =	vld [tilespmem:s7+$0x7C40];
	_ =	sdelay $0x4  }
0x108: {  	v7 =	vmul.f32 v7, v6;
	_ =	sdelay $0x1  }
0x109: {  	[tilespmem:s8+$0xB8C0] =	vst.add.f32.msk $0xffff, v7  }
0x10a: {  	v7 =	vld [tilespmem:s7+$0x7C50];
	_ =	sdelay $0x4  }
0x10b: {  	v7 =	vmul.f32 v7, v6;
	_ =	sdelay $0x1  }
0x10c: {  	[tilespmem:s8+$0xB8D0] =	vst.add.f32.msk $0xffff, v7  }
0x10d: {  	v7 =	vld [tilespmem:s7+$0x7C60];
	_ =	sdelay $0x4  }
0x10e: {  	v7 =	vmul.f32 v7, v6;
	_ =	sdelay $0x1  }
0x10f: {  	[tilespmem:s8+$0xB8E0] =	vst.add.f32.msk $0xffff, v7  }
0x110: {  	v7 =	vld [tilespmem:s7+$0x7C70];
	_ =	sdelay $0x2  }
.Ltmp12:
0x111: {  	(pc) =	sbr.rel @p0 .LBB2_12-.Ltmp12, $3  }
0x112: {  	_ = 	snop  }
0x113: {  	v6 =	vmul.f32 v7, v6;
	_ =	sdelay $0x1  }
0x114: {  	s1 =	sadd.s32 $0x1, s1;
	[tilespmem:s8+$0xB8F0] =	vst.add.f32.msk $0xffff, v6  }
.Ltmp13:
0x115: {  	_ = 	snop;
	(pc) =	sbr.rel .LBB2_13-.Ltmp13, $1  }
0x116: {  	_ =	sdelay $0x3  }
.LBB2_16:
0x117: {  	_ =	sfence.sel $0x180000  }
0x118: {  	[bflag:$0x0] =	sbarrier.arrive $0xFFFF  }
0x119: {  	_ =	strace $0x9000004D  }
0x11a: {  	s0 =	stileid.u32;
	[bflag:$0x2] =	sbarrier.arrive $0xFFFF  }
0x11b: {  	p0 =	sne.s32 s0, $0x0;
	s0 =	rddreg [dreg:$0x1]  }
0x11c: {  	s0 =	sadd.s32 @!p0 $0x100000, s0  }
0x11d: {  	[sflag:s0] =	ssyncadd.tile.s32 @!p0 $0x1;
	_ =	shalt  }
.Lfunc_end2:
_tile_overlayer_lowered:
.L_overlay_start_2:
0x11e: {  	(tag) =	ssettag $0x2  }
0x11f: {  	s0 =	rddreg [dreg:$0x0];
	s2 =	stileid.u32  }
0x120: {  	s1 =	rddreg [dreg:$0x1];
	p0 =	sne.s32 s2, $0x0  }
0x121: {  	s3 =	rddreg [dreg:$0x2];
	[bflag:$0x3] =	sbarrier.arrive $0xFFFF;
	s2 =	simm.s32 @!p0 $0x1C01  }
0x122: {  	[timem:s3], [sflag:s2] =	dma.local @!p0 [hbm:s0], s1  }
0x123: {  	s0 =	simm.s32 @!p0 $0x1  }
0x124: {  	_ =	swait.ge @!p0 [sflag:s0], s1  }
0x125: {  	s1 =	ssub.s32 @!p0 $0x0, s1;
	[sflag:s0] =	ssyncset.done @!p0 $0x0  }
0x126: {  	[sflag:s0] =	ssyncadd.s32 @!p0 s1  }
0x127: {  	[bflag:$0x3] =	sbarrier.arrive $0xFFFF  }
0x128: {  	_ =	shalt  }

// kernel: kernel.21.cloned.1.call-start
scs
__scs_entry_jumppad:
0x0: {  	(pc) =	sbr.rel $0x88, $3  }
0x1: {  	(tag) =	ssettag $0x0;
	lr =	simm.s32 $0x1  }
0x2: {  	[smem:$0x3F94] =	sst lr;
	_ =	strace $0xD0000000  }
0x3: {  	_ = 	snop  }
0x4: {  	_ = 	snop  }
0x5: {  	_ = 	snop  }
0x6: {  	_ = 	snop  }
0x7: {  	_ = 	snop  }
__scs_overlays_trampoline_lowered:
0x8: {  	[smem:$0x3FA3] =	sst s0  }
0x9: {  	[smem:$0x3FA4] =	sst s1  }
0xa: {  	[smem:$0x3FA5] =	sst s2  }
0xb: {  	[smem:$0x3FA6] =	sst s3  }
0xc: {  	[smem:$0x3FA7] =	sst s4  }
0xd: {  	[smem:$0x3FA8] =	sst s5  }
0xe: {  	[smem:$0x3FA9] =	sst s6  }
0xf: {  	[smem:$0x3FAA] =	sst s7  }
0x10: {  	[smem:$0x3FAB] =	sst s8  }
0x11: {  	[smem:$0x3FAC] =	sst s9;
	s0 =	simm.s32 @!p0 $0x0  }
0x12: {  	s1 =	sld [smem:$0x3F92];
	s0 =	simm.s32 @p0 $0x1  }
0x13: {  	[smem:$0x3FAD] =	sst s0;
	s0 =	simm.s32 @!p1 $0x0  }
0x14: {  	s2 =	sld [smem:$0x3F91];
	s0 =	simm.s32 @p1 $0x1  }
0x15: {  	[smem:$0x3FAE] =	sst s0;
	s0 =	simm.s32 @!p2 $0x0  }
0x16: {  	s3 =	sld [smem:$0x3FDB];
	s0 =	simm.s32 @p2 $0x1  }
0x17: {  	s4 =	simm.s32 $0x1BF5;
	[smem:$0x3FB0] =	sst s0  }
0x18: {  	s0 =	sld [smem:$0x3F93];
	_ =	swait.ge [sflag:s4], $0x0  }
0x19: {  	s7 =	sld [smem:$0x3F94]  }
0x1a: {  	s8 =	sadd.s32 $0xFFFFE003, lr  }
0x1b: {  	s9 =	sadd.s32 $0xFFFFFEF7, lr;
	s5 =	simm.s32 $0xFFFFFFFF;
	p2 =	slt.u32 s8, $0xFFFFF086  }
0x1c: {  	p1 =	slt.u32 s9, $0xF7A;
	s5 =	simm.s32 @!p2 $0x0  }
0x1d: {  	s5 =	simm.s32 @p1 $0x1;
	p0 =	seq.s32 s7, s2  }
0x1e: {  	s7 =	smul.u32 @!p0 $0xF7A, s2;
	p2 =	seq.s32 @!p0 s5, $0x0  }
0x1f: {  	s9 =	smul.u32 $0xF7A, s1;
	s8 =	simm.s32 @!p0 $0x1BF5;
	p2 =	por !p2, p0  }
0x20: {  	[sflag:s8] =	ssyncset.s32 @!p0 $0xFFFFF086;
	s6 =	sadd.s32 @!p0 s3, s7;
	s7 =	simm.s32 @!p0 $0x108  }
0x21: {  	s3 =	sadd.s32 s3, s9;
	s6 =	sadd.s32 @!p0 $0x88, s6;
	s7 =	simm.s32 @p2 $0x1082  }
0x22: {  	[simem:s7], [sflag:s8] =	dma.local @!p0 [hbm:s6], $0xF7A  }
0x23: {  	s9 =	sor.u32 $0xD0000000, s2;
	s6 =	simm.s32 $0x108;
	_ =	swait.ge @!p0 [sflag:s8], $0x0  }
0x24: {  	s3 =	sadd.s32 $0x88, s3;
	s6 =	simm.s32 @!p1 $0x1082;
	[sflag:s4] =	ssyncset.s32 $0xFFFFF086  }
0x25: {  	[simem:s6], [sflag:s4] =	dma.local [hbm:s3], $0xF7A  }
0x26: {  	[smem:$0x3F94] =	sst s1;
	(tag) =	ssettag s2;
	_ =	strace s9  }
0x27: {  	s1 =	sld [smem:$0x3FA4]  }
0x28: {  	s2 =	sld [smem:$0x3FA5]  }
0x29: {  	s4 =	sld [smem:$0x3FA7]  }
0x2a: {  	p0 =	seq.s32 s5, $0x0;
	s5 =	sld [smem:$0x3FA8]  }
0x2b: {  	s6 =	sld [smem:$0x3FA9]  }
0x2c: {  	s7 =	sld [smem:$0x3FAA]  }
0x2d: {  	s3 =	simm.s32 $0x108;
	s8 =	sld [smem:$0x3FAB]  }
0x2e: {  	s3 =	simm.s32 @!p0 $0x1082;
	s9 =	sld [smem:$0x3FAC]  }
0x2f: {  	lr =	sadd.s32 s0, s3;
	s0 =	sld [smem:$0x3FA3]  }
0x30: {  	s3 =	sld [smem:$0x3FA6]  }
0x31: {  	[smem:$0x3FAF] =	sst s10  }
0x32: {  	s10 =	sld [smem:$0x3FAD];
	_ =	sdelay $0x3  }
0x33: {  	p0 =	seq.s32 s10, $0x1;
	s10 =	sld [smem:$0x3FAF];
	_ =	sdelay $0x3  }
0x34: {  	[smem:$0x3FAF] =	sst s10  }
0x35: {  	s10 =	sld [smem:$0x3FAE];
	_ =	sdelay $0x3  }
0x36: {  	p1 =	seq.s32 s10, $0x1;
	s10 =	sld [smem:$0x3FAF];
	_ =	sdelay $0x3  }
0x37: {  	[smem:$0x3FAF] =	sst s10  }
0x38: {  	s10 =	sld [smem:$0x3FB0]  }
0x39: {  	_ = 	snop;
	(pc) =	sbr.ind lr, $3  }
0x3a: {  	_ = 	snop  }
0x3b: {  	_ = 	snop  }
0x3c: {  	p2 =	seq.s32 s10, $0x1;
	s10 =	sld [smem:$0x3FAF]  }
0x3d: {  	_ =	shalt  }
0x3e: {  	_ =	shalt  }
0x3f: {  	_ =	shalt  }
0x40: {  	_ =	shalt  }
0x41: {  	_ =	shalt  }
0x42: {  	_ =	shalt  }
0x43: {  	_ =	shalt  }
0x44: {  	_ =	shalt  }
0x45: {  	_ =	shalt  }
0x46: {  	_ =	shalt  }
0x47: {  	_ =	shalt  }
0x48: {  	_ =	shalt  }
0x49: {  	_ =	shalt  }
0x4a: {  	_ =	shalt  }
0x4b: {  	_ =	shalt  }
0x4c: {  	_ =	shalt  }
0x4d: {  	_ =	shalt  }
0x4e: {  	_ =	shalt  }
0x4f: {  	_ =	shalt  }
0x50: {  	_ =	shalt  }
0x51: {  	_ =	shalt  }
0x52: {  	_ =	shalt  }
0x53: {  	_ =	shalt  }
0x54: {  	_ =	shalt  }
0x55: {  	_ =	shalt  }
0x56: {  	_ =	shalt  }
0x57: {  	_ =	shalt  }
0x58: {  	_ =	shalt  }
0x59: {  	_ =	shalt  }
0x5a: {  	_ =	shalt  }
0x5b: {  	_ =	shalt  }
0x5c: {  	_ =	shalt  }
0x5d: {  	_ =	shalt  }
0x5e: {  	_ =	shalt  }
0x5f: {  	_ =	shalt  }
0x60: {  	_ =	shalt  }
0x61: {  	_ =	shalt  }
0x62: {  	_ =	shalt  }
0x63: {  	_ =	shalt  }
0x64: {  	_ =	shalt  }
0x65: {  	_ =	shalt  }
0x66: {  	_ =	shalt  }
0x67: {  	_ =	shalt  }
0x68: {  	_ =	shalt  }
0x69: {  	_ =	shalt  }
0x6a: {  	_ =	shalt  }
0x6b: {  	_ =	shalt  }
0x6c: {  	_ =	shalt  }
0x6d: {  	_ =	shalt  }
0x6e: {  	_ =	shalt  }
0x6f: {  	_ =	shalt  }
0x70: {  	_ =	shalt  }
0x71: {  	_ =	shalt  }
0x72: {  	_ =	shalt  }
0x73: {  	_ =	shalt  }
0x74: {  	_ =	shalt  }
0x75: {  	_ =	shalt  }
0x76: {  	_ =	shalt  }
0x77: {  	_ =	shalt  }
0x78: {  	_ =	shalt  }
0x79: {  	_ =	shalt  }
0x7a: {  	_ =	shalt  }
0x7b: {  	_ =	shalt  }
0x7c: {  	_ =	shalt  }
0x7d: {  	_ =	shalt  }
0x7e: {  	_ =	shalt  }
0x7f: {  	_ =	shalt  }
0x80: {  	_ =	shalt  }
0x81: {  	_ =	shalt  }
0x82: {  	_ =	shalt  }
0x83: {  	_ =	shalt  }
0x84: {  	_ =	shalt  }
0x85: {  	_ =	shalt  }
0x86: {  	_ =	shalt  }
0x87: {  	_ =	shalt  }
.Lfunc_end0:
.L_simem_size_0:
called_computation.3_lowered:
.L_overlay_start_0:
0x88: {  	s2 =	sld [smem:$0x3FD9]  }
0x89: {  	s3 =	sld [smem:$0x3FFE];
	_ =	sdelay $0x1  }
0x8a: {  	s1 =	srdreg.scid  }
0x8b: {  	s0 =	sand.u32 $0x1, s1  }
0x8c: {  	s17 =	sshll.u32 s0, $0xA;
	s2 =	sadd.s32 s3, s2  }
0x8d: {  	s2 =	sadd.s32 s2, s17  }
0x8e: {  	[smem:$0x3FBB] =	sst s2  }
0x8f: {  	_ = 	snop  }
0x90: {  	s2 =	sld [smem:$0x3FD0];
	(tm) =	ssettm $0x1  }
0x91: {  	s18 =	sld [smem:$0x3FFB];
	_ =	sdelay $0x3  }
0x92: {  	_ =	strace s18  }
0x93: {  	s3 =	sld [smem:$0x3FFC];
	_ =	sdelay $0x3  }
0x94: {  	_ =	strace s3  }
0x95: {  	s3 =	sld [smem:$0x3FFD];
	_ =	sdelay $0x3  }
0x96: {  	_ =	strace s3  }
0x97: {  	_ =	strace $0x8FFFFFFF  }
0x98: {  	s19 =	sld [smem:$0x3FDB];
	_ =	sdelay $0x1  }
0x99: {  	s4 =	simm.s32 $_scs_section_size  }
0x9a: {  	s5 =	simm.s32 $_size__tile_overlayer_lowered;
	s6 =	simm.s32 $_tile_overlayer_lowered  }
0x9b: {  	s22 =	simm.s32 $0x1BFF;
	s21 =	sshll.u32 s6, $0x1;
	s3 =	sadd.s32 s4, s19  }
0x9c: {  	s7 =	simm.s32 $0x0;
	s20 =	sshll.u32 s5, $0x1;
	s5 =	sadd.s32 s21, s3  }
0x9d: {  	[timem:s7], [sflag:s22] =	dma.local [hbm:s5], s20  }
0x9e: {  	_ =	swait.ge [sflag:s22], s20  }
0x9f: {  	s4 =	ssub.s32 $0x0, s20;
	[sflag:s22] =	ssyncset.done $0x0  }
0xa0: {  	[sflag:s22] =	ssyncadd.s32 s4;
	_ =	sdelay $0x1  }
0xa1: {  	s23 =	simm.s32 $0x1B8B  }
0xa2: {  	_ =	swait.ge [sflag:s23], $0x1  }
0xa3: {  	[sflag:s23] =	ssyncset.done $0x0  }
0xa4: {  	s25 =	simm.s32 $0x1B8E;
	s24 =	sld [smem:$0x3FFE];
	[sflag:s23] =	ssyncadd.s32 $0xFFFFFFFF  }
0xa5: {  	s26 =	simm.s32 $execute0_lowered;
	[smem:$0x3FD2] =	sst s25  }
0xa6: {  	s5 =	sshll.u32 s26, $0x1;
	_ =	strace $0x8000004F;
	[dreg:$0x1] =	wrdreg $0xFFFFFFFF  }
0xa7: {  	s28 =	simm.s32 $_size_execute0_lowered;
	s3 =	sadd.s32 s3, s5;
	[dreg:$0x0] =	wrdreg $0x0  }
0xa8: {  	s5 =	sshll.u32 s28, $0x1;
	[dreg:$0x2] =	wrdreg s3  }
0xa9: {  	[dreg:$0x3] =	wrdreg s5  }
0xaa: {  	[dreg:$0x4] =	wrdreg $0xC0  }
0xab: {  	_ =	task [dreg:s7], $0x5FFFF  }
0xac: {  	[dreg:$0x1] =	wrdreg $0xFFFFFFFF  }
0xad: {  	[dreg:$0x0] =	wrdreg $0x60  }
0xae: {  	[dreg:$0x2] =	wrdreg s2  }
0xaf: {  	[dreg:$0x3] =	wrdreg s24  }
0xb0: {  	[dreg:$0x4] =	wrdreg $0x9  }
0xb1: {  	_ =	task.clear_ibuf [dreg:s7], $0x5FFFF;
	_ =	strace $0x9000004F  }
0xb2: {  	s29 =	simm.s32 $0x9;
	_ =	strace $0x80000051  }
0xb3: {  	_ =	swait.ge [sflag:s29], $0x1  }
0xb4: {  	[sflag:s29] =	ssyncadd.s32 $0xFFFFFFFF  }
0xb5: {  	_ =	strace $0x90000051  }
0xb6: {  	_ =	sfence  }
0xb7: {  	s30 =	sld [smem:$0x0];
	_ =	sdelay $0x2  }
0xb8: {  	s31 =	sshll.u32 s1, $0xD;
	s1 =	sshrl.u32 s1, $0x2  }
0xb9: {  	s3 =	sand.u32 $0x4000, s31;
	s1 =	sadd.s32 s1, s30  }
0xba: {  	s0 =	sor.u32 s3, s0;
	s1 =	sshll.u32 s1, $0x11  }
0xbb: {  	s0 =	sor.u32 s1, s0  }
0xbc: {  	s0 =	sadd.s32 $0x8F2B, s0  }
0xbd: {  	[sflag:s0] =	ssyncadd.remote.s32 $0x1  }
0xbe: {  	_ =	sfence.sel $0xFFFF  }
0xbf: {  	[dreg:$0x0] =	wrdreg $0xFFFFFFFF;
	(pc) =	sbr.abs _section_cstart, $3  }
0xc0: {  	[dreg:$0x1] =	wrdreg $0xFFFFFFFF  }
0xc1: {  	_ =	task.clear_ibuf [dreg:s7], $0x2FFFF;
	_ =	strace $0x9FFFFFFF  }
0xc2: {  	(tm) =	ssettm $0x7FFFFFFF  }
0xc3: {  	_ =	shalt  }
tec
execute0_lowered:
.L_overlay_start_1:
0x0: {  	(tag) =	ssettag $0x1  }
0x1: {  	s1 =	rddreg [dreg:$0x0]  }
0x2: {  	s7 =	rddreg [dreg:$0x1]  }
0x3: {  	s0 =	rddreg [dreg:$0x2]  }
0x4: {  	s3 =	simm.s32 $0x0;
	s4 =	srdreg.scid;
	s2 =	stileid.u32  }
0x5: {  	s12 =	simm.s32 $0x40;
	s14 =	simm.s32 $0x9800;
	s15 =	simm.s32 $0x0  }
0x6: {  	[smem:$0x7FF] =	sst s3;
	s5 =	sand.u32 $0x1, s4;
	s30 =	sshll.u32 s2, $0x1  }
0x7: {  	s4 =	sadd.s32 $0xDE00, s7;
	s6 =	sadd.s32 $0x12E00, s7;
	_ =	strace $0x80000050  }
.Ltmp0:
0x8: {  	s8 =	sor.u32 s5, s30;
	s10 =	ssub.s32 $0x2, s5;
	(pc) =	sbr.rel .LBB2_1-.Ltmp0, $4  }
0x9: {  	s5 =	sadd.s32 $0x3E00, s7;
	s9 =	smul.u32 $0xA00, s8;
	s11 =	sshrl.u32 s10, $0x1  }
0xa: {  	s13 =	smul.u32 $0xFFFFFEC0, s8;
	s31 =	ssub.s32 s10, s11;
	s10 =	simm.s32 $0x1400  }
0xb: {  	s11 =	simm.s32 $0x2800;
	s7 =	sadd.s32 s9, s7;
	s8 =	smax.u32 s31, $0x1  }
0xc: {  	v1 =	vimm.f32 $0.0e+00;
	v2 =	vimm.s32 $0x0;
	s9 =	simm.s32 $0x1;
	v0 =	vmov s13;
	s13 =	simm.s32 $0x7800;
	s7 =	sadd.s32 $0x17E00, s7  }
.LBB2_19:
0xd: {  	s15 =	sadd.s32 $0x1, s15  }
0xe: {  	p0 =	sne.s32 s15, s8  }
.Ltmp1:
0xf: {  	_ = 	snop;
	(pc) =	sbr.rel @!p0 .LBB2_20-.Ltmp1, $4  }
0x10: {  	[hbm4b:s7+s3] =	stream.linear.scatter [tilespmem:s14], [sflag:$0x1], $0x5000, $0x38;
	[tilespmem:$0xE800] =	vst v63  }
0x11: {  	_ =	swait.ge [sflag:s9], $0x5000  }
0x12: {  	[sflag:s9] =	ssyncset.done $0x0  }
0x13: {  	[sflag:s9] =	ssyncadd.s32 $0xFFFFB000  }
.LBB2_1:
0x14: {  	s16 =	simm.s32 $0x40;
	s17 =	simm.s32 $0x0  }
.LBB2_2:
0x15: {  	p0 =	sne.s32 s16, $0x13FC0;
	[tilespmem:s17+$0x9800] =	vst v1;
	s17 =	smov.u32 s16;
	s16 =	sadd.s32 $0x40, s16  }
.Ltmp2:
0x16: {  	(pc) =	sbr.rel @p0 .LBB2_2-.Ltmp2, $2  }
0x17: {  	_ =	sdelay $0x2  }
0x18: {  	s17 =	sshra.s32 s17, $0x2  }
0x19: {  	[tilespmem:s17+$0x9800] =	vst v1;
	s16 =	simm.s32 $0x0;
	s17 =	simm.s32 $0x40;
	s18 =	simm.s32 $0x0  }
.LBB2_4:
0x1a: {  	p0 =	sne.s32 s17, $0x4E00;
	[tilespmem:s18+$0x3C00] =	vst v2;
	s18 =	smov.u32 s17;
	s17 =	sadd.s32 $0x40, s17  }
.Ltmp3:
0x1b: {  	(pc) =	sbr.rel @p0 .LBB2_4-.Ltmp3, $2  }
0x1c: {  	_ =	sdelay $0x2  }
0x1d: {  	s18 =	sshra.s32 s18, $0x2  }
.Ltmp4:
0x1e: {  	(pc) =	sbr.rel .LBB2_6-.Ltmp4, $2  }
0x1f: {  	_ =	sdelay $0x2  }
0x20: {  	[tilespmem:s18+$0x3C00] =	vst v2  }
.LBB2_18:
0x21: {  	s16 =	sadd.s32 $0x1, s16  }
0x22: {  	p0 =	sne.s32 s16, $0x20  }
.Ltmp5:
0x23: {  	_ = 	snop;
	(pc) =	sbr.rel @!p0 .LBB2_19-.Ltmp5, $1  }
0x24: {  	_ =	sdelay $0x3  }
.LBB2_6:
0x25: {  	s18 =	smul.u32 $0x272, s16;
	_ =	sdelay $0x1  }
0x26: {  	s17 =	simm.s32 $0x0;
	s19 =	sadd.s32 s4, s18  }
0x27: {  	[tilespmem:s17], [sflag:$0x1] =	stream.linear.gather [hbm4b:s19+s17], $0x1390, $0x38;
	[tilespmem:$0xE800] =	vst v63  }
0x28: {  	_ =	swait.ge [sflag:s9], $0x1390  }
0x29: {  	[sflag:s9] =	ssyncset.done $0x0  }
0x2a: {  	s30 =	sadd.s32 s5, s18;
	[sflag:s9] =	ssyncadd.s32 $0xFFFFEC70  }
0x2b: {  	[tilespmem:s10], [sflag:$0x1] =	stream.linear.gather [hbm4b:s30+s17], $0x1390, $0x38;
	[tilespmem:$0xE800] =	vst v63  }
0x2c: {  	_ =	swait.ge [sflag:s9], $0x1390  }
0x2d: {  	[sflag:s9] =	ssyncset.done $0x0  }
0x2e: {  	s18 =	sadd.s32 s6, s18;
	[sflag:s9] =	ssyncadd.s32 $0xFFFFEC70  }
0x2f: {  	[tilespmem:s11], [sflag:$0x1] =	stream.linear.gather [hbm4b:s18+s17], $0x1390, $0x38;
	[tilespmem:$0xE800] =	vst v63  }
0x30: {  	_ =	swait.ge [sflag:s9], $0x1390  }
0x31: {  	[sflag:s9] =	ssyncset.done $0x0  }
0x32: {  	s31 =	simm.s32 $0x0;
	[sflag:s9] =	ssyncadd.s32 $0xFFFFEC70  }
0x33: {  	v3 =	vld [tilespmem:s31+$0x1400];
	_ =	sdelay $0x4  }
0x34: {  	v4 =	vadd.s32 v0, v3  }
0x35: {  	vm1 =	vlt.s32 v3, $0x2710;
	vm0 =	vlt.u32 v4, $0x140  }
0x36: {  	vm0 =	vmand vm1, vm0  }
0x37: {  	v3 =	vsel vm0, $0x1, v2  }
0x38: {  	(xrf0) =	vadd.scan.msk.s32 $0xffff, v3  }
0x39: {  	v5 =	vld [tilespmem:s31+$0x0];
	_ =	sdelay $0x1  }
0x3a: {  	v3 =	vld [tilespmem:s31+$0x2800];
	_ =	sdelay $0x2  }
0x3b: {  	[tilespmem:s17+$0x3C00] =	vst.msk vm0, v5;
	v63, _, _ =	vpop (xrf0)  }
0x3c: {  	[tilespmem:s17+$0x5000] =	vst.msk vm0, v4;
	(v2sf) =	vpush v63, $0xF  }
0x3d: {  	s19 =	simm.s32 $0x10;
	s18 =	simm.s32 $0x80;
	[tilespmem:s17+$0x6400] =	vst.msk vm0, v3  }
.LBB2_7:
0x3e: {  	p0 =	sne.s32 s18, $0x4E00;
	v3 =	vld [tilespmem:s19+$0x1400]  }
0x3f: {  	v4 =	vld [tilespmem:s19+$0x0]  }
0x40: {  	v5 =	vld [tilespmem:s19+$0x2800];
	_ =	sdelay $0x2  }
0x41: {  	v6 =	vadd.s32 v0, v3  }
0x42: {  	vm1 =	vlt.s32 v3, $0x2710;
	vm0 =	vlt.u32 v6, $0x140  }
0x43: {  	vm0 =	vmand vm1, vm0  }
0x44: {  	v3 =	vsel vm0, $0x1, v2  }
0x45: {  	(xrf0) =	vadd.scan.msk.s32 $0xffff, v3;
	_ =	sdelay $0x3  }
.Ltmp6:
0x46: {  	s19 =	spop (v2sf);
	(pc) =	sbr.rel @p0 .LBB2_7-.Ltmp6, $4  }
0x47: {  	s17 =	sadd.s32 s17, s19  }
0x48: {  	[tilespmem:s17+$0x3C00] =	vst.msk vm0, v4;
	v3, _, _ =	vpop (xrf0)  }
0x49: {  	[tilespmem:s17+$0x5000] =	vst.msk vm0, v6;
	(v2sf) =	vpush v3, $0xF  }
0x4a: {  	s19 =	sshra.s32 s18, $0x2;
	s18 =	sadd.s32 $0x40, s18;
	[tilespmem:s17+$0x6400] =	vst.msk vm0, v5  }
0x4b: {  	v3 =	vld [tilespmem:s19+$0x1400];
	_ =	sdelay $0x4  }
0x4c: {  	v4 =	vadd.s32 v0, v3  }
0x4d: {  	vm1 =	vlt.s32 v3, $0x2710;
	vm0 =	vlt.u32 v4, $0x140  }
0x4e: {  	vm0 =	vmand vm1, vm0  }
0x4f: {  	v3 =	vsel vm0, $0x1, v2  }
0x50: {  	(xrf0) =	vadd.scan.msk.s32 $0xffff, v3;
	_ =	sdelay $0x5  }
0x51: {  	v3, _, _ =	vpop (xrf0)  }
0x52: {  	(v2sf) =	vpush v3, $0xF;
	_ =	sdelay $0xd  }
0x53: {  	s18 =	spop (v2sf)  }
0x54: {  	s20 =	sadd.s32 s17, s18;
	s28 =	spop (v2sf)  }
0x55: {  	s17 =	sadd.s32 s20, s28  }
0x56: {  	s29 =	sadd.s32 $0x3F, s17  }
0x57: {  	s21 =	sand.u32 $0x3F, s29  }
0x58: {  	s30 =	sshra.s32 s29, $0x1F;
	p1 =	slt.s32 s29, $0x1;
	p0 =	sne.s32 s21, $0x0  }
0x59: {  	v5 =	vld [tilespmem:s19+$0x2800];
	s31 =	sshrl.u32 s30, $0x1A;
	p0 =	por !p1, !p0  }
0x5a: {  	v3 =	vld [tilespmem:s19+$0x0];
	s19 =	simm.s32 $0x1;
	s18 =	sadd.s32 s31, s29;
	p0 =	por !p0, !p0  }
0x5b: {  	s18 =	sshra.s32 s18, $0x6;
	s19 =	simm.s32 @!p0 $0x0  }
0x5c: {  	s18 =	ssub.s32 s18, s19  }
0x5d: {  	p0 =	slt.s32 s18, $0x1  }
.Ltmp7:
0x5e: {  	_ = 	snop;
	(pc) =	sbr.rel @p0 .LBB2_18-.Ltmp7, $4  }
0x5f: {  	_ = 	snop  }
0x60: {  	[tilespmem:s20+$0x3C00] =	vst.msk vm0, v3  }
0x61: {  	[tilespmem:s20+$0x5000] =	vst.msk vm0, v4  }
0x62: {  	[tilespmem:s20+$0x6400] =	vst.msk vm0, v5  }
.Ltmp8:
0x63: {  	(pc) =	sbr.rel .LBB2_10-.Ltmp8, $3  }
0x64: {  	_ =	sdelay $0x1  }
0x65: {  	s19 =	simm.s32 $0x0  }
0x66: {  	s20 =	simm.s32 $0x5000;
	s21 =	simm.s32 $0x6400;
	s22 =	smov.u32 s17  }
.LBB2_12:
0x67: {  	s24 =	smov.u32 s21  }
.LBB2_16:
0x68: {  	(v2sf) =	vpush v3, $0x0;
	_ =	sdelay $0x8  }
0x69: {  	s24 =	sadd.s32 @p0 $0x1, s24;
	s25 =	smov.u32 s21  }
0x6a: {  	v3 =	vld [tilespmem:s23+$0xFFFFFFE0];
	s25 =	smov.u32 @p0 s24  }
0x6b: {  	v4 =	vld.msk [tilespmem:s25+$0x0 ss:$0x0], $0xffff;
	_ =	sdelay $0x3  }
0x6c: {  	s31 =	spop (v2sf)  }
0x6d: {  	v3 =	vmul.f32 v3, v4;
	s24 =	sshll.u32 s31, $0x8  }
0x6e: {  	s24 =	sshra.s32 s24, $0x2  }
0x6f: {  	[tilespmem:s24+$0x9800] =	vst.add.f32.msk $0xffff, v3  }
0x70: {  	v3 =	vld [tilespmem:s23+$0xFFFFFFF0];
	_ =	sdelay $0x4  }
0x71: {  	v3 =	vmul.f32 v3, v4;
	_ =	sdelay $0x1  }
0x72: {  	[tilespmem:s24+$0x9810] =	vst.add.f32.msk $0xffff, v3  }
0x73: {  	v3 =	vld [tilespmem:s23+$0x0];
	_ =	sdelay $0x4  }
0x74: {  	v3 =	vmul.f32 v3, v4;
	_ =	sdelay $0x1  }
0x75: {  	[tilespmem:s24+$0x9820] =	vst.add.f32.msk $0xffff, v3  }
0x76: {  	v3 =	vld [tilespmem:s23+$0x10];
	_ =	sdelay $0x4  }
0x77: {  	v3 =	vmul.f32 v3, v4;
	_ =	sdelay $0x1  }
0x78: {  	[tilespmem:s24+$0x9830] =	vst.add.f32.msk $0xffff, v3  }
.LBB2_17:
0x79: {  	s19 =	sadd.s32 $0x1, s19  }
0x7a: {  	p0 =	sne.s32 s19, s18  }
.Ltmp9:
0x7b: {  	_ = 	snop;
	(pc) =	sbr.rel @!p0 .LBB2_18-.Ltmp9, $2  }
0x7c: {  	_ =	sdelay $0x2  }
0x7d: {  	s22 =	sadd.s32 $0xFFFFFFC0, s22;
	s20 =	sadd.s32 $0x40, s20;
	s21 =	sadd.s32 $0x40, s21  }
.LBB2_10:
0x7e: {  	s23 =	sshll.u32 s19, $0x6  }
0x7f: {  	s24 =	sadd.s32 $0x3C00, s23;
	s23 =	ssub.s32 s17, s23  }
0x80: {  	p0 =	slt.s32 s23, $0x1  }
.Ltmp10:
0x81: {  	_ = 	snop;
	(pc) =	sbr.rel @p0 .LBB2_17-.Ltmp10, $4  }
0x82: {  	[tilespmem:s13], [sflag:$0x1] =	stream.indirect.gather [hbm4b:s1+s12], $0x80, s24, s12, $0xb8;
	[tilespmem:$0xE800] =	vst v63  }
0x83: {  	_ =	swait.ge [sflag:s9], $0x2000  }
0x84: {  	[sflag:s9] =	ssyncset.done $0x0  }
0x85: {  	[sflag:s9] =	ssyncadd.s32 $0xFFFFE000  }
0x86: {  	p0 =	sgt.s32 s22, $0x1;
	s23 =	smov.u32 s22  }
0x87: {  	s23 =	simm.s32 @!p0 $0x1  }
0x88: {  	s24 =	smin.u32 s23, $0x40  }
0x89: {  	p1 =	sne.s32 s24, $0x1  }
.Ltmp11:
0x8a: {  	v3 =	vld [tilespmem:s20+$0x0];
	(pc) =	sbr.rel @!p1 .LBB2_12-.Ltmp11, $2  }
0x8b: {  	_ =	sdelay $0x2  }
0x8c: {  	p0 =	por $0x0, $0x0;
	s23 =	simm.s32 $0x7820;
	s24 =	sadd.s32 $0xFFFFFFFF, s24  }
0x8d: {  	(v2sf) =	vpush v3, $0x0;
	_ =	sdelay $0x9  }
0x8e: {  	v3 =	vld [tilespmem:s23+$0xFFFFFFE0]  }
0x8f: {  	v4 =	vld.msk [tilespmem:s21+$0x0 ss:$0x0], $0xffff;
	_ =	sdelay $0x3  }
0x90: {  	s25 =	spop (v2sf)  }
0x91: {  	v3 =	vmul.f32 v3, v4;
	s25 =	sshll.u32 s25, $0x8  }
0x92: {  	s25 =	sshra.s32 s25, $0x2  }
0x93: {  	[tilespmem:s25+$0x9800] =	vst.add.f32.msk $0xffff, v3  }
0x94: {  	v3 =	vld [tilespmem:s23+$0xFFFFFFF0];
	_ =	sdelay $0x4  }
0x95: {  	v3 =	vmul.f32 v3, v4;
	_ =	sdelay $0x1  }
0x96: {  	[tilespmem:s25+$0x9810] =	vst.add.f32.msk $0xffff, v3  }
0x97: {  	v3 =	vld [tilespmem:s23+$0x0];
	_ =	sdelay $0x4  }
0x98: {  	v3 =	vmul.f32 v3, v4;
	_ =	sdelay $0x1  }
0x99: {  	[tilespmem:s25+$0x9820] =	vst.add.f32.msk $0xffff, v3  }
0x9a: {  	v3 =	vld [tilespmem:s23+$0x10];
	_ =	sdelay $0x4  }
0x9b: {  	v3 =	vmul.f32 v3, v4;
	_ =	sdelay $0x1  }
0x9c: {  	p1 =	sne.s32 s24, $0x1;
	[tilespmem:s25+$0x9830] =	vst.add.f32.msk $0xffff, v3;
	s25 =	sadd.s32 $0x1, s20  }
.Ltmp12:
0x9d: {  	v3 =	vld [tilespmem:s25+$0x0];
	(pc) =	sbr.rel @!p1 .LBB2_14-.Ltmp12, $3  }
0x9e: {  	_ =	sdelay $0x1  }
0x9f: {  	s26 =	sadd.s32 $0xFFFFFFFF, s24  }
0xa0: {  	p0 =	por $0x1, $0x1;
	s24 =	smov.u32 s21;
	s23 =	simm.s32 $0x78A0  }
.LBB2_15:
0xa1: {  	p1 =	sne.s32 s26, $0x1;
	v4 =	vld [tilespmem:s23+$0xFFFFFFE0];
	s24 =	sadd.s32 $0x1, s24  }
0xa2: {  	v5 =	vld.msk [tilespmem:s24+$0x0 ss:$0x0], $0xffff;
	_ =	sdelay $0x2  }
0xa3: {  	(v2sf) =	vpush v3, $0x0;
	_ =	sdelay $0xe  }
0xa4: {  	s28 =	spop (v2sf)  }
0xa5: {  	v3 =	vmul.f32 v4, v5;
	s28 =	sshll.u32 s28, $0x8  }
0xa6: {  	s28 =	sshra.s32 s28, $0x2  }
0xa7: {  	[tilespmem:s28+$0x9800] =	vst.add.f32.msk $0xffff, v3  }
0xa8: {  	v3 =	vld [tilespmem:s23+$0xFFFFFFF0];
	_ =	sdelay $0x4  }
0xa9: {  	v3 =	vmul.f32 v3, v5;
	_ =	sdelay $0x1  }
0xaa: {  	[tilespmem:s28+$0x9810] =	vst.add.f32.msk $0xffff, v3  }
0xab: {  	v3 =	vld [tilespmem:s23+$0x0];
	_ =	sdelay $0x4  }
0xac: {  	v3 =	vmul.f32 v3, v5;
	_ =	sdelay $0x1  }
0xad: {  	[tilespmem:s28+$0x9820] =	vst.add.f32.msk $0xffff, v3  }
0xae: {  	v3 =	vld [tilespmem:s23+$0x10];
	_ =	sdelay $0x3  }
.Ltmp13:
0xaf: {  	(pc) =	sbr.rel @p1 .LBB2_15-.Ltmp13, $3  }
0xb0: {  	v3 =	vmul.f32 v3, v5;
	_ =	sdelay $0x1  }
0xb1: {  	s25 =	sadd.s32 $0x1, s25;
	[tilespmem:s28+$0x9830] =	vst.add.f32.msk $0xffff, v3  }
0xb2: {  	s26 =	sadd.s32 $0xFFFFFFFF, s26;
	s23 =	sadd.s32 $0x80, s23;
	v3 =	vld [tilespmem:s25+$0x0]  }
.Ltmp14:
0xb3: {  	_ = 	snop;
	(pc) =	sbr.rel .LBB2_16-.Ltmp14, $1  }
0xb4: {  	_ =	sdelay $0x3  }
.LBB2_14:
.Ltmp15:
0xb5: {  	(pc) =	sbr.rel .LBB2_16-.Ltmp15, $2  }
0xb6: {  	_ =	sdelay $0x2  }
0xb7: {  	s24 =	smov.u32 s21  }
.LBB2_20:
0xb8: {  	_ =	sfence.sel $0x180000  }
0xb9: {  	[bflag:$0x0] =	sbarrier.arrive $0xFFFF  }
0xba: {  	p0 =	sne.s32 s2, $0x0;
	_ =	strace $0x90000050  }
0xbb: {  	s0 =	sadd.s32 @!p0 $0x100000, s0;
	[bflag:$0x2] =	sbarrier.arrive $0xFFFF  }
0xbc: {  	[sflag:s0] =	ssyncadd.tile.s32 @!p0 $0x1;
	_ =	shalt  }
.Lfunc_end2:
_tile_overlayer_lowered:
.L_overlay_start_2:
0xbd: {  	(tag) =	ssettag $0x2  }
0xbe: {  	s0 =	rddreg [dreg:$0x0];
	s2 =	stileid.u32  }
0xbf: {  	s1 =	rddreg [dreg:$0x1];
	p0 =	sne.s32 s2, $0x0  }
0xc0: {  	s3 =	rddreg [dreg:$0x2];
	[bflag:$0x3] =	sbarrier.arrive $0xFFFF;
	s2 =	simm.s32 @!p0 $0x1C01  }
0xc1: {  	[timem:s3], [sflag:s2] =	dma.local @!p0 [hbm:s0], s1  }
0xc2: {  	s0 =	simm.s32 @!p0 $0x1  }
0xc3: {  	_ =	swait.ge @!p0 [sflag:s0], s1  }
0xc4: {  	s1 =	ssub.s32 @!p0 $0x0, s1;
	[sflag:s0] =	ssyncset.done @!p0 $0x0  }
0xc5: {  	[sflag:s0] =	ssyncadd.s32 @!p0 s1  }
0xc6: {  	[bflag:$0x3] =	sbarrier.arrive $0xFFFF  }
0xc7: {  	_ =	shalt  }

</sc_bundles>
